<compile_context>
chip_gen: v7x
topology: tpu7x:2x2x1
jax: 0.10.2.dev20260603
libtpu: 0.0.44.dev20260713+nightly
codegen_flags: <defaults>
</compile_context>

<pallas_src>
import functools

import jax
import jax.numpy as jnp
from jax import lax
from jax.experimental import pallas as pl
from jax.experimental.pallas import tpu as pltpu
from jax.experimental.pallas import tpu_sc as plsc

N = 10000
E = 320000
EU = 160000
DIN = 128
DH = 256

NC = 2
NS = 16
LANES = 16

ROWS_BLK = 1000
HALF = DH // NC
NPAD = 10240
NPT = NPAD // NS
K = 80
JV = HALF // LANES

_MESH = plsc.VectorSubcoreMesh(core_axis_name="c", subcore_axis_name="s",
                               num_cores=NC, num_subcores=NS)
_SC_PARAMS = pltpu.CompilerParams(needs_layout_passes=False)



def _pre_matmul_body(z_ref, w_ref, b_ref, selfs_ref, gt_ref):
    x = (jnp.dot(z_ref[...], w_ref[...], preferred_element_type=jnp.float32)
         + b_ref[...])
    selfs_ref[...] = x[:, :2 * DH]
    gt_ref[0, 0] = x[:, 2 * DH:2 * DH + HALF]
    gt_ref[0, 1] = x[:, 2 * DH + HALF:3 * DH]
    gt_ref[1, 0] = x[:, 3 * DH:3 * DH + HALF]
    gt_ref[1, 1] = x[:, 3 * DH + HALF:4 * DH]


def _pre_matmul(z, wcat, bcat):
    grid = (N // ROWS_BLK,)
    return pl.pallas_call(
        _pre_matmul_body,
        grid=grid,
        in_specs=[
            pl.BlockSpec((ROWS_BLK, DIN), lambda i: (i, 0)),
            pl.BlockSpec((DIN, 4 * DH), lambda i: (0, 0)),
            pl.BlockSpec((1, 4 * DH), lambda i: (0, 0)),
        ],
        out_specs=[
            pl.BlockSpec((ROWS_BLK, 2 * DH), lambda i: (i, 0)),
            pl.BlockSpec((2, 2, ROWS_BLK, HALF), lambda i: (0, 0, i, 0)),
        ],
        out_shape=[
            jax.ShapeDtypeStruct((N, 2 * DH), jnp.float32),
            jax.ShapeDtypeStruct((2, 2, N, HALF), jnp.float32),
        ],
    )(z, wcat, bcat)


def _normalize_rows(x):
    n = jnp.sqrt(jnp.sum(x * x, axis=1, keepdims=True))
    return x / jnp.maximum(n, 1e-12)


def _post_body(z_ref, selfs_ref, ot_ref, os_ref,
               f1a_ref, f1b_ref, f1bias_ref, f2w_ref, f2bias_ref, out_ref):
    sf = selfs_ref[:, :DH]
    sf2 = selfs_ref[:, DH:]
    ot = jnp.concatenate([ot_ref[0], ot_ref[1]], axis=-1)
    os_ = jnp.concatenate([os_ref[0], os_ref[1]], axis=-1)
    r = _normalize_rows(jax.nn.relu(sf + ot))
    g = _normalize_rows(jax.nn.relu(sf2 + os_))
    h1 = jax.nn.relu(
        jnp.dot(r, f1a_ref[...], preferred_element_type=jnp.float32)
        + jnp.dot(g, f1b_ref[...], preferred_element_type=jnp.float32)
        + f1bias_ref[...]
    )
    h = jnp.dot(h1, f2w_ref[...], preferred_element_type=jnp.float32) + f2bias_ref[...]
    out_ref[...] = _normalize_rows(z_ref[...] + jax.nn.relu(h))


def _post(z, selfs, out_t2, out_s2, F1A, F1B, F1bias, F2W, F2bias):
    grid = (N // ROWS_BLK,)
    full_spec = lambda r, c: pl.BlockSpec((r, c), lambda i: (0, 0))
    return pl.pallas_call(
        _post_body,
        grid=grid,
        in_specs=[
            pl.BlockSpec((ROWS_BLK, DIN), lambda i: (i, 0)),
            pl.BlockSpec((ROWS_BLK, 2 * DH), lambda i: (i, 0)),
            pl.BlockSpec((2, ROWS_BLK, HALF), lambda i: (0, i, 0)),
            pl.BlockSpec((2, ROWS_BLK, HALF), lambda i: (0, i, 0)),
            full_spec(DH, DIN), full_spec(DH, DIN), full_spec(1, DIN),
            full_spec(DIN, DIN), full_spec(1, DIN),
        ],
        out_specs=pl.BlockSpec((ROWS_BLK, DIN), lambda i: (i, 0)),
        out_shape=jax.ShapeDtypeStruct((N, DIN), jnp.float32),
    )(z, selfs, out_t2, out_s2, F1A, F1B, F1bias, F2W, F2bias)



EPT_A = EU // NS
NCHUNK_A = EPT_A // K


@functools.partial(
    pl.kernel,
    out_type=jax.ShapeDtypeStruct((NC, NPAD, HALF), jnp.float32),
    mesh=_MESH,
    compiler_params=_SC_PARAMS,
    scratch_types=[
        pltpu.VMEM_SHARED((NPAD, HALF), jnp.float32),
        pltpu.VMEM((3, K), jnp.int32),
        pltpu.VMEM((3, K), jnp.int32),
        pltpu.VMEM((2, K, HALF), jnp.float32),
        pltpu.VMEM((2, K, HALF), jnp.float32),
        pltpu.SemaphoreType.DMA((3,)),
        pltpu.SemaphoreType.DMA((2,)),
        pltpu.SemaphoreType.DMA((2,)),
        pltpu.SemaphoreType.DMA((2,)),
        pltpu.SemaphoreType.DMA((2,)),
    ],
)
def _sc_temporal(src_hbm, dst_hbm, zwt_hbm, tf_hbm, zeros_hbm, out_hbm,
                 acc, sbuf, dbuf, rows, tfb, isem, gsem, tsem, ssem, tssem):
    c = lax.axis_index("c")
    s = lax.axis_index("s")

    pltpu.sync_copy(zeros_hbm, acc.at[pl.ds(s * NPT, NPT)])
    plsc.subcore_barrier()

    def idx_descs(k, b3):
        base = s * EPT_A + k * K
        return (
            pltpu.make_async_copy(src_hbm.at[pl.ds(base, K)], sbuf.at[b3],
                                  isem.at[b3]),
            pltpu.make_async_copy(dst_hbm.at[pl.ds(base, K)], dbuf.at[b3],
                                  isem.at[b3]),
        )

    def issue_idx(k):
        for d in idx_descs(k, lax.rem(k, 3)):
            d.start()

    def wait_idx(k):
        for d in idx_descs(k, lax.rem(k, 3)):
            d.wait()

    def gather_desc(k):
        b2 = lax.rem(k, 2)
        b3 = lax.rem(k, 3)
        return pltpu.make_async_copy(
            zwt_hbm.at[0].at[c].at[sbuf.at[b3]], rows.at[b2], gsem.at[b2])

    def tf_desc(k):
        b2 = lax.rem(k, 2)
        base = s * EPT_A + k * K
        return pltpu.make_async_copy(
            tf_hbm.at[pl.ds(base, K), pl.ds(c * HALF, HALF)],
            tfb.at[b2], tsem.at[b2])

    def scat_desc(k):
        b2 = lax.rem(k, 2)
        b3 = lax.rem(k, 3)
        return pltpu.make_async_copy(
            rows.at[b2], acc.at[dbuf.at[b3]], ssem.at[b2])

    def scat_tf_desc(k):
        b2 = lax.rem(k, 2)
        b3 = lax.rem(k, 3)
        return pltpu.make_async_copy(
            tfb.at[b2], acc.at[dbuf.at[b3]], tssem.at[b2])

    issue_idx(0)
    wait_idx(0)
    gather_desc(0).start()
    tf_desc(0).start()
    issue_idx(1)

    def chunk(k, carry):
        b2 = lax.rem(k, 2)

        @pl.when(k >= 1)
        def _drain_scatter():
            scat_desc(k - 1).wait()
            scat_tf_desc(k - 1).wait()

        @pl.when(k + 1 < NCHUNK_A)
        def _next_streams():
            wait_idx(k + 1)
            gather_desc(k + 1).start()
            tf_desc(k + 1).start()

        @pl.when(k + 2 < NCHUNK_A)
        def _next_idx():
            issue_idx(k + 2)

        gather_desc(k).wait()
        scat_desc(k).start(add=True)
        tf_desc(k).wait()
        scat_tf_desc(k).start(add=True)
        return carry

    lax.fori_loop(0, NCHUNK_A, chunk, 0)
    scat_desc(NCHUNK_A - 1).wait()
    scat_tf_desc(NCHUNK_A - 1).wait()
    plsc.subcore_barrier()
    pltpu.sync_copy(acc.at[pl.ds(s * NPT, NPT)],
                    out_hbm.at[c].at[pl.ds(s * NPT, NPT)])



KB = 128
NCHUNK_TOT = E // KB
BASE_B = NCHUNK_TOT // NS
EXTRA_B = NCHUNK_TOT - BASE_B * NS


@functools.partial(
    pl.kernel,
    out_type=jax.ShapeDtypeStruct((NC, NPAD, HALF), jnp.float32),
    mesh=_MESH,
    compiler_params=_SC_PARAMS,
    scratch_types=[
        pltpu.VMEM_SHARED((NPAD, HALF), jnp.float32),
        pltpu.VMEM_SHARED((NPAD,), jnp.float32),
        pltpu.VMEM((NPAD,), jnp.float32),
        pltpu.VMEM((3, KB), jnp.int32),
        pltpu.VMEM((3, KB), jnp.int32),
        pltpu.VMEM((3, KB), jnp.float32),
        pltpu.VMEM((2, KB, HALF), jnp.float32),
        pltpu.SemaphoreType.DMA((3,)),
        pltpu.SemaphoreType.DMA((2,)),
        pltpu.SemaphoreType.DMA,
        pltpu.SemaphoreType.DMA((2,)),
    ],
)
def _sc_structural(row_hbm, col_hbm, td_hbm, zwn_hbm, zeros_hbm, zcol_hbm,
                   out_hbm, acc, tds, tdl, rbuf, cbuf, tbuf, rows,
                   isem, gsem, psem, ssem):
    c = lax.axis_index("c")
    s = lax.axis_index("s")
    nck = BASE_B + jnp.where(s < EXTRA_B, 1, 0)
    tbase = s * (BASE_B * KB) + jnp.minimum(s, EXTRA_B) * KB

    pltpu.sync_copy(zeros_hbm, acc.at[pl.ds(s * NPT, NPT)])
    pltpu.sync_copy(zcol_hbm, tds.at[pl.ds(s * NPT, NPT)])
    plsc.subcore_barrier()

    def idx1_descs(k, b3):
        base = tbase + k * KB
        return (
            pltpu.make_async_copy(row_hbm.at[pl.ds(base, KB)], rbuf.at[b3],
                                  isem.at[b3]),
            pltpu.make_async_copy(td_hbm.at[pl.ds(base, KB)], tbuf.at[b3],
                                  isem.at[b3]),
        )

    def issue_idx1(k):
        for d in idx1_descs(k, lax.rem(k, 3)):
            d.start()

    def wait_idx1(k):
        for d in idx1_descs(k, lax.rem(k, 3)):
            d.wait()

    def p1scat_desc(k):
        b3 = lax.rem(k, 3)
        return pltpu.make_async_copy(tbuf.at[b3], tds.at[rbuf.at[b3]], psem)

    issue_idx1(0)
    issue_idx1(1)

    def p1(k, carry):
        wait_idx1(k)
        p1scat_desc(k).start(add=True)

        @pl.when(k >= 1)
        def _drain_prev():
            p1scat_desc(k - 1).wait()

        @pl.when(k + 2 < nck)
        def _next_idx():
            issue_idx1(k + 2)

        return carry

    lax.fori_loop(0, nck, p1, 0)
    p1scat_desc(nck - 1).wait()
    plsc.subcore_barrier()

    pltpu.sync_copy(tds, tdl)

    def fix(i, carry):
        sl = pl.ds(i * LANES, LANES)
        v = tdl[sl]
        tdl[sl] = jnp.where(v == 0.0, 1.0, v)
        return carry

    lax.fori_loop(0, NPAD // LANES, fix, 0)

    def idx3_descs(k, b3):
        base = tbase + k * KB
        return (
            pltpu.make_async_copy(row_hbm.at[pl.ds(base, KB)], rbuf.at[b3],
                                  isem.at[b3]),
            pltpu.make_async_copy(col_hbm.at[pl.ds(base, KB)], cbuf.at[b3],
                                  isem.at[b3]),
            pltpu.make_async_copy(td_hbm.at[pl.ds(base, KB)], tbuf.at[b3],
                                  isem.at[b3]),
        )

    def issue_idx3(k):
        for d in idx3_descs(k, lax.rem(k, 3)):
            d.start()

    def wait_idx3(k):
        for d in idx3_descs(k, lax.rem(k, 3)):
            d.wait()

    def gather_desc(k):
        b2 = lax.rem(k, 2)
        b3 = lax.rem(k, 3)
        return pltpu.make_async_copy(
            zwn_hbm.at[1].at[c].at[rbuf.at[b3]], rows.at[b2], gsem.at[b2])

    def scat_desc(k):
        b2 = lax.rem(k, 2)
        b3 = lax.rem(k, 3)
        return pltpu.make_async_copy(
            rows.at[b2], acc.at[cbuf.at[b3]], ssem.at[b2])

    issue_idx3(0)
    wait_idx3(0)
    gather_desc(0).start()
    issue_idx3(1)

    def chunk3(k, carry):
        b3 = lax.rem(k, 3)

        @pl.when(k >= 1)
        def _drain_scatter():
            scat_desc(k - 1).wait()

        @pl.when(k + 1 < nck)
        def _next_gather():
            wait_idx3(k + 1)
            gather_desc(k + 1).start()

        @pl.when(k + 2 < nck)
        def _next_idx():
            issue_idx3(k + 2)

        @plsc.parallel_loop(0, KB // LANES, unroll=8)
        def relw(j):
            sl = pl.ds(j * LANES, LANES)
            den = plsc.load_gather(tdl, [rbuf[b3, sl]])
            tbuf[b3, sl] = tbuf[b3, sl] / den
        gather_desc(k).wait()
        b2 = lax.rem(k, 2)

        @plsc.parallel_loop(0, KB, unroll=8)
        def scale(e):
            w = plsc.load_gather(
                tbuf, [jnp.full((LANES,), b3, jnp.int32),
                       jnp.full((LANES,), e, jnp.int32)])
            for j in range(JV):
                sl = pl.ds(j * LANES, LANES)
                rows[b2, e, sl] = rows[b2, e, sl] * w
        scat_desc(k).start(add=True)
        return carry

    lax.fori_loop(0, nck, chunk3, 0)
    scat_desc(nck - 1).wait()
    plsc.subcore_barrier()
    pltpu.sync_copy(acc.at[pl.ds(s * NPT, NPT)],
                    out_hbm.at[c].at[pl.ds(s * NPT, NPT)])



def kernel(z, edge_index, temporal_features, time_diffs, unique_edges,
           WS1, bS1, WT, bT, WS2, bS2, WN, bN, F1W, F1b, F2W, F2b):
    wcat = jnp.concatenate([WS1, WS2, WT, WN], axis=1)
    bcat = jnp.concatenate([bS1, bS2, bT, bN]).reshape(1, 4 * DH)
    selfs, gt = _pre_matmul(z, wcat, bcat)

    zeros = jnp.zeros((NPT, HALF), jnp.float32)
    zcol = jnp.zeros((NPT,), jnp.float32)

    out_t2 = _sc_temporal(unique_edges[0], unique_edges[1], gt,
                          temporal_features, zeros)

    td = time_diffs.astype(jnp.float32)
    out_s2 = _sc_structural(edge_index[0], edge_index[1], td, gt,
                            zeros, zcol)

    F1A = F1W[:DH]
    F1B = F1W[DH:]
    return _post(z, selfs, out_t2, out_s2,
                 F1A, F1B, F1b.reshape(1, DIN), F2W, F2b.reshape(1, DIN))

# --- scband reference (transcript-rebuilt; emitter-appended) ---
"""Pipeline reference for scband-layer-set-12068858102028 (READ-ONLY COPY).

The authoritative reference and input builder live on the scoring server;
editing this copy changes nothing except your own understanding.
"""

import jax, jax.numpy as jnp
import numpy as np

N = 10000
E = 320000
EU = 160000
DIN = 128
DH = 256


def _normalize(x):
    n = jnp.linalg.norm(x, axis=1, keepdims=True)
    return x / jnp.maximum(n, 1e-12)


def setup_inputs(seed: int = 0) -> dict:
    key = jax.random.key(seed)
    ks = jax.random.split(key, 20)
    z = jax.random.normal(ks[0], (N, DIN), dtype=jnp.float32)
    edge_index = jax.random.randint(ks[1], (2, E), 0, N, dtype=jnp.int32)
    temporal_features = jax.random.normal(ks[2], (EU, DH), dtype=jnp.float32)
    time_diffs = jax.random.uniform(ks[3], (E,), dtype=jnp.float32)
    unique_edges = jax.random.randint(ks[4], (2, EU), 0, N, dtype=jnp.int32)
    # TemporalMessagePassingLayer params (W_S, W_T), stored as [in, out]
    WS1 = jax.random.normal(ks[5], (DIN, DH), jnp.float32) / np.sqrt(DIN)
    bS1 = jnp.zeros((DH,), jnp.float32)
    WT = jax.random.normal(ks[6], (DIN, DH), jnp.float32) / np.sqrt(DIN)
    bT = jnp.zeros((DH,), jnp.float32)
    # StructuralFeatureLayer params (W_S, W_N)
    WS2 = jax.random.normal(ks[7], (DIN, DH), jnp.float32) / np.sqrt(DIN)
    bS2 = jnp.zeros((DH,), jnp.float32)
    WN = jax.random.normal(ks[8], (DIN, DH), jnp.float32) / np.sqrt(DIN)
    bN = jnp.zeros((DH,), jnp.float32)
    # FeatureFusionLayer ffn: Linear(2*DH, DIN), ReLU, Linear(DIN, DIN)
    F1W = jax.random.normal(ks[9], (2 * DH, DIN), jnp.float32) / np.sqrt(2 * DH)
    F1b = jnp.zeros((DIN,), jnp.float32)
    F2W = jax.random.normal(ks[10], (DIN, DIN), jnp.float32) / np.sqrt(DIN)
    F2b = jnp.zeros((DIN,), jnp.float32)
    return {
        "z": z, "edge_index": edge_index, "temporal_features": temporal_features,
        "time_diffs": time_diffs, "unique_edges": unique_edges,
        "WS1": WS1, "bS1": bS1, "WT": WT, "bT": bT,
        "WS2": WS2, "bS2": bS2, "WN": WN, "bN": bN,
        "F1W": F1W, "F1b": F1b, "F2W": F2W, "F2b": F2b,
    }


def reference(z, edge_index, temporal_features, time_diffs, unique_edges,
              WS1, bS1, WT, bT, WS2, bS2, WN, bN, F1W, F1b, F2W, F2b):
    # --- TemporalMessagePassingLayer (aggr='add') on unique_edges ---
    self_f = z @ WS1 + bS1
    src_u = unique_edges[0]
    dst_u = unique_edges[1]
    msg_t = (z[src_u] @ WT + bT) + temporal_features
    out_t = jax.ops.segment_sum(msg_t, dst_u, num_segments=N)
    r_u = _normalize(jax.nn.relu(self_f + out_t))

    # --- StructuralFeatureLayer (aggr='add') on edge_index ---
    self_f2 = z @ WS2 + bS2
    row = edge_index[0]
    col = edge_index[1]
    td = time_diffs.astype(jnp.float32)
    td_sum = jax.ops.segment_sum(td, row, num_segments=N)
    td_sum = jnp.where(td_sum == 0, jnp.float32(1.0), td_sum)
    rel_w = td / td_sum[row]
    msg_s = (z[row] @ WN + bN) * rel_w[:, None]
    out_s = jax.ops.segment_sum(msg_s, col, num_segments=N)
    gamma_u = _normalize(jax.nn.relu(self_f2 + out_s))

    # --- FeatureFusionLayer ---
    combined = jnp.concatenate([r_u, gamma_u], axis=1)
    h = jax.nn.relu(combined @ F1W + F1b) @ F2W + F2b
    z_new = z + jax.nn.relu(h)
    return _normalize(z_new)

if __name__ == "__main__":
    import jax
    _d = setup_inputs()
    print(jax.jit(kernel)(*tuple(_d.values())))

</pallas_src>

<mosaic_0001>
#map = affine_map<(d0, d1) -> (0)>
#map1 = affine_map<(d0, d1) -> (0, 0, 0, 0)>
#map2 = affine_map<(d0, d1) -> (0, 0)>
#map3 = affine_map<(d0, d1) -> (0, 0, 0)>
module attributes {stable_mosaic.version = 14 : i64} {
  func.func @_sc_temporal(%arg0: i32, %arg1: i32, %arg2: memref<160000xi32, #tpu.memory_space<hbm>>, %arg3: memref<160000xi32, #tpu.memory_space<hbm>>, %arg4: memref<2x2x10000x128xf32, #tpu.memory_space<hbm>>, %arg5: memref<160000x256xf32, #tpu.memory_space<hbm>>, %arg6: memref<640x128xf32, #tpu.memory_space<hbm>>, %arg7: memref<2x10240x128xf32, #tpu.memory_space<hbm>>, %arg8: memref<10240x128xf32, #tpu.memory_space<vmem_shared>>, %arg9: memref<3x80xi32, #tpu.memory_space<vmem>>, %arg10: memref<3x80xi32, #tpu.memory_space<vmem>>, %arg11: memref<2x80x128xf32, #tpu.memory_space<vmem>>, %arg12: memref<2x80x128xf32, #tpu.memory_space<vmem>>, %arg13: memref<3x!tpu.dma_semaphore, #tpu.memory_space<semaphore_mem>>, %arg14: memref<2x!tpu.dma_semaphore, #tpu.memory_space<semaphore_mem>>, %arg15: memref<2x!tpu.dma_semaphore, #tpu.memory_space<semaphore_mem>>, %arg16: memref<2x!tpu.dma_semaphore, #tpu.memory_space<semaphore_mem>>, %arg17: memref<2x!tpu.dma_semaphore, #tpu.memory_space<semaphore_mem>>) attributes {dimension_semantics = [#tpu.dimension_semantics<core_parallel>, #tpu.dimension_semantics<subcore_parallel>], iteration_bounds = array<i64: 2, 16>, scalar_prefetch = 0 : i64, scratch_operands = 10 : i64, tpu.core_type = #tpu.core_type<sc_vector_subcore>, window_params = [{transform_indices = #map}, {transform_indices = #map}, {transform_indices = #map1}, {transform_indices = #map2}, {transform_indices = #map2}, {transform_indices = #map3}]} {
    %mul3A = arith.constant 640 : i32
    %mul3A_0 = arith.muli %arg1, %mul3A : i32
    "tpu.region"() ({
      %run_scoped3A = tpu.sem_alloc : memref<!tpu.dma_semaphore, #tpu.memory_space<semaphore_mem>>
      %dma_start3A_173 = arith.constant 0 : i32
      %dma_start3A_174 = tpu.memref_slice %arg8[%mul3A_0, %dma_start3A_173] : memref<10240x128xf32, #tpu.memory_space<vmem_shared>> -> memref<640x128xf32, #tpu.memory_space<vmem_shared>>
      tpu.enqueue_dma source(%arg6 : memref<640x128xf32, #tpu.memory_space<hbm>>) target(%dma_start3A_174 : memref<640x128xf32, #tpu.memory_space<vmem_shared>>) target_semaphore(%run_scoped3A : memref<!tpu.dma_semaphore, #tpu.memory_space<semaphore_mem>>)
      %dma_wait3A_175 = arith.constant 0 : i32
      %dma_wait3A_176 = tpu.memref_slice %arg8[%mul3A_0, %dma_wait3A_175] : memref<10240x128xf32, #tpu.memory_space<vmem_shared>> -> memref<640x128xf32, #tpu.memory_space<vmem_shared>>
      tpu.wait_dma2 semaphore(%run_scoped3A : memref<!tpu.dma_semaphore, #tpu.memory_space<semaphore_mem>>) src(%arg6 : memref<640x128xf32, #tpu.memory_space<hbm>>) dst(%dma_wait3A_176 : memref<640x128xf32, #tpu.memory_space<vmem_shared>>)
      tpu.yield
    }) : () -> ()
    %barrier3A = arith.constant 0 : index
    tpu.barrier barrier_id(%barrier3A)
    %rem3A = arith.constant 0 : i32
    %rem3A_1 = arith.constant 3 : i32
    %rem3A_2 = arith.remsi %rem3A, %rem3A_1 : i32
    %mul3A_3 = arith.constant 10000 : i32
    %mul3A_4 = arith.muli %arg1, %mul3A_3 : i32
    %add3A = arith.constant 0 : i32
    %add3A_5 = arith.addi %mul3A_4, %add3A : i32
    %dma_start3A = arith.constant 0 : i32
    %dma_start3A_6 = tpu.memref_slice %arg9[%rem3A_2, %dma_start3A] : memref<3x80xi32, #tpu.memory_space<vmem>> -> memref<1x80xi32, #tpu.memory_space<vmem>>
    %dma_start3A_7 = tpu.memref_squeeze %dma_start3A_6 : memref<1x80xi32, #tpu.memory_space<vmem>> -> memref<80xi32, #tpu.memory_space<vmem>>
    %dma_start3A_8 = tpu.memref_slice %arg2[%add3A_5] : memref<160000xi32, #tpu.memory_space<hbm>> -> memref<80xi32, #tpu.memory_space<hbm>>
    %dma_start3A_9 = tpu.memref_slice %arg13[%rem3A_2] : memref<3x!tpu.dma_semaphore, #tpu.memory_space<semaphore_mem>> -> memref<1x!tpu.dma_semaphore, #tpu.memory_space<semaphore_mem>>
    %dma_start3A_10 = tpu.memref_squeeze %dma_start3A_9 : memref<1x!tpu.dma_semaphore, #tpu.memory_space<semaphore_mem>> -> memref<!tpu.dma_semaphore, #tpu.memory_space<semaphore_mem>>
    %dma_start3A_11 = arith.constant 0 : i32
    %dma_start3A_12 = tpu.memref_slice %arg9[%rem3A_2, %dma_start3A_11] : memref<3x80xi32, #tpu.memory_space<vmem>> -> memref<1x80xi32, #tpu.memory_space<vmem>>
    %dma_start3A_13 = tpu.memref_squeeze %dma_start3A_12 : memref<1x80xi32, #tpu.memory_space<vmem>> -> memref<80xi32, #tpu.memory_space<vmem>>
    %dma_start3A_14 = tpu.memref_slice %arg2[%add3A_5] : memref<160000xi32, #tpu.memory_space<hbm>> -> memref<80xi32, #tpu.memory_space<hbm>>
    tpu.enqueue_dma source(%dma_start3A_14 : memref<80xi32, #tpu.memory_space<hbm>>) target(%dma_start3A_13 : memref<80xi32, #tpu.memory_space<vmem>>) target_semaphore(%dma_start3A_10 : memref<!tpu.dma_semaphore, #tpu.memory_space<semaphore_mem>>)
    %dma_start3A_15 = arith.constant 0 : i32
    %dma_start3A_16 = tpu.memref_slice %arg10[%rem3A_2, %dma_start3A_15] : memref<3x80xi32, #tpu.memory_space<vmem>> -> memref<1x80xi32, #tpu.memory_space<vmem>>
    %dma_start3A_17 = tpu.memref_squeeze %dma_start3A_16 : memref<1x80xi32, #tpu.memory_space<vmem>> -> memref<80xi32, #tpu.memory_space<vmem>>
    %dma_start3A_18 = tpu.memref_slice %arg3[%add3A_5] : memref<160000xi32, #tpu.memory_space<hbm>> -> memref<80xi32, #tpu.memory_space<hbm>>
    %dma_start3A_19 = tpu.memref_slice %arg13[%rem3A_2] : memref<3x!tpu.dma_semaphore, #tpu.memory_space<semaphore_mem>> -> memref<1x!tpu.dma_semaphore, #tpu.memory_space<semaphore_mem>>
    %dma_start3A_20 = tpu.memref_squeeze %dma_start3A_19 : memref<1x!tpu.dma_semaphore, #tpu.memory_space<semaphore_mem>> -> memref<!tpu.dma_semaphore, #tpu.memory_space<semaphore_mem>>
    %dma_start3A_21 = arith.constant 0 : i32
    %dma_start3A_22 = tpu.memref_slice %arg10[%rem3A_2, %dma_start3A_21] : memref<3x80xi32, #tpu.memory_space<vmem>> -> memref<1x80xi32, #tpu.memory_space<vmem>>
    %dma_start3A_23 = tpu.memref_squeeze %dma_start3A_22 : memref<1x80xi32, #tpu.memory_space<vmem>> -> memref<80xi32, #tpu.memory_space<vmem>>
    %dma_start3A_24 = tpu.memref_slice %arg3[%add3A_5] : memref<160000xi32, #tpu.memory_space<hbm>> -> memref<80xi32, #tpu.memory_space<hbm>>
    tpu.enqueue_dma source(%dma_start3A_24 : memref<80xi32, #tpu.memory_space<hbm>>) target(%dma_start3A_23 : memref<80xi32, #tpu.memory_space<vmem>>) target_semaphore(%dma_start3A_20 : memref<!tpu.dma_semaphore, #tpu.memory_space<semaphore_mem>>)
    %rem3A_25 = arith.constant 0 : i32
    %rem3A_26 = arith.constant 3 : i32
    %rem3A_27 = arith.remsi %rem3A_25, %rem3A_26 : i32
    %mul3A_28 = arith.constant 10000 : i32
    %mul3A_29 = arith.muli %arg1, %mul3A_28 : i32
    %add3A_30 = arith.constant 0 : i32
    %add3A_31 = arith.addi %mul3A_29, %add3A_30 : i32
    %dma_wait3A = arith.constant 0 : i32
    %dma_wait3A_32 = tpu.memref_slice %arg9[%rem3A_27, %dma_wait3A] : memref<3x80xi32, #tpu.memory_space<vmem>> -> memref<1x80xi32, #tpu.memory_space<vmem>>
    %dma_wait3A_33 = tpu.memref_squeeze %dma_wait3A_32 : memref<1x80xi32, #tpu.memory_space<vmem>> -> memref<80xi32, #tpu.memory_space<vmem>>
    %dma_wait3A_34 = tpu.memref_slice %arg2[%add3A_31] : memref<160000xi32, #tpu.memory_space<hbm>> -> memref<80xi32, #tpu.memory_space<hbm>>
    %dma_wait3A_35 = tpu.memref_slice %arg13[%rem3A_27] : memref<3x!tpu.dma_semaphore, #tpu.memory_space<semaphore_mem>> -> memref<1x!tpu.dma_semaphore, #tpu.memory_space<semaphore_mem>>
    %dma_wait3A_36 = tpu.memref_squeeze %dma_wait3A_35 : memref<1x!tpu.dma_semaphore, #tpu.memory_space<semaphore_mem>> -> memref<!tpu.dma_semaphore, #tpu.memory_space<semaphore_mem>>
    %dma_wait3A_37 = arith.constant 0 : i32
    %dma_wait3A_38 = tpu.memref_slice %arg9[%rem3A_27, %dma_wait3A_37] : memref<3x80xi32, #tpu.memory_space<vmem>> -> memref<1x80xi32, #tpu.memory_space<vmem>>
    %dma_wait3A_39 = tpu.memref_squeeze %dma_wait3A_38 : memref<1x80xi32, #tpu.memory_space<vmem>> -> memref<80xi32, #tpu.memory_space<vmem>>
    %dma_wait3A_40 = tpu.memref_slice %arg2[%add3A_31] : memref<160000xi32, #tpu.memory_space<hbm>> -> memref<80xi32, #tpu.memory_space<hbm>>
    tpu.wait_dma2 semaphore(%dma_wait3A_36 : memref<!tpu.dma_semaphore, #tpu.memory_space<semaphore_mem>>) src(%dma_wait3A_40 : memref<80xi32, #tpu.memory_space<hbm>>) dst(%dma_wait3A_39 : memref<80xi32, #tpu.memory_space<vmem>>)
    %dma_wait3A_41 = arith.constant 0 : i32
    %dma_wait3A_42 = tpu.memref_slice %arg10[%rem3A_27, %dma_wait3A_41] : memref<3x80xi32, #tpu.memory_space<vmem>> -> memref<1x80xi32, #tpu.memory_space<vmem>>
    %dma_wait3A_43 = tpu.memref_squeeze %dma_wait3A_42 : memref<1x80xi32, #tpu.memory_space<vmem>> -> memref<80xi32, #tpu.memory_space<vmem>>
    %dma_wait3A_44 = tpu.memref_slice %arg3[%add3A_31] : memref<160000xi32, #tpu.memory_space<hbm>> -> memref<80xi32, #tpu.memory_space<hbm>>
    %dma_wait3A_45 = tpu.memref_slice %arg13[%rem3A_27] : memref<3x!tpu.dma_semaphore, #tpu.memory_space<semaphore_mem>> -> memref<1x!tpu.dma_semaphore, #tpu.memory_space<semaphore_mem>>
    %dma_wait3A_46 = tpu.memref_squeeze %dma_wait3A_45 : memref<1x!tpu.dma_semaphore, #tpu.memory_space<semaphore_mem>> -> memref<!tpu.dma_semaphore, #tpu.memory_space<semaphore_mem>>
    %dma_wait3A_47 = arith.constant 0 : i32
    %dma_wait3A_48 = tpu.memref_slice %arg10[%rem3A_27, %dma_wait3A_47] : memref<3x80xi32, #tpu.memory_space<vmem>> -> memref<1x80xi32, #tpu.memory_space<vmem>>
    %dma_wait3A_49 = tpu.memref_squeeze %dma_wait3A_48 : memref<1x80xi32, #tpu.memory_space<vmem>> -> memref<80xi32, #tpu.memory_space<vmem>>
    %dma_wait3A_50 = tpu.memref_slice %arg3[%add3A_31] : memref<160000xi32, #tpu.memory_space<hbm>> -> memref<80xi32, #tpu.memory_space<hbm>>
    tpu.wait_dma2 semaphore(%dma_wait3A_46 : memref<!tpu.dma_semaphore, #tpu.memory_space<semaphore_mem>>) src(%dma_wait3A_50 : memref<80xi32, #tpu.memory_space<hbm>>) dst(%dma_wait3A_49 : memref<80xi32, #tpu.memory_space<vmem>>)
    %rem3A_51 = arith.constant 0 : i32
    %rem3A_52 = arith.constant 2 : i32
    %rem3A_53 = arith.remsi %rem3A_51, %rem3A_52 : i32
    %rem3A_54 = arith.constant 0 : i32
    %rem3A_55 = arith.constant 3 : i32
    %rem3A_56 = arith.remsi %rem3A_54, %rem3A_55 : i32
    %dma_start3A_57 = arith.constant 0 : i32
    %dma_start3A_58 = arith.constant 0 : i32
    %dma_start3A_59 = arith.constant 0 : i32
    %dma_start3A_60 = tpu.memref_slice %arg11[%rem3A_53, %dma_start3A_58, %dma_start3A_59] : memref<2x80x128xf32, #tpu.memory_space<vmem>> -> memref<1x80x128xf32, #tpu.memory_space<vmem>>
    %dma_start3A_61 = tpu.memref_squeeze %dma_start3A_60 : memref<1x80x128xf32, #tpu.memory_space<vmem>> -> memref<80x128xf32, #tpu.memory_space<vmem>>
    %dma_start3A_62 = arith.constant 0 : i32
    %dma_start3A_63 = tpu.memref_slice %arg9[%rem3A_56, %dma_start3A_62] : memref<3x80xi32, #tpu.memory_space<vmem>> -> memref<1x80xi32, #tpu.memory_space<vmem>>
    %dma_start3A_64 = tpu.memref_squeeze %dma_start3A_63 : memref<1x80xi32, #tpu.memory_space<vmem>> -> memref<80xi32, #tpu.memory_space<vmem>>
    %dma_start3A_65 = arith.constant 0 : i32
    %dma_start3A_66 = arith.constant 0 : i32
    %dma_start3A_67 = arith.constant 0 : i32
    %dma_start3A_68 = tpu.memref_slice %arg4[%dma_start3A_57, %dma_start3A_65, %dma_start3A_66, %dma_start3A_67] : memref<2x2x10000x128xf32, #tpu.memory_space<hbm>> -> memref<1x2x10000x128xf32, #tpu.memory_space<hbm>>
    %dma_start3A_69 = tpu.memref_squeeze %dma_start3A_68 : memref<1x2x10000x128xf32, #tpu.memory_space<hbm>> -> memref<2x10000x128xf32, #tpu.memory_space<hbm>>
    %dma_start3A_70 = arith.constant 0 : i32
    %dma_start3A_71 = arith.constant 0 : i32
    %dma_start3A_72 = tpu.memref_slice %dma_start3A_69[%arg0, %dma_start3A_70, %dma_start3A_71] : memref<2x10000x128xf32, #tpu.memory_space<hbm>> -> memref<1x10000x128xf32, #tpu.memory_space<hbm>>
    %dma_start3A_73 = tpu.memref_squeeze %dma_start3A_72 : memref<1x10000x128xf32, #tpu.memory_space<hbm>> -> memref<10000x128xf32, #tpu.memory_space<hbm>>
    %dma_start3A_74 = arith.constant 0 : i32
    %dma_start3A_75 = arith.constant 0 : i32
    %dma_start3A_76 = tpu.memref_slice %dma_start3A_73[%dma_start3A_74, %dma_start3A_75] : memref<10000x128xf32, #tpu.memory_space<hbm>> -> memref<10000x128xf32, #tpu.memory_space<hbm>>
    %dma_start3A_77 = tpu.memref_slice %arg14[%rem3A_53] : memref<2x!tpu.dma_semaphore, #tpu.memory_space<semaphore_mem>> -> memref<1x!tpu.dma_semaphore, #tpu.memory_space<semaphore_mem>>
    %dma_start3A_78 = tpu.memref_squeeze %dma_start3A_77 : memref<1x!tpu.dma_semaphore, #tpu.memory_space<semaphore_mem>> -> memref<!tpu.dma_semaphore, #tpu.memory_space<semaphore_mem>>
    tpu.enqueue_indirect_dma source(%dma_start3A_76 : memref<10000x128xf32, #tpu.memory_space<hbm>>) target(%dma_start3A_61 : memref<80x128xf32, #tpu.memory_space<vmem>>) offsets(%dma_start3A_64 : memref<80xi32, #tpu.memory_space<vmem>>) semaphore(%dma_start3A_78 : memref<!tpu.dma_semaphore, #tpu.memory_space<semaphore_mem>>)
    %rem3A_79 = arith.constant 0 : i32
    %rem3A_80 = arith.constant 2 : i32
    %rem3A_81 = arith.remsi %rem3A_79, %rem3A_80 : i32
    %mul3A_82 = arith.constant 10000 : i32
    %mul3A_83 = arith.muli %arg1, %mul3A_82 : i32
    %add3A_84 = arith.constant 0 : i32
    %add3A_85 = arith.addi %mul3A_83, %add3A_84 : i32
    %mul3A_86 = arith.constant 128 : i32
    %mul3A_87 = arith.muli %arg0, %mul3A_86 : i32
    %dma_start3A_88 = arith.constant 0 : i32
    %dma_start3A_89 = arith.constant 0 : i32
    %dma_start3A_90 = tpu.memref_slice %arg12[%rem3A_81, %dma_start3A_88, %dma_start3A_89] : memref<2x80x128xf32, #tpu.memory_space<vmem>> -> memref<1x80x128xf32, #tpu.memory_space<vmem>>
    %dma_start3A_91 = tpu.memref_squeeze %dma_start3A_90 : memref<1x80x128xf32, #tpu.memory_space<vmem>> -> memref<80x128xf32, #tpu.memory_space<vmem>>
    %dma_start3A_92 = tpu.memref_slice %arg5[%add3A_85, %mul3A_87] : memref<160000x256xf32, #tpu.memory_space<hbm>> -> memref<80x128xf32, #tpu.memory_space<hbm>>
    %dma_start3A_93 = tpu.memref_slice %arg15[%rem3A_81] : memref<2x!tpu.dma_semaphore, #tpu.memory_space<semaphore_mem>> -> memref<1x!tpu.dma_semaphore, #tpu.memory_space<semaphore_mem>>
    %dma_start3A_94 = tpu.memref_squeeze %dma_start3A_93 : memref<1x!tpu.dma_semaphore, #tpu.memory_space<semaphore_mem>> -> memref<!tpu.dma_semaphore, #tpu.memory_space<semaphore_mem>>
    %dma_start3A_95 = arith.constant 0 : i32
    %dma_start3A_96 = arith.constant 0 : i32
    %dma_start3A_97 = tpu.memref_slice %arg12[%rem3A_81, %dma_start3A_95, %dma_start3A_96] : memref<2x80x128xf32, #tpu.memory_space<vmem>> -> memref<1x80x128xf32, #tpu.memory_space<vmem>>
    %dma_start3A_98 = tpu.memref_squeeze %dma_start3A_97 : memref<1x80x128xf32, #tpu.memory_space<vmem>> -> memref<80x128xf32, #tpu.memory_space<vmem>>
    %dma_start3A_99 = tpu.memref_slice %arg5[%add3A_85, %mul3A_87] : memref<160000x256xf32, #tpu.memory_space<hbm>> -> memref<80x128xf32, #tpu.memory_space<hbm>>
    tpu.enqueue_dma source(%dma_start3A_99 : memref<80x128xf32, #tpu.memory_space<hbm>>) target(%dma_start3A_98 : memref<80x128xf32, #tpu.memory_space<vmem>>) target_semaphore(%dma_start3A_94 : memref<!tpu.dma_semaphore, #tpu.memory_space<semaphore_mem>>)
    %rem3A_100 = arith.constant 1 : i32
    %rem3A_101 = arith.constant 3 : i32
    %rem3A_102 = arith.remsi %rem3A_100, %rem3A_101 : i32
    %mul3A_103 = arith.constant 10000 : i32
    %mul3A_104 = arith.muli %arg1, %mul3A_103 : i32
    %add3A_105 = arith.constant 80 : i32
    %add3A_106 = arith.addi %mul3A_104, %add3A_105 : i32
    %dma_start3A_107 = arith.constant 0 : i32
    %dma_start3A_108 = tpu.memref_slice %arg9[%rem3A_102, %dma_start3A_107] : memref<3x80xi32, #tpu.memory_space<vmem>> -> memref<1x80xi32, #tpu.memory_space<vmem>>
    %dma_start3A_109 = tpu.memref_squeeze %dma_start3A_108 : memref<1x80xi32, #tpu.memory_space<vmem>> -> memref<80xi32, #tpu.memory_space<vmem>>
    %dma_start3A_110 = tpu.memref_slice %arg2[%add3A_106] : memref<160000xi32, #tpu.memory_space<hbm>> -> memref<80xi32, #tpu.memory_space<hbm>>
    %dma_start3A_111 = tpu.memref_slice %arg13[%rem3A_102] : memref<3x!tpu.dma_semaphore, #tpu.memory_space<semaphore_mem>> -> memref<1x!tpu.dma_semaphore, #tpu.memory_space<semaphore_mem>>
    %dma_start3A_112 = tpu.memref_squeeze %dma_start3A_111 : memref<1x!tpu.dma_semaphore, #tpu.memory_space<semaphore_mem>> -> memref<!tpu.dma_semaphore, #tpu.memory_space<semaphore_mem>>
    %dma_start3A_113 = arith.constant 0 : i32
    %dma_start3A_114 = tpu.memref_slice %arg9[%rem3A_102, %dma_start3A_113] : memref<3x80xi32, #tpu.memory_space<vmem>> -> memref<1x80xi32, #tpu.memory_space<vmem>>
    %dma_start3A_115 = tpu.memref_squeeze %dma_start3A_114 : memref<1x80xi32, #tpu.memory_space<vmem>> -> memref<80xi32, #tpu.memory_space<vmem>>
    %dma_start3A_116 = tpu.memref_slice %arg2[%add3A_106] : memref<160000xi32, #tpu.memory_space<hbm>> -> memref<80xi32, #tpu.memory_space<hbm>>
    tpu.enqueue_dma source(%dma_start3A_116 : memref<80xi32, #tpu.memory_space<hbm>>) target(%dma_start3A_115 : memref<80xi32, #tpu.memory_space<vmem>>) target_semaphore(%dma_start3A_112 : memref<!tpu.dma_semaphore, #tpu.memory_space<semaphore_mem>>)
    %dma_start3A_117 = arith.constant 0 : i32
    %dma_start3A_118 = tpu.memref_slice %arg10[%rem3A_102, %dma_start3A_117] : memref<3x80xi32, #tpu.memory_space<vmem>> -> memref<1x80xi32, #tpu.memory_space<vmem>>
    %dma_start3A_119 = tpu.memref_squeeze %dma_start3A_118 : memref<1x80xi32, #tpu.memory_space<vmem>> -> memref<80xi32, #tpu.memory_space<vmem>>
    %dma_start3A_120 = tpu.memref_slice %arg3[%add3A_106] : memref<160000xi32, #tpu.memory_space<hbm>> -> memref<80xi32, #tpu.memory_space<hbm>>
    %dma_start3A_121 = tpu.memref_slice %arg13[%rem3A_102] : memref<3x!tpu.dma_semaphore, #tpu.memory_space<semaphore_mem>> -> memref<1x!tpu.dma_semaphore, #tpu.memory_space<semaphore_mem>>
    %dma_start3A_122 = tpu.memref_squeeze %dma_start3A_121 : memref<1x!tpu.dma_semaphore, #tpu.memory_space<semaphore_mem>> -> memref<!tpu.dma_semaphore, #tpu.memory_space<semaphore_mem>>
    %dma_start3A_123 = arith.constant 0 : i32
    %dma_start3A_124 = tpu.memref_slice %arg10[%rem3A_102, %dma_start3A_123] : memref<3x80xi32, #tpu.memory_space<vmem>> -> memref<1x80xi32, #tpu.memory_space<vmem>>
    %dma_start3A_125 = tpu.memref_squeeze %dma_start3A_124 : memref<1x80xi32, #tpu.memory_space<vmem>> -> memref<80xi32, #tpu.memory_space<vmem>>
    %dma_start3A_126 = tpu.memref_slice %arg3[%add3A_106] : memref<160000xi32, #tpu.memory_space<hbm>> -> memref<80xi32, #tpu.memory_space<hbm>>
    tpu.enqueue_dma source(%dma_start3A_126 : memref<80xi32, #tpu.memory_space<hbm>>) target(%dma_start3A_125 : memref<80xi32, #tpu.memory_space<vmem>>) target_semaphore(%dma_start3A_122 : memref<!tpu.dma_semaphore, #tpu.memory_space<semaphore_mem>>)
    %scan3A = arith.constant 0 : i32
    %scan3A_127 = arith.constant 0 : i32
    %scan3A_128 = arith.constant 125 : i32
    %scan3A_129 = arith.addi %scan3A_127, %scan3A_128 : i32
    %scan3A_130 = arith.constant 1 : i32
    scf.for %scan3A_173 = %scan3A_127 to %scan3A_129 step %scan3A_130  : i32 {
      %rem3A_174 = arith.constant 2 : i32
      %rem3A_175 = arith.remsi %scan3A_173, %rem3A_174 : i32
      %ge3A = arith.constant 1 : i32
      %ge3A_176 = arith.cmpi sge, %scan3A_173, %ge3A : i32
      %convert_element_type3A = arith.extui %ge3A_176 : i1 to i32
      %cond3A = arith.constant 0 : i32
      %cond3A_177 = arith.cmpi ne, %convert_element_type3A, %cond3A : i32
      scf.if %cond3A_177 {
        %sub3A = arith.constant 1 : i32
        %sub3A_270 = arith.subi %scan3A_173, %sub3A : i32
        %rem3A_271 = arith.constant 2 : i32
        %rem3A_272 = arith.remsi %sub3A_270, %rem3A_271 : i32
        %rem3A_273 = arith.constant 3 : i32
        %rem3A_274 = arith.remsi %sub3A_270, %rem3A_273 : i32
        %dma_wait3A_275 = arith.constant 0 : i32
        %dma_wait3A_276 = arith.constant 0 : i32
        %dma_wait3A_277 = tpu.memref_slice %arg11[%rem3A_272, %dma_wait3A_275, %dma_wait3A_276] : memref<2x80x128xf32, #tpu.memory_space<vmem>> -> memref<1x80x128xf32, #tpu.memory_space<vmem>>
        %dma_wait3A_278 = tpu.memref_squeeze %dma_wait3A_277 : memref<1x80x128xf32, #tpu.memory_space<vmem>> -> memref<80x128xf32, #tpu.memory_space<vmem>>
        %dma_wait3A_279 = arith.constant 0 : i32
        %dma_wait3A_280 = tpu.memref_slice %arg10[%rem3A_274, %dma_wait3A_279] : memref<3x80xi32, #tpu.memory_space<vmem>> -> memref<1x80xi32, #tpu.memory_space<vmem>>
        %dma_wait3A_281 = tpu.memref_squeeze %dma_wait3A_280 : memref<1x80xi32, #tpu.memory_space<vmem>> -> memref<80xi32, #tpu.memory_space<vmem>>
        %dma_wait3A_282 = arith.constant 0 : i32
        %dma_wait3A_283 = arith.constant 0 : i32
        %dma_wait3A_284 = tpu.memref_slice %arg8[%dma_wait3A_282, %dma_wait3A_283] : memref<10240x128xf32, #tpu.memory_space<vmem_shared>> -> memref<10240x128xf32, #tpu.memory_space<vmem_shared>>
        %dma_wait3A_285 = tpu.memref_slice %arg16[%rem3A_272] : memref<2x!tpu.dma_semaphore, #tpu.memory_space<semaphore_mem>> -> memref<1x!tpu.dma_semaphore, #tpu.memory_space<semaphore_mem>>
        %dma_wait3A_286 = tpu.memref_squeeze %dma_wait3A_285 : memref<1x!tpu.dma_semaphore, #tpu.memory_space<semaphore_mem>> -> memref<!tpu.dma_semaphore, #tpu.memory_space<semaphore_mem>>
        tpu.wait_indirect_dma semaphore(%dma_wait3A_286 : memref<!tpu.dma_semaphore, #tpu.memory_space<semaphore_mem>>) src(%dma_wait3A_278 : memref<80x128xf32, #tpu.memory_space<vmem>>) dst(%dma_wait3A_284 : memref<10240x128xf32, #tpu.memory_space<vmem_shared>>)
        %sub3A_287 = arith.constant 1 : i32
        %sub3A_288 = arith.subi %scan3A_173, %sub3A_287 : i32
        %rem3A_289 = arith.constant 2 : i32
        %rem3A_290 = arith.remsi %sub3A_288, %rem3A_289 : i32
        %rem3A_291 = arith.constant 3 : i32
        %rem3A_292 = arith.remsi %sub3A_288, %rem3A_291 : i32
        %dma_wait3A_293 = arith.constant 0 : i32
        %dma_wait3A_294 = arith.constant 0 : i32
        %dma_wait3A_295 = tpu.memref_slice %arg12[%rem3A_290, %dma_wait3A_293, %dma_wait3A_294] : memref<2x80x128xf32, #tpu.memory_space<vmem>> -> memref<1x80x128xf32, #tpu.memory_space<vmem>>
        %dma_wait3A_296 = tpu.memref_squeeze %dma_wait3A_295 : memref<1x80x128xf32, #tpu.memory_space<vmem>> -> memref<80x128xf32, #tpu.memory_space<vmem>>
        %dma_wait3A_297 = arith.constant 0 : i32
        %dma_wait3A_298 = tpu.memref_slice %arg10[%rem3A_292, %dma_wait3A_297] : memref<3x80xi32, #tpu.memory_space<vmem>> -> memref<1x80xi32, #tpu.memory_space<vmem>>
        %dma_wait3A_299 = tpu.memref_squeeze %dma_wait3A_298 : memref<1x80xi32, #tpu.memory_space<vmem>> -> memref<80xi32, #tpu.memory_space<vmem>>
        %dma_wait3A_300 = arith.constant 0 : i32
        %dma_wait3A_301 = arith.constant 0 : i32
        %dma_wait3A_302 = tpu.memref_slice %arg8[%dma_wait3A_300, %dma_wait3A_301] : memref<10240x128xf32, #tpu.memory_space<vmem_shared>> -> memref<10240x128xf32, #tpu.memory_space<vmem_shared>>
        %dma_wait3A_303 = tpu.memref_slice %arg17[%rem3A_290] : memref<2x!tpu.dma_semaphore, #tpu.memory_space<semaphore_mem>> -> memref<1x!tpu.dma_semaphore, #tpu.memory_space<semaphore_mem>>
        %dma_wait3A_304 = tpu.memref_squeeze %dma_wait3A_303 : memref<1x!tpu.dma_semaphore, #tpu.memory_space<semaphore_mem>> -> memref<!tpu.dma_semaphore, #tpu.memory_space<semaphore_mem>>
        tpu.wait_indirect_dma semaphore(%dma_wait3A_304 : memref<!tpu.dma_semaphore, #tpu.memory_space<semaphore_mem>>) src(%dma_wait3A_296 : memref<80x128xf32, #tpu.memory_space<vmem>>) dst(%dma_wait3A_302 : memref<10240x128xf32, #tpu.memory_space<vmem_shared>>)
      } else {
      }
      %add3A_178 = arith.constant 1 : i32
      %add3A_179 = arith.addi %scan3A_173, %add3A_178 : i32
      %lt3A = arith.constant 125 : i32
      %lt3A_180 = arith.cmpi slt, %add3A_179, %lt3A : i32
      %convert_element_type3A_181 = arith.extui %lt3A_180 : i1 to i32
      %cond3A_182 = arith.constant 0 : i32
      %cond3A_183 = arith.cmpi ne, %convert_element_type3A_181, %cond3A_182 : i32
      scf.if %cond3A_183 {
        %add3A_270 = arith.constant 1 : i32
        %add3A_271 = arith.addi %scan3A_173, %add3A_270 : i32
        %rem3A_272 = arith.constant 3 : i32
        %rem3A_273 = arith.remsi %add3A_271, %rem3A_272 : i32
        %mul3A_274 = arith.constant 10000 : i32
        %mul3A_275 = arith.muli %arg1, %mul3A_274 : i32
        %mul3A_276 = arith.constant 80 : i32
        %mul3A_277 = arith.muli %add3A_271, %mul3A_276 : i32
        %add3A_278 = arith.addi %mul3A_275, %mul3A_277 : i32
        %dma_wait3A_279 = arith.constant 0 : i32
        %dma_wait3A_280 = tpu.memref_slice %arg9[%rem3A_273, %dma_wait3A_279] : memref<3x80xi32, #tpu.memory_space<vmem>> -> memref<1x80xi32, #tpu.memory_space<vmem>>
        %dma_wait3A_281 = tpu.memref_squeeze %dma_wait3A_280 : memref<1x80xi32, #tpu.memory_space<vmem>> -> memref<80xi32, #tpu.memory_space<vmem>>
        %dma_wait3A_282 = tpu.memref_slice %arg2[%add3A_278] : memref<160000xi32, #tpu.memory_space<hbm>> -> memref<80xi32, #tpu.memory_space<hbm>>
        %dma_wait3A_283 = tpu.memref_slice %arg13[%rem3A_273] : memref<3x!tpu.dma_semaphore, #tpu.memory_space<semaphore_mem>> -> memref<1x!tpu.dma_semaphore, #tpu.memory_space<semaphore_mem>>
        %dma_wait3A_284 = tpu.memref_squeeze %dma_wait3A_283 : memref<1x!tpu.dma_semaphore, #tpu.memory_space<semaphore_mem>> -> memref<!tpu.dma_semaphore, #tpu.memory_space<semaphore_mem>>
        %dma_wait3A_285 = arith.constant 0 : i32
        %dma_wait3A_286 = tpu.memref_slice %arg9[%rem3A_273, %dma_wait3A_285] : memref<3x80xi32, #tpu.memory_space<vmem>> -> memref<1x80xi32, #tpu.memory_space<vmem>>
        %dma_wait3A_287 = tpu.memref_squeeze %dma_wait3A_286 : memref<1x80xi32, #tpu.memory_space<vmem>> -> memref<80xi32, #tpu.memory_space<vmem>>
        %dma_wait3A_288 = tpu.memref_slice %arg2[%add3A_278] : memref<160000xi32, #tpu.memory_space<hbm>> -> memref<80xi32, #tpu.memory_space<hbm>>
        tpu.wait_dma2 semaphore(%dma_wait3A_284 : memref<!tpu.dma_semaphore, #tpu.memory_space<semaphore_mem>>) src(%dma_wait3A_288 : memref<80xi32, #tpu.memory_space<hbm>>) dst(%dma_wait3A_287 : memref<80xi32, #tpu.memory_space<vmem>>)
        %dma_wait3A_289 = arith.constant 0 : i32
        %dma_wait3A_290 = tpu.memref_slice %arg10[%rem3A_273, %dma_wait3A_289] : memref<3x80xi32, #tpu.memory_space<vmem>> -> memref<1x80xi32, #tpu.memory_space<vmem>>
        %dma_wait3A_291 = tpu.memref_squeeze %dma_wait3A_290 : memref<1x80xi32, #tpu.memory_space<vmem>> -> memref<80xi32, #tpu.memory_space<vmem>>
        %dma_wait3A_292 = tpu.memref_slice %arg3[%add3A_278] : memref<160000xi32, #tpu.memory_space<hbm>> -> memref<80xi32, #tpu.memory_space<hbm>>
        %dma_wait3A_293 = tpu.memref_slice %arg13[%rem3A_273] : memref<3x!tpu.dma_semaphore, #tpu.memory_space<semaphore_mem>> -> memref<1x!tpu.dma_semaphore, #tpu.memory_space<semaphore_mem>>
        %dma_wait3A_294 = tpu.memref_squeeze %dma_wait3A_293 : memref<1x!tpu.dma_semaphore, #tpu.memory_space<semaphore_mem>> -> memref<!tpu.dma_semaphore, #tpu.memory_space<semaphore_mem>>
        %dma_wait3A_295 = arith.constant 0 : i32
        %dma_wait3A_296 = tpu.memref_slice %arg10[%rem3A_273, %dma_wait3A_295] : memref<3x80xi32, #tpu.memory_space<vmem>> -> memref<1x80xi32, #tpu.memory_space<vmem>>
        %dma_wait3A_297 = tpu.memref_squeeze %dma_wait3A_296 : memref<1x80xi32, #tpu.memory_space<vmem>> -> memref<80xi32, #tpu.memory_space<vmem>>
        %dma_wait3A_298 = tpu.memref_slice %arg3[%add3A_278] : memref<160000xi32, #tpu.memory_space<hbm>> -> memref<80xi32, #tpu.memory_space<hbm>>
        tpu.wait_dma2 semaphore(%dma_wait3A_294 : memref<!tpu.dma_semaphore, #tpu.memory_space<semaphore_mem>>) src(%dma_wait3A_298 : memref<80xi32, #tpu.memory_space<hbm>>) dst(%dma_wait3A_297 : memref<80xi32, #tpu.memory_space<vmem>>)
        %add3A_299 = arith.constant 1 : i32
        %add3A_300 = arith.addi %scan3A_173, %add3A_299 : i32
        %rem3A_301 = arith.constant 2 : i32
        %rem3A_302 = arith.remsi %add3A_300, %rem3A_301 : i32
        %rem3A_303 = arith.constant 3 : i32
        %rem3A_304 = arith.remsi %add3A_300, %rem3A_303 : i32
        %dma_start3A_305 = arith.constant 0 : i32
        %dma_start3A_306 = arith.constant 0 : i32
        %dma_start3A_307 = arith.constant 0 : i32
        %dma_start3A_308 = tpu.memref_slice %arg11[%rem3A_302, %dma_start3A_306, %dma_start3A_307] : memref<2x80x128xf32, #tpu.memory_space<vmem>> -> memref<1x80x128xf32, #tpu.memory_space<vmem>>
        %dma_start3A_309 = tpu.memref_squeeze %dma_start3A_308 : memref<1x80x128xf32, #tpu.memory_space<vmem>> -> memref<80x128xf32, #tpu.memory_space<vmem>>
        %dma_start3A_310 = arith.constant 0 : i32
        %dma_start3A_311 = tpu.memref_slice %arg9[%rem3A_304, %dma_start3A_310] : memref<3x80xi32, #tpu.memory_space<vmem>> -> memref<1x80xi32, #tpu.memory_space<vmem>>
        %dma_start3A_312 = tpu.memref_squeeze %dma_start3A_311 : memref<1x80xi32, #tpu.memory_space<vmem>> -> memref<80xi32, #tpu.memory_space<vmem>>
        %dma_start3A_313 = arith.constant 0 : i32
        %dma_start3A_314 = arith.constant 0 : i32
        %dma_start3A_315 = arith.constant 0 : i32
        %dma_start3A_316 = tpu.memref_slice %arg4[%dma_start3A_305, %dma_start3A_313, %dma_start3A_314, %dma_start3A_315] : memref<2x2x10000x128xf32, #tpu.memory_space<hbm>> -> memref<1x2x10000x128xf32, #tpu.memory_space<hbm>>
        %dma_start3A_317 = tpu.memref_squeeze %dma_start3A_316 : memref<1x2x10000x128xf32, #tpu.memory_space<hbm>> -> memref<2x10000x128xf32, #tpu.memory_space<hbm>>
        %dma_start3A_318 = arith.constant 0 : i32
        %dma_start3A_319 = arith.constant 0 : i32
        %dma_start3A_320 = tpu.memref_slice %dma_start3A_317[%arg0, %dma_start3A_318, %dma_start3A_319] : memref<2x10000x128xf32, #tpu.memory_space<hbm>> -> memref<1x10000x128xf32, #tpu.memory_space<hbm>>
        %dma_start3A_321 = tpu.memref_squeeze %dma_start3A_320 : memref<1x10000x128xf32, #tpu.memory_space<hbm>> -> memref<10000x128xf32, #tpu.memory_space<hbm>>
        %dma_start3A_322 = arith.constant 0 : i32
        %dma_start3A_323 = arith.constant 0 : i32
        %dma_start3A_324 = tpu.memref_slice %dma_start3A_321[%dma_start3A_322, %dma_start3A_323] : memref<10000x128xf32, #tpu.memory_space<hbm>> -> memref<10000x128xf32, #tpu.memory_space<hbm>>
        %dma_start3A_325 = tpu.memref_slice %arg14[%rem3A_302] : memref<2x!tpu.dma_semaphore, #tpu.memory_space<semaphore_mem>> -> memref<1x!tpu.dma_semaphore, #tpu.memory_space<semaphore_mem>>
        %dma_start3A_326 = tpu.memref_squeeze %dma_start3A_325 : memref<1x!tpu.dma_semaphore, #tpu.memory_space<semaphore_mem>> -> memref<!tpu.dma_semaphore, #tpu.memory_space<semaphore_mem>>
        tpu.enqueue_indirect_dma source(%dma_start3A_324 : memref<10000x128xf32, #tpu.memory_space<hbm>>) target(%dma_start3A_309 : memref<80x128xf32, #tpu.memory_space<vmem>>) offsets(%dma_start3A_312 : memref<80xi32, #tpu.memory_space<vmem>>) semaphore(%dma_start3A_326 : memref<!tpu.dma_semaphore, #tpu.memory_space<semaphore_mem>>)
        %add3A_327 = arith.constant 1 : i32
        %add3A_328 = arith.addi %scan3A_173, %add3A_327 : i32
        %rem3A_329 = arith.constant 2 : i32
        %rem3A_330 = arith.remsi %add3A_328, %rem3A_329 : i32
        %mul3A_331 = arith.constant 10000 : i32
        %mul3A_332 = arith.muli %arg1, %mul3A_331 : i32
        %mul3A_333 = arith.constant 80 : i32
        %mul3A_334 = arith.muli %add3A_328, %mul3A_333 : i32
        %add3A_335 = arith.addi %mul3A_332, %mul3A_334 : i32
        %mul3A_336 = arith.constant 128 : i32
        %mul3A_337 = arith.muli %arg0, %mul3A_336 : i32
        %dma_start3A_338 = arith.constant 0 : i32
        %dma_start3A_339 = arith.constant 0 : i32
        %dma_start3A_340 = tpu.memref_slice %arg12[%rem3A_330, %dma_start3A_338, %dma_start3A_339] : memref<2x80x128xf32, #tpu.memory_space<vmem>> -> memref<1x80x128xf32, #tpu.memory_space<vmem>>
        %dma_start3A_341 = tpu.memref_squeeze %dma_start3A_340 : memref<1x80x128xf32, #tpu.memory_space<vmem>> -> memref<80x128xf32, #tpu.memory_space<vmem>>
        %dma_start3A_342 = tpu.memref_slice %arg5[%add3A_335, %mul3A_337] : memref<160000x256xf32, #tpu.memory_space<hbm>> -> memref<80x128xf32, #tpu.memory_space<hbm>>
        %dma_start3A_343 = tpu.memref_slice %arg15[%rem3A_330] : memref<2x!tpu.dma_semaphore, #tpu.memory_space<semaphore_mem>> -> memref<1x!tpu.dma_semaphore, #tpu.memory_space<semaphore_mem>>
        %dma_start3A_344 = tpu.memref_squeeze %dma_start3A_343 : memref<1x!tpu.dma_semaphore, #tpu.memory_space<semaphore_mem>> -> memref<!tpu.dma_semaphore, #tpu.memory_space<semaphore_mem>>
        %dma_start3A_345 = arith.constant 0 : i32
        %dma_start3A_346 = arith.constant 0 : i32
        %dma_start3A_347 = tpu.memref_slice %arg12[%rem3A_330, %dma_start3A_345, %dma_start3A_346] : memref<2x80x128xf32, #tpu.memory_space<vmem>> -> memref<1x80x128xf32, #tpu.memory_space<vmem>>
        %dma_start3A_348 = tpu.memref_squeeze %dma_start3A_347 : memref<1x80x128xf32, #tpu.memory_space<vmem>> -> memref<80x128xf32, #tpu.memory_space<vmem>>
        %dma_start3A_349 = tpu.memref_slice %arg5[%add3A_335, %mul3A_337] : memref<160000x256xf32, #tpu.memory_space<hbm>> -> memref<80x128xf32, #tpu.memory_space<hbm>>
        tpu.enqueue_dma source(%dma_start3A_349 : memref<80x128xf32, #tpu.memory_space<hbm>>) target(%dma_start3A_348 : memref<80x128xf32, #tpu.memory_space<vmem>>) target_semaphore(%dma_start3A_344 : memref<!tpu.dma_semaphore, #tpu.memory_space<semaphore_mem>>)
      } else {
      }
      %add3A_184 = arith.constant 2 : i32
      %add3A_185 = arith.addi %scan3A_173, %add3A_184 : i32
      %lt3A_186 = arith.constant 125 : i32
      %lt3A_187 = arith.cmpi slt, %add3A_185, %lt3A_186 : i32
      %convert_element_type3A_188 = arith.extui %lt3A_187 : i1 to i32
      %cond3A_189 = arith.constant 0 : i32
      %cond3A_190 = arith.cmpi ne, %convert_element_type3A_188, %cond3A_189 : i32
      scf.if %cond3A_190 {
        %add3A_270 = arith.constant 2 : i32
        %add3A_271 = arith.addi %scan3A_173, %add3A_270 : i32
        %rem3A_272 = arith.constant 3 : i32
        %rem3A_273 = arith.remsi %add3A_271, %rem3A_272 : i32
        %mul3A_274 = arith.constant 10000 : i32
        %mul3A_275 = arith.muli %arg1, %mul3A_274 : i32
        %mul3A_276 = arith.constant 80 : i32
        %mul3A_277 = arith.muli %add3A_271, %mul3A_276 : i32
        %add3A_278 = arith.addi %mul3A_275, %mul3A_277 : i32
        %dma_start3A_279 = arith.constant 0 : i32
        %dma_start3A_280 = tpu.memref_slice %arg9[%rem3A_273, %dma_start3A_279] : memref<3x80xi32, #tpu.memory_space<vmem>> -> memref<1x80xi32, #tpu.memory_space<vmem>>
        %dma_start3A_281 = tpu.memref_squeeze %dma_start3A_280 : memref<1x80xi32, #tpu.memory_space<vmem>> -> memref<80xi32, #tpu.memory_space<vmem>>
        %dma_start3A_282 = tpu.memref_slice %arg2[%add3A_278] : memref<160000xi32, #tpu.memory_space<hbm>> -> memref<80xi32, #tpu.memory_space<hbm>>
        %dma_start3A_283 = tpu.memref_slice %arg13[%rem3A_273] : memref<3x!tpu.dma_semaphore, #tpu.memory_space<semaphore_mem>> -> memref<1x!tpu.dma_semaphore, #tpu.memory_space<semaphore_mem>>
        %dma_start3A_284 = tpu.memref_squeeze %dma_start3A_283 : memref<1x!tpu.dma_semaphore, #tpu.memory_space<semaphore_mem>> -> memref<!tpu.dma_semaphore, #tpu.memory_space<semaphore_mem>>
        %dma_start3A_285 = arith.constant 0 : i32
        %dma_start3A_286 = tpu.memref_slice %arg9[%rem3A_273, %dma_start3A_285] : memref<3x80xi32, #tpu.memory_space<vmem>> -> memref<1x80xi32, #tpu.memory_space<vmem>>
        %dma_start3A_287 = tpu.memref_squeeze %dma_start3A_286 : memref<1x80xi32, #tpu.memory_space<vmem>> -> memref<80xi32, #tpu.memory_space<vmem>>
        %dma_start3A_288 = tpu.memref_slice %arg2[%add3A_278] : memref<160000xi32, #tpu.memory_space<hbm>> -> memref<80xi32, #tpu.memory_space<hbm>>
        tpu.enqueue_dma source(%dma_start3A_288 : memref<80xi32, #tpu.memory_space<hbm>>) target(%dma_start3A_287 : memref<80xi32, #tpu.memory_space<vmem>>) target_semaphore(%dma_start3A_284 : memref<!tpu.dma_semaphore, #tpu.memory_space<semaphore_mem>>)
        %dma_start3A_289 = arith.constant 0 : i32
        %dma_start3A_290 = tpu.memref_slice %arg10[%rem3A_273, %dma_start3A_289] : memref<3x80xi32, #tpu.memory_space<vmem>> -> memref<1x80xi32, #tpu.memory_space<vmem>>
        %dma_start3A_291 = tpu.memref_squeeze %dma_start3A_290 : memref<1x80xi32, #tpu.memory_space<vmem>> -> memref<80xi32, #tpu.memory_space<vmem>>
        %dma_start3A_292 = tpu.memref_slice %arg3[%add3A_278] : memref<160000xi32, #tpu.memory_space<hbm>> -> memref<80xi32, #tpu.memory_space<hbm>>
        %dma_start3A_293 = tpu.memref_slice %arg13[%rem3A_273] : memref<3x!tpu.dma_semaphore, #tpu.memory_space<semaphore_mem>> -> memref<1x!tpu.dma_semaphore, #tpu.memory_space<semaphore_mem>>
        %dma_start3A_294 = tpu.memref_squeeze %dma_start3A_293 : memref<1x!tpu.dma_semaphore, #tpu.memory_space<semaphore_mem>> -> memref<!tpu.dma_semaphore, #tpu.memory_space<semaphore_mem>>
        %dma_start3A_295 = arith.constant 0 : i32
        %dma_start3A_296 = tpu.memref_slice %arg10[%rem3A_273, %dma_start3A_295] : memref<3x80xi32, #tpu.memory_space<vmem>> -> memref<1x80xi32, #tpu.memory_space<vmem>>
        %dma_start3A_297 = tpu.memref_squeeze %dma_start3A_296 : memref<1x80xi32, #tpu.memory_space<vmem>> -> memref<80xi32, #tpu.memory_space<vmem>>
        %dma_start3A_298 = tpu.memref_slice %arg3[%add3A_278] : memref<160000xi32, #tpu.memory_space<hbm>> -> memref<80xi32, #tpu.memory_space<hbm>>
        tpu.enqueue_dma source(%dma_start3A_298 : memref<80xi32, #tpu.memory_space<hbm>>) target(%dma_start3A_297 : memref<80xi32, #tpu.memory_space<vmem>>) target_semaphore(%dma_start3A_294 : memref<!tpu.dma_semaphore, #tpu.memory_space<semaphore_mem>>)
      } else {
      }
      %rem3A_191 = arith.constant 2 : i32
      %rem3A_192 = arith.remsi %scan3A_173, %rem3A_191 : i32
      %rem3A_193 = arith.constant 3 : i32
      %rem3A_194 = arith.remsi %scan3A_173, %rem3A_193 : i32
      %dma_wait3A_195 = arith.constant 0 : i32
      %dma_wait3A_196 = arith.constant 0 : i32
      %dma_wait3A_197 = arith.constant 0 : i32
      %dma_wait3A_198 = tpu.memref_slice %arg11[%rem3A_192, %dma_wait3A_196, %dma_wait3A_197] : memref<2x80x128xf32, #tpu.memory_space<vmem>> -> memref<1x80x128xf32, #tpu.memory_space<vmem>>
      %dma_wait3A_199 = tpu.memref_squeeze %dma_wait3A_198 : memref<1x80x128xf32, #tpu.memory_space<vmem>> -> memref<80x128xf32, #tpu.memory_space<vmem>>
      %dma_wait3A_200 = arith.constant 0 : i32
      %dma_wait3A_201 = tpu.memref_slice %arg9[%rem3A_194, %dma_wait3A_200] : memref<3x80xi32, #tpu.memory_space<vmem>> -> memref<1x80xi32, #tpu.memory_space<vmem>>
      %dma_wait3A_202 = tpu.memref_squeeze %dma_wait3A_201 : memref<1x80xi32, #tpu.memory_space<vmem>> -> memref<80xi32, #tpu.memory_space<vmem>>
      %dma_wait3A_203 = arith.constant 0 : i32
      %dma_wait3A_204 = arith.constant 0 : i32
      %dma_wait3A_205 = arith.constant 0 : i32
      %dma_wait3A_206 = tpu.memref_slice %arg4[%dma_wait3A_195, %dma_wait3A_203, %dma_wait3A_204, %dma_wait3A_205] : memref<2x2x10000x128xf32, #tpu.memory_space<hbm>> -> memref<1x2x10000x128xf32, #tpu.memory_space<hbm>>
      %dma_wait3A_207 = tpu.memref_squeeze %dma_wait3A_206 : memref<1x2x10000x128xf32, #tpu.memory_space<hbm>> -> memref<2x10000x128xf32, #tpu.memory_space<hbm>>
      %dma_wait3A_208 = arith.constant 0 : i32
      %dma_wait3A_209 = arith.constant 0 : i32
      %dma_wait3A_210 = tpu.memref_slice %dma_wait3A_207[%arg0, %dma_wait3A_208, %dma_wait3A_209] : memref<2x10000x128xf32, #tpu.memory_space<hbm>> -> memref<1x10000x128xf32, #tpu.memory_space<hbm>>
      %dma_wait3A_211 = tpu.memref_squeeze %dma_wait3A_210 : memref<1x10000x128xf32, #tpu.memory_space<hbm>> -> memref<10000x128xf32, #tpu.memory_space<hbm>>
      %dma_wait3A_212 = arith.constant 0 : i32
      %dma_wait3A_213 = arith.constant 0 : i32
      %dma_wait3A_214 = tpu.memref_slice %dma_wait3A_211[%dma_wait3A_212, %dma_wait3A_213] : memref<10000x128xf32, #tpu.memory_space<hbm>> -> memref<10000x128xf32, #tpu.memory_space<hbm>>
      %dma_wait3A_215 = tpu.memref_slice %arg14[%rem3A_192] : memref<2x!tpu.dma_semaphore, #tpu.memory_space<semaphore_mem>> -> memref<1x!tpu.dma_semaphore, #tpu.memory_space<semaphore_mem>>
      %dma_wait3A_216 = tpu.memref_squeeze %dma_wait3A_215 : memref<1x!tpu.dma_semaphore, #tpu.memory_space<semaphore_mem>> -> memref<!tpu.dma_semaphore, #tpu.memory_space<semaphore_mem>>
      tpu.wait_indirect_dma semaphore(%dma_wait3A_216 : memref<!tpu.dma_semaphore, #tpu.memory_space<semaphore_mem>>) src(%dma_wait3A_214 : memref<10000x128xf32, #tpu.memory_space<hbm>>) dst(%dma_wait3A_199 : memref<80x128xf32, #tpu.memory_space<vmem>>)
      %rem3A_217 = arith.constant 2 : i32
      %rem3A_218 = arith.remsi %scan3A_173, %rem3A_217 : i32
      %rem3A_219 = arith.constant 3 : i32
      %rem3A_220 = arith.remsi %scan3A_173, %rem3A_219 : i32
      %dma_start3A_221 = arith.constant 0 : i32
      %dma_start3A_222 = arith.constant 0 : i32
      %dma_start3A_223 = tpu.memref_slice %arg11[%rem3A_218, %dma_start3A_221, %dma_start3A_222] : memref<2x80x128xf32, #tpu.memory_space<vmem>> -> memref<1x80x128xf32, #tpu.memory_space<vmem>>
      %dma_start3A_224 = tpu.memref_squeeze %dma_start3A_223 : memref<1x80x128xf32, #tpu.memory_space<vmem>> -> memref<80x128xf32, #tpu.memory_space<vmem>>
      %dma_start3A_225 = arith.constant 0 : i32
      %dma_start3A_226 = tpu.memref_slice %arg10[%rem3A_220, %dma_start3A_225] : memref<3x80xi32, #tpu.memory_space<vmem>> -> memref<1x80xi32, #tpu.memory_space<vmem>>
      %dma_start3A_227 = tpu.memref_squeeze %dma_start3A_226 : memref<1x80xi32, #tpu.memory_space<vmem>> -> memref<80xi32, #tpu.memory_space<vmem>>
      %dma_start3A_228 = arith.constant 0 : i32
      %dma_start3A_229 = arith.constant 0 : i32
      %dma_start3A_230 = tpu.memref_slice %arg8[%dma_start3A_228, %dma_start3A_229] : memref<10240x128xf32, #tpu.memory_space<vmem_shared>> -> memref<10240x128xf32, #tpu.memory_space<vmem_shared>>
      %dma_start3A_231 = tpu.memref_slice %arg16[%rem3A_218] : memref<2x!tpu.dma_semaphore, #tpu.memory_space<semaphore_mem>> -> memref<1x!tpu.dma_semaphore, #tpu.memory_space<semaphore_mem>>
      %dma_start3A_232 = tpu.memref_squeeze %dma_start3A_231 : memref<1x!tpu.dma_semaphore, #tpu.memory_space<semaphore_mem>> -> memref<!tpu.dma_semaphore, #tpu.memory_space<semaphore_mem>>
      tpu.enqueue_indirect_dma source(%dma_start3A_224 : memref<80x128xf32, #tpu.memory_space<vmem>>) target(%dma_start3A_230 : memref<10240x128xf32, #tpu.memory_space<vmem_shared>>) offsets(%dma_start3A_227 : memref<80xi32, #tpu.memory_space<vmem>>) semaphore(%dma_start3A_232 : memref<!tpu.dma_semaphore, #tpu.memory_space<semaphore_mem>>) {add = true}
      %rem3A_233 = arith.constant 2 : i32
      %rem3A_234 = arith.remsi %scan3A_173, %rem3A_233 : i32
      %mul3A_235 = arith.constant 10000 : i32
      %mul3A_236 = arith.muli %arg1, %mul3A_235 : i32
      %mul3A_237 = arith.constant 80 : i32
      %mul3A_238 = arith.muli %scan3A_173, %mul3A_237 : i32
      %add3A_239 = arith.addi %mul3A_236, %mul3A_238 : i32
      %mul3A_240 = arith.constant 128 : i32
      %mul3A_241 = arith.muli %arg0, %mul3A_240 : i32
      %dma_wait3A_242 = arith.constant 0 : i32
      %dma_wait3A_243 = arith.constant 0 : i32
      %dma_wait3A_244 = tpu.memref_slice %arg12[%rem3A_234, %dma_wait3A_242, %dma_wait3A_243] : memref<2x80x128xf32, #tpu.memory_space<vmem>> -> memref<1x80x128xf32, #tpu.memory_space<vmem>>
      %dma_wait3A_245 = tpu.memref_squeeze %dma_wait3A_244 : memref<1x80x128xf32, #tpu.memory_space<vmem>> -> memref<80x128xf32, #tpu.memory_space<vmem>>
      %dma_wait3A_246 = tpu.memref_slice %arg5[%add3A_239, %mul3A_241] : memref<160000x256xf32, #tpu.memory_space<hbm>> -> memref<80x128xf32, #tpu.memory_space<hbm>>
      %dma_wait3A_247 = tpu.memref_slice %arg15[%rem3A_234] : memref<2x!tpu.dma_semaphore, #tpu.memory_space<semaphore_mem>> -> memref<1x!tpu.dma_semaphore, #tpu.memory_space<semaphore_mem>>
      %dma_wait3A_248 = tpu.memref_squeeze %dma_wait3A_247 : memref<1x!tpu.dma_semaphore, #tpu.memory_space<semaphore_mem>> -> memref<!tpu.dma_semaphore, #tpu.memory_space<semaphore_mem>>
      %dma_wait3A_249 = arith.constant 0 : i32
      %dma_wait3A_250 = arith.constant 0 : i32
      %dma_wait3A_251 = tpu.memref_slice %arg12[%rem3A_234, %dma_wait3A_249, %dma_wait3A_250] : memref<2x80x128xf32, #tpu.memory_space<vmem>> -> memref<1x80x128xf32, #tpu.memory_space<vmem>>
      %dma_wait3A_252 = tpu.memref_squeeze %dma_wait3A_251 : memref<1x80x128xf32, #tpu.memory_space<vmem>> -> memref<80x128xf32, #tpu.memory_space<vmem>>
      %dma_wait3A_253 = tpu.memref_slice %arg5[%add3A_239, %mul3A_241] : memref<160000x256xf32, #tpu.memory_space<hbm>> -> memref<80x128xf32, #tpu.memory_space<hbm>>
      tpu.wait_dma2 semaphore(%dma_wait3A_248 : memref<!tpu.dma_semaphore, #tpu.memory_space<semaphore_mem>>) src(%dma_wait3A_253 : memref<80x128xf32, #tpu.memory_space<hbm>>) dst(%dma_wait3A_252 : memref<80x128xf32, #tpu.memory_space<vmem>>)
      %rem3A_254 = arith.constant 2 : i32
      %rem3A_255 = arith.remsi %scan3A_173, %rem3A_254 : i32
      %rem3A_256 = arith.constant 3 : i32
      %rem3A_257 = arith.remsi %scan3A_173, %rem3A_256 : i32
      %dma_start3A_258 = arith.constant 0 : i32
      %dma_start3A_259 = arith.constant 0 : i32
      %dma_start3A_260 = tpu.memref_slice %arg12[%rem3A_255, %dma_start3A_258, %dma_start3A_259] : memref<2x80x128xf32, #tpu.memory_space<vmem>> -> memref<1x80x128xf32, #tpu.memory_space<vmem>>
      %dma_start3A_261 = tpu.memref_squeeze %dma_start3A_260 : memref<1x80x128xf32, #tpu.memory_space<vmem>> -> memref<80x128xf32, #tpu.memory_space<vmem>>
      %dma_start3A_262 = arith.constant 0 : i32
      %dma_start3A_263 = tpu.memref_slice %arg10[%rem3A_257, %dma_start3A_262] : memref<3x80xi32, #tpu.memory_space<vmem>> -> memref<1x80xi32, #tpu.memory_space<vmem>>
      %dma_start3A_264 = tpu.memref_squeeze %dma_start3A_263 : memref<1x80xi32, #tpu.memory_space<vmem>> -> memref<80xi32, #tpu.memory_space<vmem>>
      %dma_start3A_265 = arith.constant 0 : i32
      %dma_start3A_266 = arith.constant 0 : i32
      %dma_start3A_267 = tpu.memref_slice %arg8[%dma_start3A_265, %dma_start3A_266] : memref<10240x128xf32, #tpu.memory_space<vmem_shared>> -> memref<10240x128xf32, #tpu.memory_space<vmem_shared>>
      %dma_start3A_268 = tpu.memref_slice %arg17[%rem3A_255] : memref<2x!tpu.dma_semaphore, #tpu.memory_space<semaphore_mem>> -> memref<1x!tpu.dma_semaphore, #tpu.memory_space<semaphore_mem>>
      %dma_start3A_269 = tpu.memref_squeeze %dma_start3A_268 : memref<1x!tpu.dma_semaphore, #tpu.memory_space<semaphore_mem>> -> memref<!tpu.dma_semaphore, #tpu.memory_space<semaphore_mem>>
      tpu.enqueue_indirect_dma source(%dma_start3A_261 : memref<80x128xf32, #tpu.memory_space<vmem>>) target(%dma_start3A_267 : memref<10240x128xf32, #tpu.memory_space<vmem_shared>>) offsets(%dma_start3A_264 : memref<80xi32, #tpu.memory_space<vmem>>) semaphore(%dma_start3A_269 : memref<!tpu.dma_semaphore, #tpu.memory_space<semaphore_mem>>) {add = true}
    }
    %scan3A_131 = arith.constant 125 : i32
    %rem3A_132 = arith.constant 124 : i32
    %rem3A_133 = arith.constant 2 : i32
    %rem3A_134 = arith.remsi %rem3A_132, %rem3A_133 : i32
    %rem3A_135 = arith.constant 124 : i32
    %rem3A_136 = arith.constant 3 : i32
    %rem3A_137 = arith.remsi %rem3A_135, %rem3A_136 : i32
    %dma_wait3A_138 = arith.constant 0 : i32
    %dma_wait3A_139 = arith.constant 0 : i32
    %dma_wait3A_140 = tpu.memref_slice %arg11[%rem3A_134, %dma_wait3A_138, %dma_wait3A_139] : memref<2x80x128xf32, #tpu.memory_space<vmem>> -> memref<1x80x128xf32, #tpu.memory_space<vmem>>
    %dma_wait3A_141 = tpu.memref_squeeze %dma_wait3A_140 : memref<1x80x128xf32, #tpu.memory_space<vmem>> -> memref<80x128xf32, #tpu.memory_space<vmem>>
    %dma_wait3A_142 = arith.constant 0 : i32
    %dma_wait3A_143 = tpu.memref_slice %arg10[%rem3A_137, %dma_wait3A_142] : memref<3x80xi32, #tpu.memory_space<vmem>> -> memref<1x80xi32, #tpu.memory_space<vmem>>
    %dma_wait3A_144 = tpu.memref_squeeze %dma_wait3A_143 : memref<1x80xi32, #tpu.memory_space<vmem>> -> memref<80xi32, #tpu.memory_space<vmem>>
    %dma_wait3A_145 = arith.constant 0 : i32
    %dma_wait3A_146 = arith.constant 0 : i32
    %dma_wait3A_147 = tpu.memref_slice %arg8[%dma_wait3A_145, %dma_wait3A_146] : memref<10240x128xf32, #tpu.memory_space<vmem_shared>> -> memref<10240x128xf32, #tpu.memory_space<vmem_shared>>
    %dma_wait3A_148 = tpu.memref_slice %arg16[%rem3A_134] : memref<2x!tpu.dma_semaphore, #tpu.memory_space<semaphore_mem>> -> memref<1x!tpu.dma_semaphore, #tpu.memory_space<semaphore_mem>>
    %dma_wait3A_149 = tpu.memref_squeeze %dma_wait3A_148 : memref<1x!tpu.dma_semaphore, #tpu.memory_space<semaphore_mem>> -> memref<!tpu.dma_semaphore, #tpu.memory_space<semaphore_mem>>
    tpu.wait_indirect_dma semaphore(%dma_wait3A_149 : memref<!tpu.dma_semaphore, #tpu.memory_space<semaphore_mem>>) src(%dma_wait3A_141 : memref<80x128xf32, #tpu.memory_space<vmem>>) dst(%dma_wait3A_147 : memref<10240x128xf32, #tpu.memory_space<vmem_shared>>)
    %rem3A_150 = arith.constant 124 : i32
    %rem3A_151 = arith.constant 2 : i32
    %rem3A_152 = arith.remsi %rem3A_150, %rem3A_151 : i32
    %rem3A_153 = arith.constant 124 : i32
    %rem3A_154 = arith.constant 3 : i32
    %rem3A_155 = arith.remsi %rem3A_153, %rem3A_154 : i32
    %dma_wait3A_156 = arith.constant 0 : i32
    %dma_wait3A_157 = arith.constant 0 : i32
    %dma_wait3A_158 = tpu.memref_slice %arg12[%rem3A_152, %dma_wait3A_156, %dma_wait3A_157] : memref<2x80x128xf32, #tpu.memory_space<vmem>> -> memref<1x80x128xf32, #tpu.memory_space<vmem>>
    %dma_wait3A_159 = tpu.memref_squeeze %dma_wait3A_158 : memref<1x80x128xf32, #tpu.memory_space<vmem>> -> memref<80x128xf32, #tpu.memory_space<vmem>>
    %dma_wait3A_160 = arith.constant 0 : i32
    %dma_wait3A_161 = tpu.memref_slice %arg10[%rem3A_155, %dma_wait3A_160] : memref<3x80xi32, #tpu.memory_space<vmem>> -> memref<1x80xi32, #tpu.memory_space<vmem>>
    %dma_wait3A_162 = tpu.memref_squeeze %dma_wait3A_161 : memref<1x80xi32, #tpu.memory_space<vmem>> -> memref<80xi32, #tpu.memory_space<vmem>>
    %dma_wait3A_163 = arith.constant 0 : i32
    %dma_wait3A_164 = arith.constant 0 : i32
    %dma_wait3A_165 = tpu.memref_slice %arg8[%dma_wait3A_163, %dma_wait3A_164] : memref<10240x128xf32, #tpu.memory_space<vmem_shared>> -> memref<10240x128xf32, #tpu.memory_space<vmem_shared>>
    %dma_wait3A_166 = tpu.memref_slice %arg17[%rem3A_152] : memref<2x!tpu.dma_semaphore, #tpu.memory_space<semaphore_mem>> -> memref<1x!tpu.dma_semaphore, #tpu.memory_space<semaphore_mem>>
    %dma_wait3A_167 = tpu.memref_squeeze %dma_wait3A_166 : memref<1x!tpu.dma_semaphore, #tpu.memory_space<semaphore_mem>> -> memref<!tpu.dma_semaphore, #tpu.memory_space<semaphore_mem>>
    tpu.wait_indirect_dma semaphore(%dma_wait3A_167 : memref<!tpu.dma_semaphore, #tpu.memory_space<semaphore_mem>>) src(%dma_wait3A_159 : memref<80x128xf32, #tpu.memory_space<vmem>>) dst(%dma_wait3A_165 : memref<10240x128xf32, #tpu.memory_space<vmem_shared>>)
    %barrier3A_168 = arith.constant 0 : index
    tpu.barrier barrier_id(%barrier3A_168)
    %mul3A_169 = arith.constant 640 : i32
    %mul3A_170 = arith.muli %arg1, %mul3A_169 : i32
    %mul3A_171 = arith.constant 640 : i32
    %mul3A_172 = arith.muli %arg1, %mul3A_171 : i32
    "tpu.region"() ({
      %run_scoped3A = tpu.sem_alloc : memref<!tpu.dma_semaphore, #tpu.memory_space<semaphore_mem>>
      %dma_start3A_173 = arith.constant 0 : i32
      %dma_start3A_174 = arith.constant 0 : i32
      %dma_start3A_175 = tpu.memref_slice %arg7[%arg0, %dma_start3A_173, %dma_start3A_174] : memref<2x10240x128xf32, #tpu.memory_space<hbm>> -> memref<1x10240x128xf32, #tpu.memory_space<hbm>>
      %dma_start3A_176 = tpu.memref_squeeze %dma_start3A_175 : memref<1x10240x128xf32, #tpu.memory_space<hbm>> -> memref<10240x128xf32, #tpu.memory_space<hbm>>
      %dma_start3A_177 = arith.constant 0 : i32
      %dma_start3A_178 = tpu.memref_slice %dma_start3A_176[%mul3A_172, %dma_start3A_177] : memref<10240x128xf32, #tpu.memory_space<hbm>> -> memref<640x128xf32, #tpu.memory_space<hbm>>
      %dma_start3A_179 = arith.constant 0 : i32
      %dma_start3A_180 = tpu.memref_slice %arg8[%mul3A_170, %dma_start3A_179] : memref<10240x128xf32, #tpu.memory_space<vmem_shared>> -> memref<640x128xf32, #tpu.memory_space<vmem_shared>>
      tpu.enqueue_dma source(%dma_start3A_180 : memref<640x128xf32, #tpu.memory_space<vmem_shared>>) target(%dma_start3A_178 : memref<640x128xf32, #tpu.memory_space<hbm>>) target_semaphore(%run_scoped3A : memref<!tpu.dma_semaphore, #tpu.memory_space<semaphore_mem>>)
      %dma_wait3A_181 = arith.constant 0 : i32
      %dma_wait3A_182 = arith.constant 0 : i32
      %dma_wait3A_183 = tpu.memref_slice %arg7[%arg0, %dma_wait3A_181, %dma_wait3A_182] : memref<2x10240x128xf32, #tpu.memory_space<hbm>> -> memref<1x10240x128xf32, #tpu.memory_space<hbm>>
      %dma_wait3A_184 = tpu.memref_squeeze %dma_wait3A_183 : memref<1x10240x128xf32, #tpu.memory_space<hbm>> -> memref<10240x128xf32, #tpu.memory_space<hbm>>
      %dma_wait3A_185 = arith.constant 0 : i32
      %dma_wait3A_186 = tpu.memref_slice %dma_wait3A_184[%mul3A_172, %dma_wait3A_185] : memref<10240x128xf32, #tpu.memory_space<hbm>> -> memref<640x128xf32, #tpu.memory_space<hbm>>
      %dma_wait3A_187 = arith.constant 0 : i32
      %dma_wait3A_188 = tpu.memref_slice %arg8[%mul3A_170, %dma_wait3A_187] : memref<10240x128xf32, #tpu.memory_space<vmem_shared>> -> memref<640x128xf32, #tpu.memory_space<vmem_shared>>
      tpu.wait_dma2 semaphore(%run_scoped3A : memref<!tpu.dma_semaphore, #tpu.memory_space<semaphore_mem>>) src(%dma_wait3A_188 : memref<640x128xf32, #tpu.memory_space<vmem_shared>>) dst(%dma_wait3A_186 : memref<640x128xf32, #tpu.memory_space<hbm>>)
      tpu.yield
    }) : () -> ()
    return
  }
}

#map = affine_map<(d0, d1) -> (0)>
#map1 = affine_map<(d0, d1) -> (0, 0, 0, 0)>
#map2 = affine_map<(d0, d1) -> (0, 0)>
#map3 = affine_map<(d0, d1) -> (0, 0, 0)>
module attributes {stable_mosaic.version = 14 : i64} {
  func.func @_sc_structural(%arg0: i32, %arg1: i32, %arg2: memref<320000xi32, #tpu.memory_space<hbm>>, %arg3: memref<320000xi32, #tpu.memory_space<hbm>>, %arg4: memref<320000xf32, #tpu.memory_space<hbm>>, %arg5: memref<2x2x10000x128xf32, #tpu.memory_space<hbm>>, %arg6: memref<640x128xf32, #tpu.memory_space<hbm>>, %arg7: memref<640xf32, #tpu.memory_space<hbm>>, %arg8: memref<2x10240x128xf32, #tpu.memory_space<hbm>>, %arg9: memref<10240x128xf32, #tpu.memory_space<vmem_shared>>, %arg10: memref<10240xf32, #tpu.memory_space<vmem_shared>>, %arg11: memref<10240xf32, #tpu.memory_space<vmem>>, %arg12: memref<3x128xi32, #tpu.memory_space<vmem>>, %arg13: memref<3x128xi32, #tpu.memory_space<vmem>>, %arg14: memref<3x128xf32, #tpu.memory_space<vmem>>, %arg15: memref<2x128x128xf32, #tpu.memory_space<vmem>>, %arg16: memref<3x!tpu.dma_semaphore, #tpu.memory_space<semaphore_mem>>, %arg17: memref<2x!tpu.dma_semaphore, #tpu.memory_space<semaphore_mem>>, %arg18: memref<!tpu.dma_semaphore, #tpu.memory_space<semaphore_mem>>, %arg19: memref<2x!tpu.dma_semaphore, #tpu.memory_space<semaphore_mem>>) attributes {dimension_semantics = [#tpu.dimension_semantics<core_parallel>, #tpu.dimension_semantics<subcore_parallel>], iteration_bounds = array<i64: 2, 16>, scalar_prefetch = 0 : i64, scratch_operands = 11 : i64, tpu.core_type = #tpu.core_type<sc_vector_subcore>, window_params = [{transform_indices = #map}, {transform_indices = #map}, {transform_indices = #map}, {transform_indices = #map1}, {transform_indices = #map2}, {transform_indices = #map}, {transform_indices = #map3}]} {
    %lt3A = arith.constant 4 : i32
    %lt3A_0 = arith.cmpi slt, %arg1, %lt3A : i32
    %jit3A = arith.constant 1 : i32
    %jit3A_1 = arith.constant 0 : i32
    %select_n3A = arith.select %lt3A_0, %jit3A, %jit3A_1 : i32
    %add3A = arith.constant 156 : i32
    %add3A_2 = arith.addi %add3A, %select_n3A : i32
    %mul3A = arith.constant 19968 : i32
    %mul3A_3 = arith.muli %arg1, %mul3A : i32
    %min3A = arith.constant 4 : i32
    %min3A_4 = arith.minsi %arg1, %min3A : i32
    %mul3A_5 = arith.constant 128 : i32
    %mul3A_6 = arith.muli %min3A_4, %mul3A_5 : i32
    %add3A_7 = arith.addi %mul3A_3, %mul3A_6 : i32
    %mul3A_8 = arith.constant 640 : i32
    %mul3A_9 = arith.muli %arg1, %mul3A_8 : i32
    "tpu.region"() ({
      %run_scoped3A = tpu.sem_alloc : memref<!tpu.dma_semaphore, #tpu.memory_space<semaphore_mem>>
      %dma_start3A_251 = arith.constant 0 : i32
      %dma_start3A_252 = tpu.memref_slice %arg9[%mul3A_9, %dma_start3A_251] : memref<10240x128xf32, #tpu.memory_space<vmem_shared>> -> memref<640x128xf32, #tpu.memory_space<vmem_shared>>
      tpu.enqueue_dma source(%arg6 : memref<640x128xf32, #tpu.memory_space<hbm>>) target(%dma_start3A_252 : memref<640x128xf32, #tpu.memory_space<vmem_shared>>) target_semaphore(%run_scoped3A : memref<!tpu.dma_semaphore, #tpu.memory_space<semaphore_mem>>)
      %dma_wait3A_253 = arith.constant 0 : i32
      %dma_wait3A_254 = tpu.memref_slice %arg9[%mul3A_9, %dma_wait3A_253] : memref<10240x128xf32, #tpu.memory_space<vmem_shared>> -> memref<640x128xf32, #tpu.memory_space<vmem_shared>>
      tpu.wait_dma2 semaphore(%run_scoped3A : memref<!tpu.dma_semaphore, #tpu.memory_space<semaphore_mem>>) src(%arg6 : memref<640x128xf32, #tpu.memory_space<hbm>>) dst(%dma_wait3A_254 : memref<640x128xf32, #tpu.memory_space<vmem_shared>>)
      tpu.yield
    }) : () -> ()
    %mul3A_10 = arith.constant 640 : i32
    %mul3A_11 = arith.muli %arg1, %mul3A_10 : i32
    "tpu.region"() ({
      %run_scoped3A = tpu.sem_alloc : memref<!tpu.dma_semaphore, #tpu.memory_space<semaphore_mem>>
      %dma_start3A_251 = tpu.memref_slice %arg10[%mul3A_11] : memref<10240xf32, #tpu.memory_space<vmem_shared>> -> memref<640xf32, #tpu.memory_space<vmem_shared>>
      tpu.enqueue_dma source(%arg7 : memref<640xf32, #tpu.memory_space<hbm>>) target(%dma_start3A_251 : memref<640xf32, #tpu.memory_space<vmem_shared>>) target_semaphore(%run_scoped3A : memref<!tpu.dma_semaphore, #tpu.memory_space<semaphore_mem>>)
      %dma_wait3A_252 = tpu.memref_slice %arg10[%mul3A_11] : memref<10240xf32, #tpu.memory_space<vmem_shared>> -> memref<640xf32, #tpu.memory_space<vmem_shared>>
      tpu.wait_dma2 semaphore(%run_scoped3A : memref<!tpu.dma_semaphore, #tpu.memory_space<semaphore_mem>>) src(%arg7 : memref<640xf32, #tpu.memory_space<hbm>>) dst(%dma_wait3A_252 : memref<640xf32, #tpu.memory_space<vmem_shared>>)
      tpu.yield
    }) : () -> ()
    %barrier3A = arith.constant 0 : index
    tpu.barrier barrier_id(%barrier3A)
    %rem3A = arith.constant 0 : i32
    %rem3A_12 = arith.constant 3 : i32
    %rem3A_13 = arith.remsi %rem3A, %rem3A_12 : i32
    %add3A_14 = arith.constant 0 : i32
    %add3A_15 = arith.addi %add3A_7, %add3A_14 : i32
    %dma_start3A = arith.constant 0 : i32
    %dma_start3A_16 = tpu.memref_slice %arg12[%rem3A_13, %dma_start3A] : memref<3x128xi32, #tpu.memory_space<vmem>> -> memref<1x128xi32, #tpu.memory_space<vmem>>
    %dma_start3A_17 = tpu.memref_squeeze %dma_start3A_16 : memref<1x128xi32, #tpu.memory_space<vmem>> -> memref<128xi32, #tpu.memory_space<vmem>>
    %dma_start3A_18 = tpu.memref_slice %arg2[%add3A_15] : memref<320000xi32, #tpu.memory_space<hbm>> -> memref<128xi32, #tpu.memory_space<hbm>>
    %dma_start3A_19 = tpu.memref_slice %arg16[%rem3A_13] : memref<3x!tpu.dma_semaphore, #tpu.memory_space<semaphore_mem>> -> memref<1x!tpu.dma_semaphore, #tpu.memory_space<semaphore_mem>>
    %dma_start3A_20 = tpu.memref_squeeze %dma_start3A_19 : memref<1x!tpu.dma_semaphore, #tpu.memory_space<semaphore_mem>> -> memref<!tpu.dma_semaphore, #tpu.memory_space<semaphore_mem>>
    %dma_start3A_21 = arith.constant 0 : i32
    %dma_start3A_22 = tpu.memref_slice %arg12[%rem3A_13, %dma_start3A_21] : memref<3x128xi32, #tpu.memory_space<vmem>> -> memref<1x128xi32, #tpu.memory_space<vmem>>
    %dma_start3A_23 = tpu.memref_squeeze %dma_start3A_22 : memref<1x128xi32, #tpu.memory_space<vmem>> -> memref<128xi32, #tpu.memory_space<vmem>>
    %dma_start3A_24 = tpu.memref_slice %arg2[%add3A_15] : memref<320000xi32, #tpu.memory_space<hbm>> -> memref<128xi32, #tpu.memory_space<hbm>>
    tpu.enqueue_dma source(%dma_start3A_24 : memref<128xi32, #tpu.memory_space<hbm>>) target(%dma_start3A_23 : memref<128xi32, #tpu.memory_space<vmem>>) target_semaphore(%dma_start3A_20 : memref<!tpu.dma_semaphore, #tpu.memory_space<semaphore_mem>>)
    %dma_start3A_25 = arith.constant 0 : i32
    %dma_start3A_26 = tpu.memref_slice %arg14[%rem3A_13, %dma_start3A_25] : memref<3x128xf32, #tpu.memory_space<vmem>> -> memref<1x128xf32, #tpu.memory_space<vmem>>
    %dma_start3A_27 = tpu.memref_squeeze %dma_start3A_26 : memref<1x128xf32, #tpu.memory_space<vmem>> -> memref<128xf32, #tpu.memory_space<vmem>>
    %dma_start3A_28 = tpu.memref_slice %arg4[%add3A_15] : memref<320000xf32, #tpu.memory_space<hbm>> -> memref<128xf32, #tpu.memory_space<hbm>>
    %dma_start3A_29 = tpu.memref_slice %arg16[%rem3A_13] : memref<3x!tpu.dma_semaphore, #tpu.memory_space<semaphore_mem>> -> memref<1x!tpu.dma_semaphore, #tpu.memory_space<semaphore_mem>>
    %dma_start3A_30 = tpu.memref_squeeze %dma_start3A_29 : memref<1x!tpu.dma_semaphore, #tpu.memory_space<semaphore_mem>> -> memref<!tpu.dma_semaphore, #tpu.memory_space<semaphore_mem>>
    %dma_start3A_31 = arith.constant 0 : i32
    %dma_start3A_32 = tpu.memref_slice %arg14[%rem3A_13, %dma_start3A_31] : memref<3x128xf32, #tpu.memory_space<vmem>> -> memref<1x128xf32, #tpu.memory_space<vmem>>
    %dma_start3A_33 = tpu.memref_squeeze %dma_start3A_32 : memref<1x128xf32, #tpu.memory_space<vmem>> -> memref<128xf32, #tpu.memory_space<vmem>>
    %dma_start3A_34 = tpu.memref_slice %arg4[%add3A_15] : memref<320000xf32, #tpu.memory_space<hbm>> -> memref<128xf32, #tpu.memory_space<hbm>>
    tpu.enqueue_dma source(%dma_start3A_34 : memref<128xf32, #tpu.memory_space<hbm>>) target(%dma_start3A_33 : memref<128xf32, #tpu.memory_space<vmem>>) target_semaphore(%dma_start3A_30 : memref<!tpu.dma_semaphore, #tpu.memory_space<semaphore_mem>>)
    %rem3A_35 = arith.constant 1 : i32
    %rem3A_36 = arith.constant 3 : i32
    %rem3A_37 = arith.remsi %rem3A_35, %rem3A_36 : i32
    %add3A_38 = arith.constant 128 : i32
    %add3A_39 = arith.addi %add3A_7, %add3A_38 : i32
    %dma_start3A_40 = arith.constant 0 : i32
    %dma_start3A_41 = tpu.memref_slice %arg12[%rem3A_37, %dma_start3A_40] : memref<3x128xi32, #tpu.memory_space<vmem>> -> memref<1x128xi32, #tpu.memory_space<vmem>>
    %dma_start3A_42 = tpu.memref_squeeze %dma_start3A_41 : memref<1x128xi32, #tpu.memory_space<vmem>> -> memref<128xi32, #tpu.memory_space<vmem>>
    %dma_start3A_43 = tpu.memref_slice %arg2[%add3A_39] : memref<320000xi32, #tpu.memory_space<hbm>> -> memref<128xi32, #tpu.memory_space<hbm>>
    %dma_start3A_44 = tpu.memref_slice %arg16[%rem3A_37] : memref<3x!tpu.dma_semaphore, #tpu.memory_space<semaphore_mem>> -> memref<1x!tpu.dma_semaphore, #tpu.memory_space<semaphore_mem>>
    %dma_start3A_45 = tpu.memref_squeeze %dma_start3A_44 : memref<1x!tpu.dma_semaphore, #tpu.memory_space<semaphore_mem>> -> memref<!tpu.dma_semaphore, #tpu.memory_space<semaphore_mem>>
    %dma_start3A_46 = arith.constant 0 : i32
    %dma_start3A_47 = tpu.memref_slice %arg12[%rem3A_37, %dma_start3A_46] : memref<3x128xi32, #tpu.memory_space<vmem>> -> memref<1x128xi32, #tpu.memory_space<vmem>>
    %dma_start3A_48 = tpu.memref_squeeze %dma_start3A_47 : memref<1x128xi32, #tpu.memory_space<vmem>> -> memref<128xi32, #tpu.memory_space<vmem>>
    %dma_start3A_49 = tpu.memref_slice %arg2[%add3A_39] : memref<320000xi32, #tpu.memory_space<hbm>> -> memref<128xi32, #tpu.memory_space<hbm>>
    tpu.enqueue_dma source(%dma_start3A_49 : memref<128xi32, #tpu.memory_space<hbm>>) target(%dma_start3A_48 : memref<128xi32, #tpu.memory_space<vmem>>) target_semaphore(%dma_start3A_45 : memref<!tpu.dma_semaphore, #tpu.memory_space<semaphore_mem>>)
    %dma_start3A_50 = arith.constant 0 : i32
    %dma_start3A_51 = tpu.memref_slice %arg14[%rem3A_37, %dma_start3A_50] : memref<3x128xf32, #tpu.memory_space<vmem>> -> memref<1x128xf32, #tpu.memory_space<vmem>>
    %dma_start3A_52 = tpu.memref_squeeze %dma_start3A_51 : memref<1x128xf32, #tpu.memory_space<vmem>> -> memref<128xf32, #tpu.memory_space<vmem>>
    %dma_start3A_53 = tpu.memref_slice %arg4[%add3A_39] : memref<320000xf32, #tpu.memory_space<hbm>> -> memref<128xf32, #tpu.memory_space<hbm>>
    %dma_start3A_54 = tpu.memref_slice %arg16[%rem3A_37] : memref<3x!tpu.dma_semaphore, #tpu.memory_space<semaphore_mem>> -> memref<1x!tpu.dma_semaphore, #tpu.memory_space<semaphore_mem>>
    %dma_start3A_55 = tpu.memref_squeeze %dma_start3A_54 : memref<1x!tpu.dma_semaphore, #tpu.memory_space<semaphore_mem>> -> memref<!tpu.dma_semaphore, #tpu.memory_space<semaphore_mem>>
    %dma_start3A_56 = arith.constant 0 : i32
    %dma_start3A_57 = tpu.memref_slice %arg14[%rem3A_37, %dma_start3A_56] : memref<3x128xf32, #tpu.memory_space<vmem>> -> memref<1x128xf32, #tpu.memory_space<vmem>>
    %dma_start3A_58 = tpu.memref_squeeze %dma_start3A_57 : memref<1x128xf32, #tpu.memory_space<vmem>> -> memref<128xf32, #tpu.memory_space<vmem>>
    %dma_start3A_59 = tpu.memref_slice %arg4[%add3A_39] : memref<320000xf32, #tpu.memory_space<hbm>> -> memref<128xf32, #tpu.memory_space<hbm>>
    tpu.enqueue_dma source(%dma_start3A_59 : memref<128xf32, #tpu.memory_space<hbm>>) target(%dma_start3A_58 : memref<128xf32, #tpu.memory_space<vmem>>) target_semaphore(%dma_start3A_55 : memref<!tpu.dma_semaphore, #tpu.memory_space<semaphore_mem>>)
    %while3A = arith.constant 0 : i32
    %while3A_60 = arith.constant 0 : i32
    %while3A_61 = arith.subi %add3A_2, %while3A_60 : i32
    %while3A_62 = arith.addi %while3A_60, %while3A_61 : i32
    %while3A_63 = arith.constant 1 : i32
    %while3A_64 = arith.divsi %while3A_61, %while3A_63 : i32
    %while3A_65 = arith.muli %while3A_64, %while3A_63 : i32
    %while3A_66 = arith.addi %while3A_60, %while3A_65 : i32
    %while3A_67 = arith.constant 1 : i32
    scf.for %while3A_251 = %while3A_60 to %while3A_66 step %while3A_67  : i32 {
      %rem3A_252 = arith.constant 3 : i32
      %rem3A_253 = arith.remsi %while3A_251, %rem3A_252 : i32
      %mul3A_254 = arith.constant 128 : i32
      %mul3A_255 = arith.muli %while3A_251, %mul3A_254 : i32
      %add3A_256 = arith.addi %add3A_7, %mul3A_255 : i32
      %dma_wait3A_257 = arith.constant 0 : i32
      %dma_wait3A_258 = tpu.memref_slice %arg12[%rem3A_253, %dma_wait3A_257] : memref<3x128xi32, #tpu.memory_space<vmem>> -> memref<1x128xi32, #tpu.memory_space<vmem>>
      %dma_wait3A_259 = tpu.memref_squeeze %dma_wait3A_258 : memref<1x128xi32, #tpu.memory_space<vmem>> -> memref<128xi32, #tpu.memory_space<vmem>>
      %dma_wait3A_260 = tpu.memref_slice %arg2[%add3A_256] : memref<320000xi32, #tpu.memory_space<hbm>> -> memref<128xi32, #tpu.memory_space<hbm>>
      %dma_wait3A_261 = tpu.memref_slice %arg16[%rem3A_253] : memref<3x!tpu.dma_semaphore, #tpu.memory_space<semaphore_mem>> -> memref<1x!tpu.dma_semaphore, #tpu.memory_space<semaphore_mem>>
      %dma_wait3A_262 = tpu.memref_squeeze %dma_wait3A_261 : memref<1x!tpu.dma_semaphore, #tpu.memory_space<semaphore_mem>> -> memref<!tpu.dma_semaphore, #tpu.memory_space<semaphore_mem>>
      %dma_wait3A_263 = arith.constant 0 : i32
      %dma_wait3A_264 = tpu.memref_slice %arg12[%rem3A_253, %dma_wait3A_263] : memref<3x128xi32, #tpu.memory_space<vmem>> -> memref<1x128xi32, #tpu.memory_space<vmem>>
      %dma_wait3A_265 = tpu.memref_squeeze %dma_wait3A_264 : memref<1x128xi32, #tpu.memory_space<vmem>> -> memref<128xi32, #tpu.memory_space<vmem>>
      %dma_wait3A_266 = tpu.memref_slice %arg2[%add3A_256] : memref<320000xi32, #tpu.memory_space<hbm>> -> memref<128xi32, #tpu.memory_space<hbm>>
      tpu.wait_dma2 semaphore(%dma_wait3A_262 : memref<!tpu.dma_semaphore, #tpu.memory_space<semaphore_mem>>) src(%dma_wait3A_266 : memref<128xi32, #tpu.memory_space<hbm>>) dst(%dma_wait3A_265 : memref<128xi32, #tpu.memory_space<vmem>>)
      %dma_wait3A_267 = arith.constant 0 : i32
      %dma_wait3A_268 = tpu.memref_slice %arg14[%rem3A_253, %dma_wait3A_267] : memref<3x128xf32, #tpu.memory_space<vmem>> -> memref<1x128xf32, #tpu.memory_space<vmem>>
      %dma_wait3A_269 = tpu.memref_squeeze %dma_wait3A_268 : memref<1x128xf32, #tpu.memory_space<vmem>> -> memref<128xf32, #tpu.memory_space<vmem>>
      %dma_wait3A_270 = tpu.memref_slice %arg4[%add3A_256] : memref<320000xf32, #tpu.memory_space<hbm>> -> memref<128xf32, #tpu.memory_space<hbm>>
      %dma_wait3A_271 = tpu.memref_slice %arg16[%rem3A_253] : memref<3x!tpu.dma_semaphore, #tpu.memory_space<semaphore_mem>> -> memref<1x!tpu.dma_semaphore, #tpu.memory_space<semaphore_mem>>
      %dma_wait3A_272 = tpu.memref_squeeze %dma_wait3A_271 : memref<1x!tpu.dma_semaphore, #tpu.memory_space<semaphore_mem>> -> memref<!tpu.dma_semaphore, #tpu.memory_space<semaphore_mem>>
      %dma_wait3A_273 = arith.constant 0 : i32
      %dma_wait3A_274 = tpu.memref_slice %arg14[%rem3A_253, %dma_wait3A_273] : memref<3x128xf32, #tpu.memory_space<vmem>> -> memref<1x128xf32, #tpu.memory_space<vmem>>
      %dma_wait3A_275 = tpu.memref_squeeze %dma_wait3A_274 : memref<1x128xf32, #tpu.memory_space<vmem>> -> memref<128xf32, #tpu.memory_space<vmem>>
      %dma_wait3A_276 = tpu.memref_slice %arg4[%add3A_256] : memref<320000xf32, #tpu.memory_space<hbm>> -> memref<128xf32, #tpu.memory_space<hbm>>
      tpu.wait_dma2 semaphore(%dma_wait3A_272 : memref<!tpu.dma_semaphore, #tpu.memory_space<semaphore_mem>>) src(%dma_wait3A_276 : memref<128xf32, #tpu.memory_space<hbm>>) dst(%dma_wait3A_275 : memref<128xf32, #tpu.memory_space<vmem>>)
      %rem3A_277 = arith.constant 3 : i32
      %rem3A_278 = arith.remsi %while3A_251, %rem3A_277 : i32
      %dma_start3A_279 = arith.constant 0 : i32
      %dma_start3A_280 = tpu.memref_slice %arg14[%rem3A_278, %dma_start3A_279] : memref<3x128xf32, #tpu.memory_space<vmem>> -> memref<1x128xf32, #tpu.memory_space<vmem>>
      %dma_start3A_281 = tpu.memref_squeeze %dma_start3A_280 : memref<1x128xf32, #tpu.memory_space<vmem>> -> memref<128xf32, #tpu.memory_space<vmem>>
      %dma_start3A_282 = arith.constant 0 : i32
      %dma_start3A_283 = tpu.memref_slice %arg12[%rem3A_278, %dma_start3A_282] : memref<3x128xi32, #tpu.memory_space<vmem>> -> memref<1x128xi32, #tpu.memory_space<vmem>>
      %dma_start3A_284 = tpu.memref_squeeze %dma_start3A_283 : memref<1x128xi32, #tpu.memory_space<vmem>> -> memref<128xi32, #tpu.memory_space<vmem>>
      %dma_start3A_285 = arith.constant 0 : i32
      %dma_start3A_286 = tpu.memref_slice %arg10[%dma_start3A_285] : memref<10240xf32, #tpu.memory_space<vmem_shared>> -> memref<10240xf32, #tpu.memory_space<vmem_shared>>
      tpu.enqueue_indirect_dma source(%dma_start3A_281 : memref<128xf32, #tpu.memory_space<vmem>>) target(%dma_start3A_286 : memref<10240xf32, #tpu.memory_space<vmem_shared>>) offsets(%dma_start3A_284 : memref<128xi32, #tpu.memory_space<vmem>>) semaphore(%arg18 : memref<!tpu.dma_semaphore, #tpu.memory_space<semaphore_mem>>) {add = true}
      %ge3A = arith.constant 1 : i32
      %ge3A_287 = arith.cmpi sge, %while3A_251, %ge3A : i32
      %convert_element_type3A = arith.extui %ge3A_287 : i1 to i32
      %cond3A = arith.constant 0 : i32
      %cond3A_288 = arith.cmpi ne, %convert_element_type3A, %cond3A : i32
      scf.if %cond3A_288 {
        %sub3A_295 = arith.constant 1 : i32
        %sub3A_296 = arith.subi %while3A_251, %sub3A_295 : i32
        %rem3A_297 = arith.constant 3 : i32
        %rem3A_298 = arith.remsi %sub3A_296, %rem3A_297 : i32
        %dma_wait3A_299 = arith.constant 0 : i32
        %dma_wait3A_300 = tpu.memref_slice %arg14[%rem3A_298, %dma_wait3A_299] : memref<3x128xf32, #tpu.memory_space<vmem>> -> memref<1x128xf32, #tpu.memory_space<vmem>>
        %dma_wait3A_301 = tpu.memref_squeeze %dma_wait3A_300 : memref<1x128xf32, #tpu.memory_space<vmem>> -> memref<128xf32, #tpu.memory_space<vmem>>
        %dma_wait3A_302 = arith.constant 0 : i32
        %dma_wait3A_303 = tpu.memref_slice %arg12[%rem3A_298, %dma_wait3A_302] : memref<3x128xi32, #tpu.memory_space<vmem>> -> memref<1x128xi32, #tpu.memory_space<vmem>>
        %dma_wait3A_304 = tpu.memref_squeeze %dma_wait3A_303 : memref<1x128xi32, #tpu.memory_space<vmem>> -> memref<128xi32, #tpu.memory_space<vmem>>
        %dma_wait3A_305 = arith.constant 0 : i32
        %dma_wait3A_306 = tpu.memref_slice %arg10[%dma_wait3A_305] : memref<10240xf32, #tpu.memory_space<vmem_shared>> -> memref<10240xf32, #tpu.memory_space<vmem_shared>>
        tpu.wait_indirect_dma semaphore(%arg18 : memref<!tpu.dma_semaphore, #tpu.memory_space<semaphore_mem>>) src(%dma_wait3A_301 : memref<128xf32, #tpu.memory_space<vmem>>) dst(%dma_wait3A_306 : memref<10240xf32, #tpu.memory_space<vmem_shared>>)
      } else {
      }
      %add3A_289 = arith.constant 2 : i32
      %add3A_290 = arith.addi %while3A_251, %add3A_289 : i32
      %lt3A_291 = arith.cmpi slt, %add3A_290, %add3A_2 : i32
      %convert_element_type3A_292 = arith.extui %lt3A_291 : i1 to i32
      %cond3A_293 = arith.constant 0 : i32
      %cond3A_294 = arith.cmpi ne, %convert_element_type3A_292, %cond3A_293 : i32
      scf.if %cond3A_294 {
        %add3A_295 = arith.constant 2 : i32
        %add3A_296 = arith.addi %while3A_251, %add3A_295 : i32
        %rem3A_297 = arith.constant 3 : i32
        %rem3A_298 = arith.remsi %add3A_296, %rem3A_297 : i32
        %mul3A_299 = arith.constant 128 : i32
        %mul3A_300 = arith.muli %add3A_296, %mul3A_299 : i32
        %add3A_301 = arith.addi %add3A_7, %mul3A_300 : i32
        %dma_start3A_302 = arith.constant 0 : i32
        %dma_start3A_303 = tpu.memref_slice %arg12[%rem3A_298, %dma_start3A_302] : memref<3x128xi32, #tpu.memory_space<vmem>> -> memref<1x128xi32, #tpu.memory_space<vmem>>
        %dma_start3A_304 = tpu.memref_squeeze %dma_start3A_303 : memref<1x128xi32, #tpu.memory_space<vmem>> -> memref<128xi32, #tpu.memory_space<vmem>>
        %dma_start3A_305 = tpu.memref_slice %arg2[%add3A_301] : memref<320000xi32, #tpu.memory_space<hbm>> -> memref<128xi32, #tpu.memory_space<hbm>>
        %dma_start3A_306 = tpu.memref_slice %arg16[%rem3A_298] : memref<3x!tpu.dma_semaphore, #tpu.memory_space<semaphore_mem>> -> memref<1x!tpu.dma_semaphore, #tpu.memory_space<semaphore_mem>>
        %dma_start3A_307 = tpu.memref_squeeze %dma_start3A_306 : memref<1x!tpu.dma_semaphore, #tpu.memory_space<semaphore_mem>> -> memref<!tpu.dma_semaphore, #tpu.memory_space<semaphore_mem>>
        %dma_start3A_308 = arith.constant 0 : i32
        %dma_start3A_309 = tpu.memref_slice %arg12[%rem3A_298, %dma_start3A_308] : memref<3x128xi32, #tpu.memory_space<vmem>> -> memref<1x128xi32, #tpu.memory_space<vmem>>
        %dma_start3A_310 = tpu.memref_squeeze %dma_start3A_309 : memref<1x128xi32, #tpu.memory_space<vmem>> -> memref<128xi32, #tpu.memory_space<vmem>>
        %dma_start3A_311 = tpu.memref_slice %arg2[%add3A_301] : memref<320000xi32, #tpu.memory_space<hbm>> -> memref<128xi32, #tpu.memory_space<hbm>>
        tpu.enqueue_dma source(%dma_start3A_311 : memref<128xi32, #tpu.memory_space<hbm>>) target(%dma_start3A_310 : memref<128xi32, #tpu.memory_space<vmem>>) target_semaphore(%dma_start3A_307 : memref<!tpu.dma_semaphore, #tpu.memory_space<semaphore_mem>>)
        %dma_start3A_312 = arith.constant 0 : i32
        %dma_start3A_313 = tpu.memref_slice %arg14[%rem3A_298, %dma_start3A_312] : memref<3x128xf32, #tpu.memory_space<vmem>> -> memref<1x128xf32, #tpu.memory_space<vmem>>
        %dma_start3A_314 = tpu.memref_squeeze %dma_start3A_313 : memref<1x128xf32, #tpu.memory_space<vmem>> -> memref<128xf32, #tpu.memory_space<vmem>>
        %dma_start3A_315 = tpu.memref_slice %arg4[%add3A_301] : memref<320000xf32, #tpu.memory_space<hbm>> -> memref<128xf32, #tpu.memory_space<hbm>>
        %dma_start3A_316 = tpu.memref_slice %arg16[%rem3A_298] : memref<3x!tpu.dma_semaphore, #tpu.memory_space<semaphore_mem>> -> memref<1x!tpu.dma_semaphore, #tpu.memory_space<semaphore_mem>>
        %dma_start3A_317 = tpu.memref_squeeze %dma_start3A_316 : memref<1x!tpu.dma_semaphore, #tpu.memory_space<semaphore_mem>> -> memref<!tpu.dma_semaphore, #tpu.memory_space<semaphore_mem>>
        %dma_start3A_318 = arith.constant 0 : i32
        %dma_start3A_319 = tpu.memref_slice %arg14[%rem3A_298, %dma_start3A_318] : memref<3x128xf32, #tpu.memory_space<vmem>> -> memref<1x128xf32, #tpu.memory_space<vmem>>
        %dma_start3A_320 = tpu.memref_squeeze %dma_start3A_319 : memref<1x128xf32, #tpu.memory_space<vmem>> -> memref<128xf32, #tpu.memory_space<vmem>>
        %dma_start3A_321 = tpu.memref_slice %arg4[%add3A_301] : memref<320000xf32, #tpu.memory_space<hbm>> -> memref<128xf32, #tpu.memory_space<hbm>>
        tpu.enqueue_dma source(%dma_start3A_321 : memref<128xf32, #tpu.memory_space<hbm>>) target(%dma_start3A_320 : memref<128xf32, #tpu.memory_space<vmem>>) target_semaphore(%dma_start3A_317 : memref<!tpu.dma_semaphore, #tpu.memory_space<semaphore_mem>>)
      } else {
      }
    }
    %while3A_68 = arith.constant 1 : i32
    scf.for %while3A_251 = %while3A_66 to %while3A_62 step %while3A_68  : i32 {
      %rem3A_252 = arith.constant 3 : i32
      %rem3A_253 = arith.remsi %while3A_251, %rem3A_252 : i32
      %mul3A_254 = arith.constant 128 : i32
      %mul3A_255 = arith.muli %while3A_251, %mul3A_254 : i32
      %add3A_256 = arith.addi %add3A_7, %mul3A_255 : i32
      %dma_wait3A_257 = arith.constant 0 : i32
      %dma_wait3A_258 = tpu.memref_slice %arg12[%rem3A_253, %dma_wait3A_257] : memref<3x128xi32, #tpu.memory_space<vmem>> -> memref<1x128xi32, #tpu.memory_space<vmem>>
      %dma_wait3A_259 = tpu.memref_squeeze %dma_wait3A_258 : memref<1x128xi32, #tpu.memory_space<vmem>> -> memref<128xi32, #tpu.memory_space<vmem>>
      %dma_wait3A_260 = tpu.memref_slice %arg2[%add3A_256] : memref<320000xi32, #tpu.memory_space<hbm>> -> memref<128xi32, #tpu.memory_space<hbm>>
      %dma_wait3A_261 = tpu.memref_slice %arg16[%rem3A_253] : memref<3x!tpu.dma_semaphore, #tpu.memory_space<semaphore_mem>> -> memref<1x!tpu.dma_semaphore, #tpu.memory_space<semaphore_mem>>
      %dma_wait3A_262 = tpu.memref_squeeze %dma_wait3A_261 : memref<1x!tpu.dma_semaphore, #tpu.memory_space<semaphore_mem>> -> memref<!tpu.dma_semaphore, #tpu.memory_space<semaphore_mem>>
      %dma_wait3A_263 = arith.constant 0 : i32
      %dma_wait3A_264 = tpu.memref_slice %arg12[%rem3A_253, %dma_wait3A_263] : memref<3x128xi32, #tpu.memory_space<vmem>> -> memref<1x128xi32, #tpu.memory_space<vmem>>
      %dma_wait3A_265 = tpu.memref_squeeze %dma_wait3A_264 : memref<1x128xi32, #tpu.memory_space<vmem>> -> memref<128xi32, #tpu.memory_space<vmem>>
      %dma_wait3A_266 = tpu.memref_slice %arg2[%add3A_256] : memref<320000xi32, #tpu.memory_space<hbm>> -> memref<128xi32, #tpu.memory_space<hbm>>
      tpu.wait_dma2 semaphore(%dma_wait3A_262 : memref<!tpu.dma_semaphore, #tpu.memory_space<semaphore_mem>>) src(%dma_wait3A_266 : memref<128xi32, #tpu.memory_space<hbm>>) dst(%dma_wait3A_265 : memref<128xi32, #tpu.memory_space<vmem>>)
      %dma_wait3A_267 = arith.constant 0 : i32
      %dma_wait3A_268 = tpu.memref_slice %arg14[%rem3A_253, %dma_wait3A_267] : memref<3x128xf32, #tpu.memory_space<vmem>> -> memref<1x128xf32, #tpu.memory_space<vmem>>
      %dma_wait3A_269 = tpu.memref_squeeze %dma_wait3A_268 : memref<1x128xf32, #tpu.memory_space<vmem>> -> memref<128xf32, #tpu.memory_space<vmem>>
      %dma_wait3A_270 = tpu.memref_slice %arg4[%add3A_256] : memref<320000xf32, #tpu.memory_space<hbm>> -> memref<128xf32, #tpu.memory_space<hbm>>
      %dma_wait3A_271 = tpu.memref_slice %arg16[%rem3A_253] : memref<3x!tpu.dma_semaphore, #tpu.memory_space<semaphore_mem>> -> memref<1x!tpu.dma_semaphore, #tpu.memory_space<semaphore_mem>>
      %dma_wait3A_272 = tpu.memref_squeeze %dma_wait3A_271 : memref<1x!tpu.dma_semaphore, #tpu.memory_space<semaphore_mem>> -> memref<!tpu.dma_semaphore, #tpu.memory_space<semaphore_mem>>
      %dma_wait3A_273 = arith.constant 0 : i32
      %dma_wait3A_274 = tpu.memref_slice %arg14[%rem3A_253, %dma_wait3A_273] : memref<3x128xf32, #tpu.memory_space<vmem>> -> memref<1x128xf32, #tpu.memory_space<vmem>>
      %dma_wait3A_275 = tpu.memref_squeeze %dma_wait3A_274 : memref<1x128xf32, #tpu.memory_space<vmem>> -> memref<128xf32, #tpu.memory_space<vmem>>
      %dma_wait3A_276 = tpu.memref_slice %arg4[%add3A_256] : memref<320000xf32, #tpu.memory_space<hbm>> -> memref<128xf32, #tpu.memory_space<hbm>>
      tpu.wait_dma2 semaphore(%dma_wait3A_272 : memref<!tpu.dma_semaphore, #tpu.memory_space<semaphore_mem>>) src(%dma_wait3A_276 : memref<128xf32, #tpu.memory_space<hbm>>) dst(%dma_wait3A_275 : memref<128xf32, #tpu.memory_space<vmem>>)
      %rem3A_277 = arith.constant 3 : i32
      %rem3A_278 = arith.remsi %while3A_251, %rem3A_277 : i32
      %dma_start3A_279 = arith.constant 0 : i32
      %dma_start3A_280 = tpu.memref_slice %arg14[%rem3A_278, %dma_start3A_279] : memref<3x128xf32, #tpu.memory_space<vmem>> -> memref<1x128xf32, #tpu.memory_space<vmem>>
      %dma_start3A_281 = tpu.memref_squeeze %dma_start3A_280 : memref<1x128xf32, #tpu.memory_space<vmem>> -> memref<128xf32, #tpu.memory_space<vmem>>
      %dma_start3A_282 = arith.constant 0 : i32
      %dma_start3A_283 = tpu.memref_slice %arg12[%rem3A_278, %dma_start3A_282] : memref<3x128xi32, #tpu.memory_space<vmem>> -> memref<1x128xi32, #tpu.memory_space<vmem>>
      %dma_start3A_284 = tpu.memref_squeeze %dma_start3A_283 : memref<1x128xi32, #tpu.memory_space<vmem>> -> memref<128xi32, #tpu.memory_space<vmem>>
      %dma_start3A_285 = arith.constant 0 : i32
      %dma_start3A_286 = tpu.memref_slice %arg10[%dma_start3A_285] : memref<10240xf32, #tpu.memory_space<vmem_shared>> -> memref<10240xf32, #tpu.memory_space<vmem_shared>>
      tpu.enqueue_indirect_dma source(%dma_start3A_281 : memref<128xf32, #tpu.memory_space<vmem>>) target(%dma_start3A_286 : memref<10240xf32, #tpu.memory_space<vmem_shared>>) offsets(%dma_start3A_284 : memref<128xi32, #tpu.memory_space<vmem>>) semaphore(%arg18 : memref<!tpu.dma_semaphore, #tpu.memory_space<semaphore_mem>>) {add = true}
      %ge3A = arith.constant 1 : i32
      %ge3A_287 = arith.cmpi sge, %while3A_251, %ge3A : i32
      %convert_element_type3A = arith.extui %ge3A_287 : i1 to i32
      %cond3A = arith.constant 0 : i32
      %cond3A_288 = arith.cmpi ne, %convert_element_type3A, %cond3A : i32
      scf.if %cond3A_288 {
        %sub3A_295 = arith.constant 1 : i32
        %sub3A_296 = arith.subi %while3A_251, %sub3A_295 : i32
        %rem3A_297 = arith.constant 3 : i32
        %rem3A_298 = arith.remsi %sub3A_296, %rem3A_297 : i32
        %dma_wait3A_299 = arith.constant 0 : i32
        %dma_wait3A_300 = tpu.memref_slice %arg14[%rem3A_298, %dma_wait3A_299] : memref<3x128xf32, #tpu.memory_space<vmem>> -> memref<1x128xf32, #tpu.memory_space<vmem>>
        %dma_wait3A_301 = tpu.memref_squeeze %dma_wait3A_300 : memref<1x128xf32, #tpu.memory_space<vmem>> -> memref<128xf32, #tpu.memory_space<vmem>>
        %dma_wait3A_302 = arith.constant 0 : i32
        %dma_wait3A_303 = tpu.memref_slice %arg12[%rem3A_298, %dma_wait3A_302] : memref<3x128xi32, #tpu.memory_space<vmem>> -> memref<1x128xi32, #tpu.memory_space<vmem>>
        %dma_wait3A_304 = tpu.memref_squeeze %dma_wait3A_303 : memref<1x128xi32, #tpu.memory_space<vmem>> -> memref<128xi32, #tpu.memory_space<vmem>>
        %dma_wait3A_305 = arith.constant 0 : i32
        %dma_wait3A_306 = tpu.memref_slice %arg10[%dma_wait3A_305] : memref<10240xf32, #tpu.memory_space<vmem_shared>> -> memref<10240xf32, #tpu.memory_space<vmem_shared>>
        tpu.wait_indirect_dma semaphore(%arg18 : memref<!tpu.dma_semaphore, #tpu.memory_space<semaphore_mem>>) src(%dma_wait3A_301 : memref<128xf32, #tpu.memory_space<vmem>>) dst(%dma_wait3A_306 : memref<10240xf32, #tpu.memory_space<vmem_shared>>)
      } else {
      }
      %add3A_289 = arith.constant 2 : i32
      %add3A_290 = arith.addi %while3A_251, %add3A_289 : i32
      %lt3A_291 = arith.cmpi slt, %add3A_290, %add3A_2 : i32
      %convert_element_type3A_292 = arith.extui %lt3A_291 : i1 to i32
      %cond3A_293 = arith.constant 0 : i32
      %cond3A_294 = arith.cmpi ne, %convert_element_type3A_292, %cond3A_293 : i32
      scf.if %cond3A_294 {
        %add3A_295 = arith.constant 2 : i32
        %add3A_296 = arith.addi %while3A_251, %add3A_295 : i32
        %rem3A_297 = arith.constant 3 : i32
        %rem3A_298 = arith.remsi %add3A_296, %rem3A_297 : i32
        %mul3A_299 = arith.constant 128 : i32
        %mul3A_300 = arith.muli %add3A_296, %mul3A_299 : i32
        %add3A_301 = arith.addi %add3A_7, %mul3A_300 : i32
        %dma_start3A_302 = arith.constant 0 : i32
        %dma_start3A_303 = tpu.memref_slice %arg12[%rem3A_298, %dma_start3A_302] : memref<3x128xi32, #tpu.memory_space<vmem>> -> memref<1x128xi32, #tpu.memory_space<vmem>>
        %dma_start3A_304 = tpu.memref_squeeze %dma_start3A_303 : memref<1x128xi32, #tpu.memory_space<vmem>> -> memref<128xi32, #tpu.memory_space<vmem>>
        %dma_start3A_305 = tpu.memref_slice %arg2[%add3A_301] : memref<320000xi32, #tpu.memory_space<hbm>> -> memref<128xi32, #tpu.memory_space<hbm>>
        %dma_start3A_306 = tpu.memref_slice %arg16[%rem3A_298] : memref<3x!tpu.dma_semaphore, #tpu.memory_space<semaphore_mem>> -> memref<1x!tpu.dma_semaphore, #tpu.memory_space<semaphore_mem>>
        %dma_start3A_307 = tpu.memref_squeeze %dma_start3A_306 : memref<1x!tpu.dma_semaphore, #tpu.memory_space<semaphore_mem>> -> memref<!tpu.dma_semaphore, #tpu.memory_space<semaphore_mem>>
        %dma_start3A_308 = arith.constant 0 : i32
        %dma_start3A_309 = tpu.memref_slice %arg12[%rem3A_298, %dma_start3A_308] : memref<3x128xi32, #tpu.memory_space<vmem>> -> memref<1x128xi32, #tpu.memory_space<vmem>>
        %dma_start3A_310 = tpu.memref_squeeze %dma_start3A_309 : memref<1x128xi32, #tpu.memory_space<vmem>> -> memref<128xi32, #tpu.memory_space<vmem>>
        %dma_start3A_311 = tpu.memref_slice %arg2[%add3A_301] : memref<320000xi32, #tpu.memory_space<hbm>> -> memref<128xi32, #tpu.memory_space<hbm>>
        tpu.enqueue_dma source(%dma_start3A_311 : memref<128xi32, #tpu.memory_space<hbm>>) target(%dma_start3A_310 : memref<128xi32, #tpu.memory_space<vmem>>) target_semaphore(%dma_start3A_307 : memref<!tpu.dma_semaphore, #tpu.memory_space<semaphore_mem>>)
        %dma_start3A_312 = arith.constant 0 : i32
        %dma_start3A_313 = tpu.memref_slice %arg14[%rem3A_298, %dma_start3A_312] : memref<3x128xf32, #tpu.memory_space<vmem>> -> memref<1x128xf32, #tpu.memory_space<vmem>>
        %dma_start3A_314 = tpu.memref_squeeze %dma_start3A_313 : memref<1x128xf32, #tpu.memory_space<vmem>> -> memref<128xf32, #tpu.memory_space<vmem>>
        %dma_start3A_315 = tpu.memref_slice %arg4[%add3A_301] : memref<320000xf32, #tpu.memory_space<hbm>> -> memref<128xf32, #tpu.memory_space<hbm>>
        %dma_start3A_316 = tpu.memref_slice %arg16[%rem3A_298] : memref<3x!tpu.dma_semaphore, #tpu.memory_space<semaphore_mem>> -> memref<1x!tpu.dma_semaphore, #tpu.memory_space<semaphore_mem>>
        %dma_start3A_317 = tpu.memref_squeeze %dma_start3A_316 : memref<1x!tpu.dma_semaphore, #tpu.memory_space<semaphore_mem>> -> memref<!tpu.dma_semaphore, #tpu.memory_space<semaphore_mem>>
        %dma_start3A_318 = arith.constant 0 : i32
        %dma_start3A_319 = tpu.memref_slice %arg14[%rem3A_298, %dma_start3A_318] : memref<3x128xf32, #tpu.memory_space<vmem>> -> memref<1x128xf32, #tpu.memory_space<vmem>>
        %dma_start3A_320 = tpu.memref_squeeze %dma_start3A_319 : memref<1x128xf32, #tpu.memory_space<vmem>> -> memref<128xf32, #tpu.memory_space<vmem>>
        %dma_start3A_321 = tpu.memref_slice %arg4[%add3A_301] : memref<320000xf32, #tpu.memory_space<hbm>> -> memref<128xf32, #tpu.memory_space<hbm>>
        tpu.enqueue_dma source(%dma_start3A_321 : memref<128xf32, #tpu.memory_space<hbm>>) target(%dma_start3A_320 : memref<128xf32, #tpu.memory_space<vmem>>) target_semaphore(%dma_start3A_317 : memref<!tpu.dma_semaphore, #tpu.memory_space<semaphore_mem>>)
      } else {
      }
    }
    %sub3A = arith.constant 1 : i32
    %sub3A_69 = arith.subi %add3A_2, %sub3A : i32
    %rem3A_70 = arith.constant 3 : i32
    %rem3A_71 = arith.remsi %sub3A_69, %rem3A_70 : i32
    %dma_wait3A = arith.constant 0 : i32
    %dma_wait3A_72 = tpu.memref_slice %arg14[%rem3A_71, %dma_wait3A] : memref<3x128xf32, #tpu.memory_space<vmem>> -> memref<1x128xf32, #tpu.memory_space<vmem>>
    %dma_wait3A_73 = tpu.memref_squeeze %dma_wait3A_72 : memref<1x128xf32, #tpu.memory_space<vmem>> -> memref<128xf32, #tpu.memory_space<vmem>>
    %dma_wait3A_74 = arith.constant 0 : i32
    %dma_wait3A_75 = tpu.memref_slice %arg12[%rem3A_71, %dma_wait3A_74] : memref<3x128xi32, #tpu.memory_space<vmem>> -> memref<1x128xi32, #tpu.memory_space<vmem>>
    %dma_wait3A_76 = tpu.memref_squeeze %dma_wait3A_75 : memref<1x128xi32, #tpu.memory_space<vmem>> -> memref<128xi32, #tpu.memory_space<vmem>>
    %dma_wait3A_77 = arith.constant 0 : i32
    %dma_wait3A_78 = tpu.memref_slice %arg10[%dma_wait3A_77] : memref<10240xf32, #tpu.memory_space<vmem_shared>> -> memref<10240xf32, #tpu.memory_space<vmem_shared>>
    tpu.wait_indirect_dma semaphore(%arg18 : memref<!tpu.dma_semaphore, #tpu.memory_space<semaphore_mem>>) src(%dma_wait3A_73 : memref<128xf32, #tpu.memory_space<vmem>>) dst(%dma_wait3A_78 : memref<10240xf32, #tpu.memory_space<vmem_shared>>)
    %barrier3A_79 = arith.constant 0 : index
    tpu.barrier barrier_id(%barrier3A_79)
    "tpu.region"() ({
      %run_scoped3A = tpu.sem_alloc : memref<!tpu.dma_semaphore, #tpu.memory_space<semaphore_mem>>
      tpu.enqueue_dma source(%arg10 : memref<10240xf32, #tpu.memory_space<vmem_shared>>) target(%arg11 : memref<10240xf32, #tpu.memory_space<vmem>>) target_semaphore(%run_scoped3A : memref<!tpu.dma_semaphore, #tpu.memory_space<semaphore_mem>>)
      tpu.wait_dma2 semaphore(%run_scoped3A : memref<!tpu.dma_semaphore, #tpu.memory_space<semaphore_mem>>) src(%arg10 : memref<10240xf32, #tpu.memory_space<vmem_shared>>) dst(%arg11 : memref<10240xf32, #tpu.memory_space<vmem>>)
      tpu.yield
    }) : () -> ()
    %scan3A = arith.constant 0 : i32
    %scan3A_80 = arith.constant 0 : i32
    %scan3A_81 = arith.constant 640 : i32
    %scan3A_82 = arith.addi %scan3A_80, %scan3A_81 : i32
    %scan3A_83 = arith.constant 1 : i32
    scf.for %scan3A_251 = %scan3A_80 to %scan3A_82 step %scan3A_83  : i32 {
      %mul3A_252 = arith.constant 16 : i32
      %mul3A_253 = arith.muli %scan3A_251, %mul3A_252 : i32
      %get3A = arith.index_cast %mul3A_253 : i32 to index
      %get3A_254 = tpu.vector_load %arg11[%get3A] {strides = array<i32>} : memref<10240xf32, #tpu.memory_space<vmem>>, vector<16xf32>,
      %eq3A = arith.constant 0.000000e+00 : f32
      %eq3A_255 = vector.broadcast %eq3A : f32 to vector<16xf32>
      %eq3A_256 = arith.cmpf oeq, %get3A_254, %eq3A_255 : vector<16xf32>
      %jit3A_257 = arith.constant 1.000000e+00 : f32
      %broadcast_in_dim3A = vector.broadcast %jit3A_257 : f32 to vector<16xf32>
      %select_n3A_258 = arith.select %eq3A_256, %broadcast_in_dim3A, %get3A_254 : vector<16xi1>, vector<16xf32>
      %swap3A = arith.index_cast %mul3A_253 : i32 to index
      %swap3A_259 = tpu.vector_load %arg11[%swap3A] {strides = array<i32>} : memref<10240xf32, #tpu.memory_space<vmem>>, vector<16xf32>,
      tpu.vector_store %arg11[%swap3A], %select_n3A_258 {strides = array<i32>} : memref<10240xf32, #tpu.memory_space<vmem>>, vector<16xf32>,
    }
    %scan3A_84 = arith.constant 640 : i32
    %rem3A_85 = arith.constant 0 : i32
    %rem3A_86 = arith.constant 3 : i32
    %rem3A_87 = arith.remsi %rem3A_85, %rem3A_86 : i32
    %add3A_88 = arith.constant 0 : i32
    %add3A_89 = arith.addi %add3A_7, %add3A_88 : i32
    %dma_start3A_90 = arith.constant 0 : i32
    %dma_start3A_91 = tpu.memref_slice %arg12[%rem3A_87, %dma_start3A_90] : memref<3x128xi32, #tpu.memory_space<vmem>> -> memref<1x128xi32, #tpu.memory_space<vmem>>
    %dma_start3A_92 = tpu.memref_squeeze %dma_start3A_91 : memref<1x128xi32, #tpu.memory_space<vmem>> -> memref<128xi32, #tpu.memory_space<vmem>>
    %dma_start3A_93 = tpu.memref_slice %arg2[%add3A_89] : memref<320000xi32, #tpu.memory_space<hbm>> -> memref<128xi32, #tpu.memory_space<hbm>>
    %dma_start3A_94 = tpu.memref_slice %arg16[%rem3A_87] : memref<3x!tpu.dma_semaphore, #tpu.memory_space<semaphore_mem>> -> memref<1x!tpu.dma_semaphore, #tpu.memory_space<semaphore_mem>>
    %dma_start3A_95 = tpu.memref_squeeze %dma_start3A_94 : memref<1x!tpu.dma_semaphore, #tpu.memory_space<semaphore_mem>> -> memref<!tpu.dma_semaphore, #tpu.memory_space<semaphore_mem>>
    %dma_start3A_96 = arith.constant 0 : i32
    %dma_start3A_97 = tpu.memref_slice %arg12[%rem3A_87, %dma_start3A_96] : memref<3x128xi32, #tpu.memory_space<vmem>> -> memref<1x128xi32, #tpu.memory_space<vmem>>
    %dma_start3A_98 = tpu.memref_squeeze %dma_start3A_97 : memref<1x128xi32, #tpu.memory_space<vmem>> -> memref<128xi32, #tpu.memory_space<vmem>>
    %dma_start3A_99 = tpu.memref_slice %arg2[%add3A_89] : memref<320000xi32, #tpu.memory_space<hbm>> -> memref<128xi32, #tpu.memory_space<hbm>>
    tpu.enqueue_dma source(%dma_start3A_99 : memref<128xi32, #tpu.memory_space<hbm>>) target(%dma_start3A_98 : memref<128xi32, #tpu.memory_space<vmem>>) target_semaphore(%dma_start3A_95 : memref<!tpu.dma_semaphore, #tpu.memory_space<semaphore_mem>>)
    %dma_start3A_100 = arith.constant 0 : i32
    %dma_start3A_101 = tpu.memref_slice %arg13[%rem3A_87, %dma_start3A_100] : memref<3x128xi32, #tpu.memory_space<vmem>> -> memref<1x128xi32, #tpu.memory_space<vmem>>
    %dma_start3A_102 = tpu.memref_squeeze %dma_start3A_101 : memref<1x128xi32, #tpu.memory_space<vmem>> -> memref<128xi32, #tpu.memory_space<vmem>>
    %dma_start3A_103 = tpu.memref_slice %arg3[%add3A_89] : memref<320000xi32, #tpu.memory_space<hbm>> -> memref<128xi32, #tpu.memory_space<hbm>>
    %dma_start3A_104 = tpu.memref_slice %arg16[%rem3A_87] : memref<3x!tpu.dma_semaphore, #tpu.memory_space<semaphore_mem>> -> memref<1x!tpu.dma_semaphore, #tpu.memory_space<semaphore_mem>>
    %dma_start3A_105 = tpu.memref_squeeze %dma_start3A_104 : memref<1x!tpu.dma_semaphore, #tpu.memory_space<semaphore_mem>> -> memref<!tpu.dma_semaphore, #tpu.memory_space<semaphore_mem>>
    %dma_start3A_106 = arith.constant 0 : i32
    %dma_start3A_107 = tpu.memref_slice %arg13[%rem3A_87, %dma_start3A_106] : memref<3x128xi32, #tpu.memory_space<vmem>> -> memref<1x128xi32, #tpu.memory_space<vmem>>
    %dma_start3A_108 = tpu.memref_squeeze %dma_start3A_107 : memref<1x128xi32, #tpu.memory_space<vmem>> -> memref<128xi32, #tpu.memory_space<vmem>>
    %dma_start3A_109 = tpu.memref_slice %arg3[%add3A_89] : memref<320000xi32, #tpu.memory_space<hbm>> -> memref<128xi32, #tpu.memory_space<hbm>>
    tpu.enqueue_dma source(%dma_start3A_109 : memref<128xi32, #tpu.memory_space<hbm>>) target(%dma_start3A_108 : memref<128xi32, #tpu.memory_space<vmem>>) target_semaphore(%dma_start3A_105 : memref<!tpu.dma_semaphore, #tpu.memory_space<semaphore_mem>>)
    %dma_start3A_110 = arith.constant 0 : i32
    %dma_start3A_111 = tpu.memref_slice %arg14[%rem3A_87, %dma_start3A_110] : memref<3x128xf32, #tpu.memory_space<vmem>> -> memref<1x128xf32, #tpu.memory_space<vmem>>
    %dma_start3A_112 = tpu.memref_squeeze %dma_start3A_111 : memref<1x128xf32, #tpu.memory_space<vmem>> -> memref<128xf32, #tpu.memory_space<vmem>>
    %dma_start3A_113 = tpu.memref_slice %arg4[%add3A_89] : memref<320000xf32, #tpu.memory_space<hbm>> -> memref<128xf32, #tpu.memory_space<hbm>>
    %dma_start3A_114 = tpu.memref_slice %arg16[%rem3A_87] : memref<3x!tpu.dma_semaphore, #tpu.memory_space<semaphore_mem>> -> memref<1x!tpu.dma_semaphore, #tpu.memory_space<semaphore_mem>>
    %dma_start3A_115 = tpu.memref_squeeze %dma_start3A_114 : memref<1x!tpu.dma_semaphore, #tpu.memory_space<semaphore_mem>> -> memref<!tpu.dma_semaphore, #tpu.memory_space<semaphore_mem>>
    %dma_start3A_116 = arith.constant 0 : i32
    %dma_start3A_117 = tpu.memref_slice %arg14[%rem3A_87, %dma_start3A_116] : memref<3x128xf32, #tpu.memory_space<vmem>> -> memref<1x128xf32, #tpu.memory_space<vmem>>
    %dma_start3A_118 = tpu.memref_squeeze %dma_start3A_117 : memref<1x128xf32, #tpu.memory_space<vmem>> -> memref<128xf32, #tpu.memory_space<vmem>>
    %dma_start3A_119 = tpu.memref_slice %arg4[%add3A_89] : memref<320000xf32, #tpu.memory_space<hbm>> -> memref<128xf32, #tpu.memory_space<hbm>>
    tpu.enqueue_dma source(%dma_start3A_119 : memref<128xf32, #tpu.memory_space<hbm>>) target(%dma_start3A_118 : memref<128xf32, #tpu.memory_space<vmem>>) target_semaphore(%dma_start3A_115 : memref<!tpu.dma_semaphore, #tpu.memory_space<semaphore_mem>>)
    %rem3A_120 = arith.constant 0 : i32
    %rem3A_121 = arith.constant 3 : i32
    %rem3A_122 = arith.remsi %rem3A_120, %rem3A_121 : i32
    %add3A_123 = arith.constant 0 : i32
    %add3A_124 = arith.addi %add3A_7, %add3A_123 : i32
    %dma_wait3A_125 = arith.constant 0 : i32
    %dma_wait3A_126 = tpu.memref_slice %arg12[%rem3A_122, %dma_wait3A_125] : memref<3x128xi32, #tpu.memory_space<vmem>> -> memref<1x128xi32, #tpu.memory_space<vmem>>
    %dma_wait3A_127 = tpu.memref_squeeze %dma_wait3A_126 : memref<1x128xi32, #tpu.memory_space<vmem>> -> memref<128xi32, #tpu.memory_space<vmem>>
    %dma_wait3A_128 = tpu.memref_slice %arg2[%add3A_124] : memref<320000xi32, #tpu.memory_space<hbm>> -> memref<128xi32, #tpu.memory_space<hbm>>
    %dma_wait3A_129 = tpu.memref_slice %arg16[%rem3A_122] : memref<3x!tpu.dma_semaphore, #tpu.memory_space<semaphore_mem>> -> memref<1x!tpu.dma_semaphore, #tpu.memory_space<semaphore_mem>>
    %dma_wait3A_130 = tpu.memref_squeeze %dma_wait3A_129 : memref<1x!tpu.dma_semaphore, #tpu.memory_space<semaphore_mem>> -> memref<!tpu.dma_semaphore, #tpu.memory_space<semaphore_mem>>
    %dma_wait3A_131 = arith.constant 0 : i32
    %dma_wait3A_132 = tpu.memref_slice %arg12[%rem3A_122, %dma_wait3A_131] : memref<3x128xi32, #tpu.memory_space<vmem>> -> memref<1x128xi32, #tpu.memory_space<vmem>>
    %dma_wait3A_133 = tpu.memref_squeeze %dma_wait3A_132 : memref<1x128xi32, #tpu.memory_space<vmem>> -> memref<128xi32, #tpu.memory_space<vmem>>
    %dma_wait3A_134 = tpu.memref_slice %arg2[%add3A_124] : memref<320000xi32, #tpu.memory_space<hbm>> -> memref<128xi32, #tpu.memory_space<hbm>>
    tpu.wait_dma2 semaphore(%dma_wait3A_130 : memref<!tpu.dma_semaphore, #tpu.memory_space<semaphore_mem>>) src(%dma_wait3A_134 : memref<128xi32, #tpu.memory_space<hbm>>) dst(%dma_wait3A_133 : memref<128xi32, #tpu.memory_space<vmem>>)
    %dma_wait3A_135 = arith.constant 0 : i32
    %dma_wait3A_136 = tpu.memref_slice %arg13[%rem3A_122, %dma_wait3A_135] : memref<3x128xi32, #tpu.memory_space<vmem>> -> memref<1x128xi32, #tpu.memory_space<vmem>>
    %dma_wait3A_137 = tpu.memref_squeeze %dma_wait3A_136 : memref<1x128xi32, #tpu.memory_space<vmem>> -> memref<128xi32, #tpu.memory_space<vmem>>
    %dma_wait3A_138 = tpu.memref_slice %arg3[%add3A_124] : memref<320000xi32, #tpu.memory_space<hbm>> -> memref<128xi32, #tpu.memory_space<hbm>>
    %dma_wait3A_139 = tpu.memref_slice %arg16[%rem3A_122] : memref<3x!tpu.dma_semaphore, #tpu.memory_space<semaphore_mem>> -> memref<1x!tpu.dma_semaphore, #tpu.memory_space<semaphore_mem>>
    %dma_wait3A_140 = tpu.memref_squeeze %dma_wait3A_139 : memref<1x!tpu.dma_semaphore, #tpu.memory_space<semaphore_mem>> -> memref<!tpu.dma_semaphore, #tpu.memory_space<semaphore_mem>>
    %dma_wait3A_141 = arith.constant 0 : i32
    %dma_wait3A_142 = tpu.memref_slice %arg13[%rem3A_122, %dma_wait3A_141] : memref<3x128xi32, #tpu.memory_space<vmem>> -> memref<1x128xi32, #tpu.memory_space<vmem>>
    %dma_wait3A_143 = tpu.memref_squeeze %dma_wait3A_142 : memref<1x128xi32, #tpu.memory_space<vmem>> -> memref<128xi32, #tpu.memory_space<vmem>>
    %dma_wait3A_144 = tpu.memref_slice %arg3[%add3A_124] : memref<320000xi32, #tpu.memory_space<hbm>> -> memref<128xi32, #tpu.memory_space<hbm>>
    tpu.wait_dma2 semaphore(%dma_wait3A_140 : memref<!tpu.dma_semaphore, #tpu.memory_space<semaphore_mem>>) src(%dma_wait3A_144 : memref<128xi32, #tpu.memory_space<hbm>>) dst(%dma_wait3A_143 : memref<128xi32, #tpu.memory_space<vmem>>)
    %dma_wait3A_145 = arith.constant 0 : i32
    %dma_wait3A_146 = tpu.memref_slice %arg14[%rem3A_122, %dma_wait3A_145] : memref<3x128xf32, #tpu.memory_space<vmem>> -> memref<1x128xf32, #tpu.memory_space<vmem>>
    %dma_wait3A_147 = tpu.memref_squeeze %dma_wait3A_146 : memref<1x128xf32, #tpu.memory_space<vmem>> -> memref<128xf32, #tpu.memory_space<vmem>>
    %dma_wait3A_148 = tpu.memref_slice %arg4[%add3A_124] : memref<320000xf32, #tpu.memory_space<hbm>> -> memref<128xf32, #tpu.memory_space<hbm>>
    %dma_wait3A_149 = tpu.memref_slice %arg16[%rem3A_122] : memref<3x!tpu.dma_semaphore, #tpu.memory_space<semaphore_mem>> -> memref<1x!tpu.dma_semaphore, #tpu.memory_space<semaphore_mem>>
    %dma_wait3A_150 = tpu.memref_squeeze %dma_wait3A_149 : memref<1x!tpu.dma_semaphore, #tpu.memory_space<semaphore_mem>> -> memref<!tpu.dma_semaphore, #tpu.memory_space<semaphore_mem>>
    %dma_wait3A_151 = arith.constant 0 : i32
    %dma_wait3A_152 = tpu.memref_slice %arg14[%rem3A_122, %dma_wait3A_151] : memref<3x128xf32, #tpu.memory_space<vmem>> -> memref<1x128xf32, #tpu.memory_space<vmem>>
    %dma_wait3A_153 = tpu.memref_squeeze %dma_wait3A_152 : memref<1x128xf32, #tpu.memory_space<vmem>> -> memref<128xf32, #tpu.memory_space<vmem>>
    %dma_wait3A_154 = tpu.memref_slice %arg4[%add3A_124] : memref<320000xf32, #tpu.memory_space<hbm>> -> memref<128xf32, #tpu.memory_space<hbm>>
    tpu.wait_dma2 semaphore(%dma_wait3A_150 : memref<!tpu.dma_semaphore, #tpu.memory_space<semaphore_mem>>) src(%dma_wait3A_154 : memref<128xf32, #tpu.memory_space<hbm>>) dst(%dma_wait3A_153 : memref<128xf32, #tpu.memory_space<vmem>>)
    %rem3A_155 = arith.constant 0 : i32
    %rem3A_156 = arith.constant 2 : i32
    %rem3A_157 = arith.remsi %rem3A_155, %rem3A_156 : i32
    %rem3A_158 = arith.constant 0 : i32
    %rem3A_159 = arith.constant 3 : i32
    %rem3A_160 = arith.remsi %rem3A_158, %rem3A_159 : i32
    %dma_start3A_161 = arith.constant 1 : i32
    %dma_start3A_162 = arith.constant 0 : i32
    %dma_start3A_163 = arith.constant 0 : i32
    %dma_start3A_164 = tpu.memref_slice %arg15[%rem3A_157, %dma_start3A_162, %dma_start3A_163] : memref<2x128x128xf32, #tpu.memory_space<vmem>> -> memref<1x128x128xf32, #tpu.memory_space<vmem>>
    %dma_start3A_165 = tpu.memref_squeeze %dma_start3A_164 : memref<1x128x128xf32, #tpu.memory_space<vmem>> -> memref<128x128xf32, #tpu.memory_space<vmem>>
    %dma_start3A_166 = arith.constant 0 : i32
    %dma_start3A_167 = tpu.memref_slice %arg12[%rem3A_160, %dma_start3A_166] : memref<3x128xi32, #tpu.memory_space<vmem>> -> memref<1x128xi32, #tpu.memory_space<vmem>>
    %dma_start3A_168 = tpu.memref_squeeze %dma_start3A_167 : memref<1x128xi32, #tpu.memory_space<vmem>> -> memref<128xi32, #tpu.memory_space<vmem>>
    %dma_start3A_169 = arith.constant 0 : i32
    %dma_start3A_170 = arith.constant 0 : i32
    %dma_start3A_171 = arith.constant 0 : i32
    %dma_start3A_172 = tpu.memref_slice %arg5[%dma_start3A_161, %dma_start3A_169, %dma_start3A_170, %dma_start3A_171] : memref<2x2x10000x128xf32, #tpu.memory_space<hbm>> -> memref<1x2x10000x128xf32, #tpu.memory_space<hbm>>
    %dma_start3A_173 = tpu.memref_squeeze %dma_start3A_172 : memref<1x2x10000x128xf32, #tpu.memory_space<hbm>> -> memref<2x10000x128xf32, #tpu.memory_space<hbm>>
    %dma_start3A_174 = arith.constant 0 : i32
    %dma_start3A_175 = arith.constant 0 : i32
    %dma_start3A_176 = tpu.memref_slice %dma_start3A_173[%arg0, %dma_start3A_174, %dma_start3A_175] : memref<2x10000x128xf32, #tpu.memory_space<hbm>> -> memref<1x10000x128xf32, #tpu.memory_space<hbm>>
    %dma_start3A_177 = tpu.memref_squeeze %dma_start3A_176 : memref<1x10000x128xf32, #tpu.memory_space<hbm>> -> memref<10000x128xf32, #tpu.memory_space<hbm>>
    %dma_start3A_178 = arith.constant 0 : i32
    %dma_start3A_179 = arith.constant 0 : i32
    %dma_start3A_180 = tpu.memref_slice %dma_start3A_177[%dma_start3A_178, %dma_start3A_179] : memref<10000x128xf32, #tpu.memory_space<hbm>> -> memref<10000x128xf32, #tpu.memory_space<hbm>>
    %dma_start3A_181 = tpu.memref_slice %arg17[%rem3A_157] : memref<2x!tpu.dma_semaphore, #tpu.memory_space<semaphore_mem>> -> memref<1x!tpu.dma_semaphore, #tpu.memory_space<semaphore_mem>>
    %dma_start3A_182 = tpu.memref_squeeze %dma_start3A_181 : memref<1x!tpu.dma_semaphore, #tpu.memory_space<semaphore_mem>> -> memref<!tpu.dma_semaphore, #tpu.memory_space<semaphore_mem>>
    tpu.enqueue_indirect_dma source(%dma_start3A_180 : memref<10000x128xf32, #tpu.memory_space<hbm>>) target(%dma_start3A_165 : memref<128x128xf32, #tpu.memory_space<vmem>>) offsets(%dma_start3A_168 : memref<128xi32, #tpu.memory_space<vmem>>) semaphore(%dma_start3A_182 : memref<!tpu.dma_semaphore, #tpu.memory_space<semaphore_mem>>)
    %rem3A_183 = arith.constant 1 : i32
    %rem3A_184 = arith.constant 3 : i32
    %rem3A_185 = arith.remsi %rem3A_183, %rem3A_184 : i32
    %add3A_186 = arith.constant 128 : i32
    %add3A_187 = arith.addi %add3A_7, %add3A_186 : i32
    %dma_start3A_188 = arith.constant 0 : i32
    %dma_start3A_189 = tpu.memref_slice %arg12[%rem3A_185, %dma_start3A_188] : memref<3x128xi32, #tpu.memory_space<vmem>> -> memref<1x128xi32, #tpu.memory_space<vmem>>
    %dma_start3A_190 = tpu.memref_squeeze %dma_start3A_189 : memref<1x128xi32, #tpu.memory_space<vmem>> -> memref<128xi32, #tpu.memory_space<vmem>>
    %dma_start3A_191 = tpu.memref_slice %arg2[%add3A_187] : memref<320000xi32, #tpu.memory_space<hbm>> -> memref<128xi32, #tpu.memory_space<hbm>>
    %dma_start3A_192 = tpu.memref_slice %arg16[%rem3A_185] : memref<3x!tpu.dma_semaphore, #tpu.memory_space<semaphore_mem>> -> memref<1x!tpu.dma_semaphore, #tpu.memory_space<semaphore_mem>>
    %dma_start3A_193 = tpu.memref_squeeze %dma_start3A_192 : memref<1x!tpu.dma_semaphore, #tpu.memory_space<semaphore_mem>> -> memref<!tpu.dma_semaphore, #tpu.memory_space<semaphore_mem>>
    %dma_start3A_194 = arith.constant 0 : i32
    %dma_start3A_195 = tpu.memref_slice %arg12[%rem3A_185, %dma_start3A_194] : memref<3x128xi32, #tpu.memory_space<vmem>> -> memref<1x128xi32, #tpu.memory_space<vmem>>
    %dma_start3A_196 = tpu.memref_squeeze %dma_start3A_195 : memref<1x128xi32, #tpu.memory_space<vmem>> -> memref<128xi32, #tpu.memory_space<vmem>>
    %dma_start3A_197 = tpu.memref_slice %arg2[%add3A_187] : memref<320000xi32, #tpu.memory_space<hbm>> -> memref<128xi32, #tpu.memory_space<hbm>>
    tpu.enqueue_dma source(%dma_start3A_197 : memref<128xi32, #tpu.memory_space<hbm>>) target(%dma_start3A_196 : memref<128xi32, #tpu.memory_space<vmem>>) target_semaphore(%dma_start3A_193 : memref<!tpu.dma_semaphore, #tpu.memory_space<semaphore_mem>>)
    %dma_start3A_198 = arith.constant 0 : i32
    %dma_start3A_199 = tpu.memref_slice %arg13[%rem3A_185, %dma_start3A_198] : memref<3x128xi32, #tpu.memory_space<vmem>> -> memref<1x128xi32, #tpu.memory_space<vmem>>
    %dma_start3A_200 = tpu.memref_squeeze %dma_start3A_199 : memref<1x128xi32, #tpu.memory_space<vmem>> -> memref<128xi32, #tpu.memory_space<vmem>>
    %dma_start3A_201 = tpu.memref_slice %arg3[%add3A_187] : memref<320000xi32, #tpu.memory_space<hbm>> -> memref<128xi32, #tpu.memory_space<hbm>>
    %dma_start3A_202 = tpu.memref_slice %arg16[%rem3A_185] : memref<3x!tpu.dma_semaphore, #tpu.memory_space<semaphore_mem>> -> memref<1x!tpu.dma_semaphore, #tpu.memory_space<semaphore_mem>>
    %dma_start3A_203 = tpu.memref_squeeze %dma_start3A_202 : memref<1x!tpu.dma_semaphore, #tpu.memory_space<semaphore_mem>> -> memref<!tpu.dma_semaphore, #tpu.memory_space<semaphore_mem>>
    %dma_start3A_204 = arith.constant 0 : i32
    %dma_start3A_205 = tpu.memref_slice %arg13[%rem3A_185, %dma_start3A_204] : memref<3x128xi32, #tpu.memory_space<vmem>> -> memref<1x128xi32, #tpu.memory_space<vmem>>
    %dma_start3A_206 = tpu.memref_squeeze %dma_start3A_205 : memref<1x128xi32, #tpu.memory_space<vmem>> -> memref<128xi32, #tpu.memory_space<vmem>>
    %dma_start3A_207 = tpu.memref_slice %arg3[%add3A_187] : memref<320000xi32, #tpu.memory_space<hbm>> -> memref<128xi32, #tpu.memory_space<hbm>>
    tpu.enqueue_dma source(%dma_start3A_207 : memref<128xi32, #tpu.memory_space<hbm>>) target(%dma_start3A_206 : memref<128xi32, #tpu.memory_space<vmem>>) target_semaphore(%dma_start3A_203 : memref<!tpu.dma_semaphore, #tpu.memory_space<semaphore_mem>>)
    %dma_start3A_208 = arith.constant 0 : i32
    %dma_start3A_209 = tpu.memref_slice %arg14[%rem3A_185, %dma_start3A_208] : memref<3x128xf32, #tpu.memory_space<vmem>> -> memref<1x128xf32, #tpu.memory_space<vmem>>
    %dma_start3A_210 = tpu.memref_squeeze %dma_start3A_209 : memref<1x128xf32, #tpu.memory_space<vmem>> -> memref<128xf32, #tpu.memory_space<vmem>>
    %dma_start3A_211 = tpu.memref_slice %arg4[%add3A_187] : memref<320000xf32, #tpu.memory_space<hbm>> -> memref<128xf32, #tpu.memory_space<hbm>>
    %dma_start3A_212 = tpu.memref_slice %arg16[%rem3A_185] : memref<3x!tpu.dma_semaphore, #tpu.memory_space<semaphore_mem>> -> memref<1x!tpu.dma_semaphore, #tpu.memory_space<semaphore_mem>>
    %dma_start3A_213 = tpu.memref_squeeze %dma_start3A_212 : memref<1x!tpu.dma_semaphore, #tpu.memory_space<semaphore_mem>> -> memref<!tpu.dma_semaphore, #tpu.memory_space<semaphore_mem>>
    %dma_start3A_214 = arith.constant 0 : i32
    %dma_start3A_215 = tpu.memref_slice %arg14[%rem3A_185, %dma_start3A_214] : memref<3x128xf32, #tpu.memory_space<vmem>> -> memref<1x128xf32, #tpu.memory_space<vmem>>
    %dma_start3A_216 = tpu.memref_squeeze %dma_start3A_215 : memref<1x128xf32, #tpu.memory_space<vmem>> -> memref<128xf32, #tpu.memory_space<vmem>>
    %dma_start3A_217 = tpu.memref_slice %arg4[%add3A_187] : memref<320000xf32, #tpu.memory_space<hbm>> -> memref<128xf32, #tpu.memory_space<hbm>>
    tpu.enqueue_dma source(%dma_start3A_217 : memref<128xf32, #tpu.memory_space<hbm>>) target(%dma_start3A_216 : memref<128xf32, #tpu.memory_space<vmem>>) target_semaphore(%dma_start3A_213 : memref<!tpu.dma_semaphore, #tpu.memory_space<semaphore_mem>>)
    %while3A_218 = arith.constant 0 : i32
    %while3A_219 = arith.constant 0 : i32
    %while3A_220 = arith.subi %add3A_2, %while3A_219 : i32
    %while3A_221 = arith.addi %while3A_219, %while3A_220 : i32
    %while3A_222 = arith.constant 1 : i32
    %while3A_223 = arith.divsi %while3A_220, %while3A_222 : i32
    %while3A_224 = arith.muli %while3A_223, %while3A_222 : i32
    %while3A_225 = arith.addi %while3A_219, %while3A_224 : i32
    %while3A_226 = arith.constant 1 : i32
    scf.for %while3A_251 = %while3A_219 to %while3A_225 step %while3A_226  : i32 {
      %rem3A_252 = arith.constant 3 : i32
      %rem3A_253 = arith.remsi %while3A_251, %rem3A_252 : i32
      %ge3A = arith.constant 1 : i32
      %ge3A_254 = arith.cmpi sge, %while3A_251, %ge3A : i32
      %convert_element_type3A = arith.extui %ge3A_254 : i1 to i32
      %cond3A = arith.constant 0 : i32
      %cond3A_255 = arith.cmpi ne, %convert_element_type3A, %cond3A : i32
      scf.if %cond3A_255 {
        %sub3A_317 = arith.constant 1 : i32
        %sub3A_318 = arith.subi %while3A_251, %sub3A_317 : i32
        %rem3A_319 = arith.constant 2 : i32
        %rem3A_320 = arith.remsi %sub3A_318, %rem3A_319 : i32
        %rem3A_321 = arith.constant 3 : i32
        %rem3A_322 = arith.remsi %sub3A_318, %rem3A_321 : i32
        %dma_wait3A_323 = arith.constant 0 : i32
        %dma_wait3A_324 = arith.constant 0 : i32
        %dma_wait3A_325 = tpu.memref_slice %arg15[%rem3A_320, %dma_wait3A_323, %dma_wait3A_324] : memref<2x128x128xf32, #tpu.memory_space<vmem>> -> memref<1x128x128xf32, #tpu.memory_space<vmem>>
        %dma_wait3A_326 = tpu.memref_squeeze %dma_wait3A_325 : memref<1x128x128xf32, #tpu.memory_space<vmem>> -> memref<128x128xf32, #tpu.memory_space<vmem>>
        %dma_wait3A_327 = arith.constant 0 : i32
        %dma_wait3A_328 = tpu.memref_slice %arg13[%rem3A_322, %dma_wait3A_327] : memref<3x128xi32, #tpu.memory_space<vmem>> -> memref<1x128xi32, #tpu.memory_space<vmem>>
        %dma_wait3A_329 = tpu.memref_squeeze %dma_wait3A_328 : memref<1x128xi32, #tpu.memory_space<vmem>> -> memref<128xi32, #tpu.memory_space<vmem>>
        %dma_wait3A_330 = arith.constant 0 : i32
        %dma_wait3A_331 = arith.constant 0 : i32
        %dma_wait3A_332 = tpu.memref_slice %arg9[%dma_wait3A_330, %dma_wait3A_331] : memref<10240x128xf32, #tpu.memory_space<vmem_shared>> -> memref<10240x128xf32, #tpu.memory_space<vmem_shared>>
        %dma_wait3A_333 = tpu.memref_slice %arg19[%rem3A_320] : memref<2x!tpu.dma_semaphore, #tpu.memory_space<semaphore_mem>> -> memref<1x!tpu.dma_semaphore, #tpu.memory_space<semaphore_mem>>
        %dma_wait3A_334 = tpu.memref_squeeze %dma_wait3A_333 : memref<1x!tpu.dma_semaphore, #tpu.memory_space<semaphore_mem>> -> memref<!tpu.dma_semaphore, #tpu.memory_space<semaphore_mem>>
        tpu.wait_indirect_dma semaphore(%dma_wait3A_334 : memref<!tpu.dma_semaphore, #tpu.memory_space<semaphore_mem>>) src(%dma_wait3A_326 : memref<128x128xf32, #tpu.memory_space<vmem>>) dst(%dma_wait3A_332 : memref<10240x128xf32, #tpu.memory_space<vmem_shared>>)
      } else {
      }
      %add3A_256 = arith.constant 1 : i32
      %add3A_257 = arith.addi %while3A_251, %add3A_256 : i32
      %lt3A_258 = arith.cmpi slt, %add3A_257, %add3A_2 : i32
      %convert_element_type3A_259 = arith.extui %lt3A_258 : i1 to i32
      %cond3A_260 = arith.constant 0 : i32
      %cond3A_261 = arith.cmpi ne, %convert_element_type3A_259, %cond3A_260 : i32
      scf.if %cond3A_261 {
        %add3A_317 = arith.constant 1 : i32
        %add3A_318 = arith.addi %while3A_251, %add3A_317 : i32
        %rem3A_319 = arith.constant 3 : i32
        %rem3A_320 = arith.remsi %add3A_318, %rem3A_319 : i32
        %mul3A_321 = arith.constant 128 : i32
        %mul3A_322 = arith.muli %add3A_318, %mul3A_321 : i32
        %add3A_323 = arith.addi %add3A_7, %mul3A_322 : i32
        %dma_wait3A_324 = arith.constant 0 : i32
        %dma_wait3A_325 = tpu.memref_slice %arg12[%rem3A_320, %dma_wait3A_324] : memref<3x128xi32, #tpu.memory_space<vmem>> -> memref<1x128xi32, #tpu.memory_space<vmem>>
        %dma_wait3A_326 = tpu.memref_squeeze %dma_wait3A_325 : memref<1x128xi32, #tpu.memory_space<vmem>> -> memref<128xi32, #tpu.memory_space<vmem>>
        %dma_wait3A_327 = tpu.memref_slice %arg2[%add3A_323] : memref<320000xi32, #tpu.memory_space<hbm>> -> memref<128xi32, #tpu.memory_space<hbm>>
        %dma_wait3A_328 = tpu.memref_slice %arg16[%rem3A_320] : memref<3x!tpu.dma_semaphore, #tpu.memory_space<semaphore_mem>> -> memref<1x!tpu.dma_semaphore, #tpu.memory_space<semaphore_mem>>
        %dma_wait3A_329 = tpu.memref_squeeze %dma_wait3A_328 : memref<1x!tpu.dma_semaphore, #tpu.memory_space<semaphore_mem>> -> memref<!tpu.dma_semaphore, #tpu.memory_space<semaphore_mem>>
        %dma_wait3A_330 = arith.constant 0 : i32
        %dma_wait3A_331 = tpu.memref_slice %arg12[%rem3A_320, %dma_wait3A_330] : memref<3x128xi32, #tpu.memory_space<vmem>> -> memref<1x128xi32, #tpu.memory_space<vmem>>
        %dma_wait3A_332 = tpu.memref_squeeze %dma_wait3A_331 : memref<1x128xi32, #tpu.memory_space<vmem>> -> memref<128xi32, #tpu.memory_space<vmem>>
        %dma_wait3A_333 = tpu.memref_slice %arg2[%add3A_323] : memref<320000xi32, #tpu.memory_space<hbm>> -> memref<128xi32, #tpu.memory_space<hbm>>
        tpu.wait_dma2 semaphore(%dma_wait3A_329 : memref<!tpu.dma_semaphore, #tpu.memory_space<semaphore_mem>>) src(%dma_wait3A_333 : memref<128xi32, #tpu.memory_space<hbm>>) dst(%dma_wait3A_332 : memref<128xi32, #tpu.memory_space<vmem>>)
        %dma_wait3A_334 = arith.constant 0 : i32
        %dma_wait3A_335 = tpu.memref_slice %arg13[%rem3A_320, %dma_wait3A_334] : memref<3x128xi32, #tpu.memory_space<vmem>> -> memref<1x128xi32, #tpu.memory_space<vmem>>
        %dma_wait3A_336 = tpu.memref_squeeze %dma_wait3A_335 : memref<1x128xi32, #tpu.memory_space<vmem>> -> memref<128xi32, #tpu.memory_space<vmem>>
        %dma_wait3A_337 = tpu.memref_slice %arg3[%add3A_323] : memref<320000xi32, #tpu.memory_space<hbm>> -> memref<128xi32, #tpu.memory_space<hbm>>
        %dma_wait3A_338 = tpu.memref_slice %arg16[%rem3A_320] : memref<3x!tpu.dma_semaphore, #tpu.memory_space<semaphore_mem>> -> memref<1x!tpu.dma_semaphore, #tpu.memory_space<semaphore_mem>>
        %dma_wait3A_339 = tpu.memref_squeeze %dma_wait3A_338 : memref<1x!tpu.dma_semaphore, #tpu.memory_space<semaphore_mem>> -> memref<!tpu.dma_semaphore, #tpu.memory_space<semaphore_mem>>
        %dma_wait3A_340 = arith.constant 0 : i32
        %dma_wait3A_341 = tpu.memref_slice %arg13[%rem3A_320, %dma_wait3A_340] : memref<3x128xi32, #tpu.memory_space<vmem>> -> memref<1x128xi32, #tpu.memory_space<vmem>>
        %dma_wait3A_342 = tpu.memref_squeeze %dma_wait3A_341 : memref<1x128xi32, #tpu.memory_space<vmem>> -> memref<128xi32, #tpu.memory_space<vmem>>
        %dma_wait3A_343 = tpu.memref_slice %arg3[%add3A_323] : memref<320000xi32, #tpu.memory_space<hbm>> -> memref<128xi32, #tpu.memory_space<hbm>>
        tpu.wait_dma2 semaphore(%dma_wait3A_339 : memref<!tpu.dma_semaphore, #tpu.memory_space<semaphore_mem>>) src(%dma_wait3A_343 : memref<128xi32, #tpu.memory_space<hbm>>) dst(%dma_wait3A_342 : memref<128xi32, #tpu.memory_space<vmem>>)
        %dma_wait3A_344 = arith.constant 0 : i32
        %dma_wait3A_345 = tpu.memref_slice %arg14[%rem3A_320, %dma_wait3A_344] : memref<3x128xf32, #tpu.memory_space<vmem>> -> memref<1x128xf32, #tpu.memory_space<vmem>>
        %dma_wait3A_346 = tpu.memref_squeeze %dma_wait3A_345 : memref<1x128xf32, #tpu.memory_space<vmem>> -> memref<128xf32, #tpu.memory_space<vmem>>
        %dma_wait3A_347 = tpu.memref_slice %arg4[%add3A_323] : memref<320000xf32, #tpu.memory_space<hbm>> -> memref<128xf32, #tpu.memory_space<hbm>>
        %dma_wait3A_348 = tpu.memref_slice %arg16[%rem3A_320] : memref<3x!tpu.dma_semaphore, #tpu.memory_space<semaphore_mem>> -> memref<1x!tpu.dma_semaphore, #tpu.memory_space<semaphore_mem>>
        %dma_wait3A_349 = tpu.memref_squeeze %dma_wait3A_348 : memref<1x!tpu.dma_semaphore, #tpu.memory_space<semaphore_mem>> -> memref<!tpu.dma_semaphore, #tpu.memory_space<semaphore_mem>>
        %dma_wait3A_350 = arith.constant 0 : i32
        %dma_wait3A_351 = tpu.memref_slice %arg14[%rem3A_320, %dma_wait3A_350] : memref<3x128xf32, #tpu.memory_space<vmem>> -> memref<1x128xf32, #tpu.memory_space<vmem>>
        %dma_wait3A_352 = tpu.memref_squeeze %dma_wait3A_351 : memref<1x128xf32, #tpu.memory_space<vmem>> -> memref<128xf32, #tpu.memory_space<vmem>>
        %dma_wait3A_353 = tpu.memref_slice %arg4[%add3A_323] : memref<320000xf32, #tpu.memory_space<hbm>> -> memref<128xf32, #tpu.memory_space<hbm>>
        tpu.wait_dma2 semaphore(%dma_wait3A_349 : memref<!tpu.dma_semaphore, #tpu.memory_space<semaphore_mem>>) src(%dma_wait3A_353 : memref<128xf32, #tpu.memory_space<hbm>>) dst(%dma_wait3A_352 : memref<128xf32, #tpu.memory_space<vmem>>)
        %add3A_354 = arith.constant 1 : i32
        %add3A_355 = arith.addi %while3A_251, %add3A_354 : i32
        %rem3A_356 = arith.constant 2 : i32
        %rem3A_357 = arith.remsi %add3A_355, %rem3A_356 : i32
        %rem3A_358 = arith.constant 3 : i32
        %rem3A_359 = arith.remsi %add3A_355, %rem3A_358 : i32
        %dma_start3A_360 = arith.constant 1 : i32
        %dma_start3A_361 = arith.constant 0 : i32
        %dma_start3A_362 = arith.constant 0 : i32
        %dma_start3A_363 = tpu.memref_slice %arg15[%rem3A_357, %dma_start3A_361, %dma_start3A_362] : memref<2x128x128xf32, #tpu.memory_space<vmem>> -> memref<1x128x128xf32, #tpu.memory_space<vmem>>
        %dma_start3A_364 = tpu.memref_squeeze %dma_start3A_363 : memref<1x128x128xf32, #tpu.memory_space<vmem>> -> memref<128x128xf32, #tpu.memory_space<vmem>>
        %dma_start3A_365 = arith.constant 0 : i32
        %dma_start3A_366 = tpu.memref_slice %arg12[%rem3A_359, %dma_start3A_365] : memref<3x128xi32, #tpu.memory_space<vmem>> -> memref<1x128xi32, #tpu.memory_space<vmem>>
        %dma_start3A_367 = tpu.memref_squeeze %dma_start3A_366 : memref<1x128xi32, #tpu.memory_space<vmem>> -> memref<128xi32, #tpu.memory_space<vmem>>
        %dma_start3A_368 = arith.constant 0 : i32
        %dma_start3A_369 = arith.constant 0 : i32
        %dma_start3A_370 = arith.constant 0 : i32
        %dma_start3A_371 = tpu.memref_slice %arg5[%dma_start3A_360, %dma_start3A_368, %dma_start3A_369, %dma_start3A_370] : memref<2x2x10000x128xf32, #tpu.memory_space<hbm>> -> memref<1x2x10000x128xf32, #tpu.memory_space<hbm>>
        %dma_start3A_372 = tpu.memref_squeeze %dma_start3A_371 : memref<1x2x10000x128xf32, #tpu.memory_space<hbm>> -> memref<2x10000x128xf32, #tpu.memory_space<hbm>>
        %dma_start3A_373 = arith.constant 0 : i32
        %dma_start3A_374 = arith.constant 0 : i32
        %dma_start3A_375 = tpu.memref_slice %dma_start3A_372[%arg0, %dma_start3A_373, %dma_start3A_374] : memref<2x10000x128xf32, #tpu.memory_space<hbm>> -> memref<1x10000x128xf32, #tpu.memory_space<hbm>>
        %dma_start3A_376 = tpu.memref_squeeze %dma_start3A_375 : memref<1x10000x128xf32, #tpu.memory_space<hbm>> -> memref<10000x128xf32, #tpu.memory_space<hbm>>
        %dma_start3A_377 = arith.constant 0 : i32
        %dma_start3A_378 = arith.constant 0 : i32
        %dma_start3A_379 = tpu.memref_slice %dma_start3A_376[%dma_start3A_377, %dma_start3A_378] : memref<10000x128xf32, #tpu.memory_space<hbm>> -> memref<10000x128xf32, #tpu.memory_space<hbm>>
        %dma_start3A_380 = tpu.memref_slice %arg17[%rem3A_357] : memref<2x!tpu.dma_semaphore, #tpu.memory_space<semaphore_mem>> -> memref<1x!tpu.dma_semaphore, #tpu.memory_space<semaphore_mem>>
        %dma_start3A_381 = tpu.memref_squeeze %dma_start3A_380 : memref<1x!tpu.dma_semaphore, #tpu.memory_space<semaphore_mem>> -> memref<!tpu.dma_semaphore, #tpu.memory_space<semaphore_mem>>
        tpu.enqueue_indirect_dma source(%dma_start3A_379 : memref<10000x128xf32, #tpu.memory_space<hbm>>) target(%dma_start3A_364 : memref<128x128xf32, #tpu.memory_space<vmem>>) offsets(%dma_start3A_367 : memref<128xi32, #tpu.memory_space<vmem>>) semaphore(%dma_start3A_381 : memref<!tpu.dma_semaphore, #tpu.memory_space<semaphore_mem>>)
      } else {
      }
      %add3A_262 = arith.constant 2 : i32
      %add3A_263 = arith.addi %while3A_251, %add3A_262 : i32
      %lt3A_264 = arith.cmpi slt, %add3A_263, %add3A_2 : i32
      %convert_element_type3A_265 = arith.extui %lt3A_264 : i1 to i32
      %cond3A_266 = arith.constant 0 : i32
      %cond3A_267 = arith.cmpi ne, %convert_element_type3A_265, %cond3A_266 : i32
      scf.if %cond3A_267 {
        %add3A_317 = arith.constant 2 : i32
        %add3A_318 = arith.addi %while3A_251, %add3A_317 : i32
        %rem3A_319 = arith.constant 3 : i32
        %rem3A_320 = arith.remsi %add3A_318, %rem3A_319 : i32
        %mul3A_321 = arith.constant 128 : i32
        %mul3A_322 = arith.muli %add3A_318, %mul3A_321 : i32
        %add3A_323 = arith.addi %add3A_7, %mul3A_322 : i32
        %dma_start3A_324 = arith.constant 0 : i32
        %dma_start3A_325 = tpu.memref_slice %arg12[%rem3A_320, %dma_start3A_324] : memref<3x128xi32, #tpu.memory_space<vmem>> -> memref<1x128xi32, #tpu.memory_space<vmem>>
        %dma_start3A_326 = tpu.memref_squeeze %dma_start3A_325 : memref<1x128xi32, #tpu.memory_space<vmem>> -> memref<128xi32, #tpu.memory_space<vmem>>
        %dma_start3A_327 = tpu.memref_slice %arg2[%add3A_323] : memref<320000xi32, #tpu.memory_space<hbm>> -> memref<128xi32, #tpu.memory_space<hbm>>
        %dma_start3A_328 = tpu.memref_slice %arg16[%rem3A_320] : memref<3x!tpu.dma_semaphore, #tpu.memory_space<semaphore_mem>> -> memref<1x!tpu.dma_semaphore, #tpu.memory_space<semaphore_mem>>
        %dma_start3A_329 = tpu.memref_squeeze %dma_start3A_328 : memref<1x!tpu.dma_semaphore, #tpu.memory_space<semaphore_mem>> -> memref<!tpu.dma_semaphore, #tpu.memory_space<semaphore_mem>>
        %dma_start3A_330 = arith.constant 0 : i32
        %dma_start3A_331 = tpu.memref_slice %arg12[%rem3A_320, %dma_start3A_330] : memref<3x128xi32, #tpu.memory_space<vmem>> -> memref<1x128xi32, #tpu.memory_space<vmem>>
        %dma_start3A_332 = tpu.memref_squeeze %dma_start3A_331 : memref<1x128xi32, #tpu.memory_space<vmem>> -> memref<128xi32, #tpu.memory_space<vmem>>
        %dma_start3A_333 = tpu.memref_slice %arg2[%add3A_323] : memref<320000xi32, #tpu.memory_space<hbm>> -> memref<128xi32, #tpu.memory_space<hbm>>
        tpu.enqueue_dma source(%dma_start3A_333 : memref<128xi32, #tpu.memory_space<hbm>>) target(%dma_start3A_332 : memref<128xi32, #tpu.memory_space<vmem>>) target_semaphore(%dma_start3A_329 : memref<!tpu.dma_semaphore, #tpu.memory_space<semaphore_mem>>)
        %dma_start3A_334 = arith.constant 0 : i32
        %dma_start3A_335 = tpu.memref_slice %arg13[%rem3A_320, %dma_start3A_334] : memref<3x128xi32, #tpu.memory_space<vmem>> -> memref<1x128xi32, #tpu.memory_space<vmem>>
        %dma_start3A_336 = tpu.memref_squeeze %dma_start3A_335 : memref<1x128xi32, #tpu.memory_space<vmem>> -> memref<128xi32, #tpu.memory_space<vmem>>
        %dma_start3A_337 = tpu.memref_slice %arg3[%add3A_323] : memref<320000xi32, #tpu.memory_space<hbm>> -> memref<128xi32, #tpu.memory_space<hbm>>
        %dma_start3A_338 = tpu.memref_slice %arg16[%rem3A_320] : memref<3x!tpu.dma_semaphore, #tpu.memory_space<semaphore_mem>> -> memref<1x!tpu.dma_semaphore, #tpu.memory_space<semaphore_mem>>
        %dma_start3A_339 = tpu.memref_squeeze %dma_start3A_338 : memref<1x!tpu.dma_semaphore, #tpu.memory_space<semaphore_mem>> -> memref<!tpu.dma_semaphore, #tpu.memory_space<semaphore_mem>>
        %dma_start3A_340 = arith.constant 0 : i32
        %dma_start3A_341 = tpu.memref_slice %arg13[%rem3A_320, %dma_start3A_340] : memref<3x128xi32, #tpu.memory_space<vmem>> -> memref<1x128xi32, #tpu.memory_space<vmem>>
        %dma_start3A_342 = tpu.memref_squeeze %dma_start3A_341 : memref<1x128xi32, #tpu.memory_space<vmem>> -> memref<128xi32, #tpu.memory_space<vmem>>
        %dma_start3A_343 = tpu.memref_slice %arg3[%add3A_323] : memref<320000xi32, #tpu.memory_space<hbm>> -> memref<128xi32, #tpu.memory_space<hbm>>
        tpu.enqueue_dma source(%dma_start3A_343 : memref<128xi32, #tpu.memory_space<hbm>>) target(%dma_start3A_342 : memref<128xi32, #tpu.memory_space<vmem>>) target_semaphore(%dma_start3A_339 : memref<!tpu.dma_semaphore, #tpu.memory_space<semaphore_mem>>)
        %dma_start3A_344 = arith.constant 0 : i32
        %dma_start3A_345 = tpu.memref_slice %arg14[%rem3A_320, %dma_start3A_344] : memref<3x128xf32, #tpu.memory_space<vmem>> -> memref<1x128xf32, #tpu.memory_space<vmem>>
        %dma_start3A_346 = tpu.memref_squeeze %dma_start3A_345 : memref<1x128xf32, #tpu.memory_space<vmem>> -> memref<128xf32, #tpu.memory_space<vmem>>
        %dma_start3A_347 = tpu.memref_slice %arg4[%add3A_323] : memref<320000xf32, #tpu.memory_space<hbm>> -> memref<128xf32, #tpu.memory_space<hbm>>
        %dma_start3A_348 = tpu.memref_slice %arg16[%rem3A_320] : memref<3x!tpu.dma_semaphore, #tpu.memory_space<semaphore_mem>> -> memref<1x!tpu.dma_semaphore, #tpu.memory_space<semaphore_mem>>
        %dma_start3A_349 = tpu.memref_squeeze %dma_start3A_348 : memref<1x!tpu.dma_semaphore, #tpu.memory_space<semaphore_mem>> -> memref<!tpu.dma_semaphore, #tpu.memory_space<semaphore_mem>>
        %dma_start3A_350 = arith.constant 0 : i32
        %dma_start3A_351 = tpu.memref_slice %arg14[%rem3A_320, %dma_start3A_350] : memref<3x128xf32, #tpu.memory_space<vmem>> -> memref<1x128xf32, #tpu.memory_space<vmem>>
        %dma_start3A_352 = tpu.memref_squeeze %dma_start3A_351 : memref<1x128xf32, #tpu.memory_space<vmem>> -> memref<128xf32, #tpu.memory_space<vmem>>
        %dma_start3A_353 = tpu.memref_slice %arg4[%add3A_323] : memref<320000xf32, #tpu.memory_space<hbm>> -> memref<128xf32, #tpu.memory_space<hbm>>
        tpu.enqueue_dma source(%dma_start3A_353 : memref<128xf32, #tpu.memory_space<hbm>>) target(%dma_start3A_352 : memref<128xf32, #tpu.memory_space<vmem>>) target_semaphore(%dma_start3A_349 : memref<!tpu.dma_semaphore, #tpu.memory_space<semaphore_mem>>)
      } else {
      }
      %parallel_loop3A = arith.constant 0 : i32
      %parallel_loop3A_268 = arith.constant 8 : i32
      %parallel_loop3A_269 = arith.constant 1 : i32
      scf.for %parallel_loop3A_317 = %parallel_loop3A to %parallel_loop3A_268 step %parallel_loop3A_269  : i32 {
        %parallel_loop3A_318 = arith.constant 16 : i32
        %parallel_loop3A_319 = arith.muli %parallel_loop3A_317, %parallel_loop3A_318 : i32
        %parallel_loop3A_320 = arith.index_cast %rem3A_253 : i32 to index
        %parallel_loop3A_321 = arith.index_cast %parallel_loop3A_319 : i32 to index
        %parallel_loop3A_322 = tpu.vector_load %arg12[%parallel_loop3A_320, %parallel_loop3A_321] {strides = array<i32>} : memref<3x128xi32, #tpu.memory_space<vmem>>, vector<16xi32>,
        %parallel_loop3A_323 = tpu.vector_load_idx %arg11[%parallel_loop3A_322] : memref<10240xf32, #tpu.memory_space<vmem>>[vector<16xi32>], vector<16xf32>,
        %parallel_loop3A_324 = arith.index_cast %rem3A_253 : i32 to index
        %parallel_loop3A_325 = arith.index_cast %parallel_loop3A_319 : i32 to index
        %parallel_loop3A_326 = tpu.vector_load %arg14[%parallel_loop3A_324, %parallel_loop3A_325] {strides = array<i32>} : memref<3x128xf32, #tpu.memory_space<vmem>>, vector<16xf32>,
        %parallel_loop3A_327 = arith.divf %parallel_loop3A_326, %parallel_loop3A_323 : vector<16xf32>
        %parallel_loop3A_328 = arith.index_cast %rem3A_253 : i32 to index
        %parallel_loop3A_329 = arith.index_cast %parallel_loop3A_319 : i32 to index
        %parallel_loop3A_330 = tpu.vector_load %arg14[%parallel_loop3A_328, %parallel_loop3A_329] {strides = array<i32>} : memref<3x128xf32, #tpu.memory_space<vmem>>, vector<16xf32>,
        tpu.vector_store %arg14[%parallel_loop3A_328, %parallel_loop3A_329], %parallel_loop3A_327 {strides = array<i32>} : memref<3x128xf32, #tpu.memory_space<vmem>>, vector<16xf32>,
      } {sc.loop_unroll_factor = 8 : i64, sc.parallel_access}
      %rem3A_270 = arith.constant 2 : i32
      %rem3A_271 = arith.remsi %while3A_251, %rem3A_270 : i32
      %rem3A_272 = arith.constant 3 : i32
      %rem3A_273 = arith.remsi %while3A_251, %rem3A_272 : i32
      %dma_wait3A_274 = arith.constant 1 : i32
      %dma_wait3A_275 = arith.constant 0 : i32
      %dma_wait3A_276 = arith.constant 0 : i32
      %dma_wait3A_277 = tpu.memref_slice %arg15[%rem3A_271, %dma_wait3A_275, %dma_wait3A_276] : memref<2x128x128xf32, #tpu.memory_space<vmem>> -> memref<1x128x128xf32, #tpu.memory_space<vmem>>
      %dma_wait3A_278 = tpu.memref_squeeze %dma_wait3A_277 : memref<1x128x128xf32, #tpu.memory_space<vmem>> -> memref<128x128xf32, #tpu.memory_space<vmem>>
      %dma_wait3A_279 = arith.constant 0 : i32
      %dma_wait3A_280 = tpu.memref_slice %arg12[%rem3A_273, %dma_wait3A_279] : memref<3x128xi32, #tpu.memory_space<vmem>> -> memref<1x128xi32, #tpu.memory_space<vmem>>
      %dma_wait3A_281 = tpu.memref_squeeze %dma_wait3A_280 : memref<1x128xi32, #tpu.memory_space<vmem>> -> memref<128xi32, #tpu.memory_space<vmem>>
      %dma_wait3A_282 = arith.constant 0 : i32
      %dma_wait3A_283 = arith.constant 0 : i32
      %dma_wait3A_284 = arith.constant 0 : i32
      %dma_wait3A_285 = tpu.memref_slice %arg5[%dma_wait3A_274, %dma_wait3A_282, %dma_wait3A_283, %dma_wait3A_284] : memref<2x2x10000x128xf32, #tpu.memory_space<hbm>> -> memref<1x2x10000x128xf32, #tpu.memory_space<hbm>>
      %dma_wait3A_286 = tpu.memref_squeeze %dma_wait3A_285 : memref<1x2x10000x128xf32, #tpu.memory_space<hbm>> -> memref<2x10000x128xf32, #tpu.memory_space<hbm>>
      %dma_wait3A_287 = arith.constant 0 : i32
      %dma_wait3A_288 = arith.constant 0 : i32
      %dma_wait3A_289 = tpu.memref_slice %dma_wait3A_286[%arg0, %dma_wait3A_287, %dma_wait3A_288] : memref<2x10000x128xf32, #tpu.memory_space<hbm>> -> memref<1x10000x128xf32, #tpu.memory_space<hbm>>
      %dma_wait3A_290 = tpu.memref_squeeze %dma_wait3A_289 : memref<1x10000x128xf32, #tpu.memory_space<hbm>> -> memref<10000x128xf32, #tpu.memory_space<hbm>>
      %dma_wait3A_291 = arith.constant 0 : i32
      %dma_wait3A_292 = arith.constant 0 : i32
      %dma_wait3A_293 = tpu.memref_slice %dma_wait3A_290[%dma_wait3A_291, %dma_wait3A_292] : memref<10000x128xf32, #tpu.memory_space<hbm>> -> memref<10000x128xf32, #tpu.memory_space<hbm>>
      %dma_wait3A_294 = tpu.memref_slice %arg17[%rem3A_271] : memref<2x!tpu.dma_semaphore, #tpu.memory_space<semaphore_mem>> -> memref<1x!tpu.dma_semaphore, #tpu.memory_space<semaphore_mem>>
      %dma_wait3A_295 = tpu.memref_squeeze %dma_wait3A_294 : memref<1x!tpu.dma_semaphore, #tpu.memory_space<semaphore_mem>> -> memref<!tpu.dma_semaphore, #tpu.memory_space<semaphore_mem>>
      tpu.wait_indirect_dma semaphore(%dma_wait3A_295 : memref<!tpu.dma_semaphore, #tpu.memory_space<semaphore_mem>>) src(%dma_wait3A_293 : memref<10000x128xf32, #tpu.memory_space<hbm>>) dst(%dma_wait3A_278 : memref<128x128xf32, #tpu.memory_space<vmem>>)
      %rem3A_296 = arith.constant 2 : i32
      %rem3A_297 = arith.remsi %while3A_251, %rem3A_296 : i32
      %parallel_loop3A_298 = arith.constant 0 : i32
      %parallel_loop3A_299 = arith.constant 128 : i32
      %parallel_loop3A_300 = arith.constant 1 : i32
      scf.for %parallel_loop3A_317 = %parallel_loop3A_298 to %parallel_loop3A_299 step %parallel_loop3A_300  : i32 {
        %parallel_loop3A_318 = vector.broadcast %rem3A_253 : i32 to vector<16xi32>
        %parallel_loop3A_319 = vector.broadcast %parallel_loop3A_317 : i32 to vector<16xi32>
        %parallel_loop3A_320 = tpu.vector_load_idx %arg14[%parallel_loop3A_318, %parallel_loop3A_319] : memref<3x128xf32, #tpu.memory_space<vmem>>[vector<16xi32>, vector<16xi32>], vector<16xf32>,
        %parallel_loop3A_321 = arith.index_cast %rem3A_297 : i32 to index
        %parallel_loop3A_322 = arith.index_cast %parallel_loop3A_317 : i32 to index
        %parallel_loop3A_323 = arith.constant 0 : index
        %parallel_loop3A_324 = tpu.vector_load %arg15[%parallel_loop3A_321, %parallel_loop3A_322, %parallel_loop3A_323] {strides = array<i32>} : memref<2x128x128xf32, #tpu.memory_space<vmem>>, vector<16xf32>,
        %parallel_loop3A_325 = arith.mulf %parallel_loop3A_324, %parallel_loop3A_320 : vector<16xf32>
        %parallel_loop3A_326 = arith.index_cast %rem3A_297 : i32 to index
        %parallel_loop3A_327 = arith.index_cast %parallel_loop3A_317 : i32 to index
        %parallel_loop3A_328 = arith.constant 0 : index
        %parallel_loop3A_329 = tpu.vector_load %arg15[%parallel_loop3A_326, %parallel_loop3A_327, %parallel_loop3A_328] {strides = array<i32>} : memref<2x128x128xf32, #tpu.memory_space<vmem>>, vector<16xf32>,
        tpu.vector_store %arg15[%parallel_loop3A_326, %parallel_loop3A_327, %parallel_loop3A_328], %parallel_loop3A_325 {strides = array<i32>} : memref<2x128x128xf32, #tpu.memory_space<vmem>>, vector<16xf32>,
        %parallel_loop3A_330 = arith.index_cast %rem3A_297 : i32 to index
        %parallel_loop3A_331 = arith.index_cast %parallel_loop3A_317 : i32 to index
        %parallel_loop3A_332 = arith.constant 16 : index
        %parallel_loop3A_333 = tpu.vector_load %arg15[%parallel_loop3A_330, %parallel_loop3A_331, %parallel_loop3A_332] {strides = array<i32>} : memref<2x128x128xf32, #tpu.memory_space<vmem>>, vector<16xf32>,
        %parallel_loop3A_334 = arith.mulf %parallel_loop3A_333, %parallel_loop3A_320 : vector<16xf32>
        %parallel_loop3A_335 = arith.index_cast %rem3A_297 : i32 to index
        %parallel_loop3A_336 = arith.index_cast %parallel_loop3A_317 : i32 to index
        %parallel_loop3A_337 = arith.constant 16 : index
        %parallel_loop3A_338 = tpu.vector_load %arg15[%parallel_loop3A_335, %parallel_loop3A_336, %parallel_loop3A_337] {strides = array<i32>} : memref<2x128x128xf32, #tpu.memory_space<vmem>>, vector<16xf32>,
        tpu.vector_store %arg15[%parallel_loop3A_335, %parallel_loop3A_336, %parallel_loop3A_337], %parallel_loop3A_334 {strides = array<i32>} : memref<2x128x128xf32, #tpu.memory_space<vmem>>, vector<16xf32>,
        %parallel_loop3A_339 = arith.index_cast %rem3A_297 : i32 to index
        %parallel_loop3A_340 = arith.index_cast %parallel_loop3A_317 : i32 to index
        %parallel_loop3A_341 = arith.constant 32 : index
        %parallel_loop3A_342 = tpu.vector_load %arg15[%parallel_loop3A_339, %parallel_loop3A_340, %parallel_loop3A_341] {strides = array<i32>} : memref<2x128x128xf32, #tpu.memory_space<vmem>>, vector<16xf32>,
        %parallel_loop3A_343 = arith.mulf %parallel_loop3A_342, %parallel_loop3A_320 : vector<16xf32>
        %parallel_loop3A_344 = arith.index_cast %rem3A_297 : i32 to index
        %parallel_loop3A_345 = arith.index_cast %parallel_loop3A_317 : i32 to index
        %parallel_loop3A_346 = arith.constant 32 : index
        %parallel_loop3A_347 = tpu.vector_load %arg15[%parallel_loop3A_344, %parallel_loop3A_345, %parallel_loop3A_346] {strides = array<i32>} : memref<2x128x128xf32, #tpu.memory_space<vmem>>, vector<16xf32>,
        tpu.vector_store %arg15[%parallel_loop3A_344, %parallel_loop3A_345, %parallel_loop3A_346], %parallel_loop3A_343 {strides = array<i32>} : memref<2x128x128xf32, #tpu.memory_space<vmem>>, vector<16xf32>,
        %parallel_loop3A_348 = arith.index_cast %rem3A_297 : i32 to index
        %parallel_loop3A_349 = arith.index_cast %parallel_loop3A_317 : i32 to index
        %parallel_loop3A_350 = arith.constant 48 : index
        %parallel_loop3A_351 = tpu.vector_load %arg15[%parallel_loop3A_348, %parallel_loop3A_349, %parallel_loop3A_350] {strides = array<i32>} : memref<2x128x128xf32, #tpu.memory_space<vmem>>, vector<16xf32>,
        %parallel_loop3A_352 = arith.mulf %parallel_loop3A_351, %parallel_loop3A_320 : vector<16xf32>
        %parallel_loop3A_353 = arith.index_cast %rem3A_297 : i32 to index
        %parallel_loop3A_354 = arith.index_cast %parallel_loop3A_317 : i32 to index
        %parallel_loop3A_355 = arith.constant 48 : index
        %parallel_loop3A_356 = tpu.vector_load %arg15[%parallel_loop3A_353, %parallel_loop3A_354, %parallel_loop3A_355] {strides = array<i32>} : memref<2x128x128xf32, #tpu.memory_space<vmem>>, vector<16xf32>,
        tpu.vector_store %arg15[%parallel_loop3A_353, %parallel_loop3A_354, %parallel_loop3A_355], %parallel_loop3A_352 {strides = array<i32>} : memref<2x128x128xf32, #tpu.memory_space<vmem>>, vector<16xf32>,
        %parallel_loop3A_357 = arith.index_cast %rem3A_297 : i32 to index
        %parallel_loop3A_358 = arith.index_cast %parallel_loop3A_317 : i32 to index
        %parallel_loop3A_359 = arith.constant 64 : index
        %parallel_loop3A_360 = tpu.vector_load %arg15[%parallel_loop3A_357, %parallel_loop3A_358, %parallel_loop3A_359] {strides = array<i32>} : memref<2x128x128xf32, #tpu.memory_space<vmem>>, vector<16xf32>,
        %parallel_loop3A_361 = arith.mulf %parallel_loop3A_360, %parallel_loop3A_320 : vector<16xf32>
        %parallel_loop3A_362 = arith.index_cast %rem3A_297 : i32 to index
        %parallel_loop3A_363 = arith.index_cast %parallel_loop3A_317 : i32 to index
        %parallel_loop3A_364 = arith.constant 64 : index
        %parallel_loop3A_365 = tpu.vector_load %arg15[%parallel_loop3A_362, %parallel_loop3A_363, %parallel_loop3A_364] {strides = array<i32>} : memref<2x128x128xf32, #tpu.memory_space<vmem>>, vector<16xf32>,
        tpu.vector_store %arg15[%parallel_loop3A_362, %parallel_loop3A_363, %parallel_loop3A_364], %parallel_loop3A_361 {strides = array<i32>} : memref<2x128x128xf32, #tpu.memory_space<vmem>>, vector<16xf32>,
        %parallel_loop3A_366 = arith.index_cast %rem3A_297 : i32 to index
        %parallel_loop3A_367 = arith.index_cast %parallel_loop3A_317 : i32 to index
        %parallel_loop3A_368 = arith.constant 80 : index
        %parallel_loop3A_369 = tpu.vector_load %arg15[%parallel_loop3A_366, %parallel_loop3A_367, %parallel_loop3A_368] {strides = array<i32>} : memref<2x128x128xf32, #tpu.memory_space<vmem>>, vector<16xf32>,
        %parallel_loop3A_370 = arith.mulf %parallel_loop3A_369, %parallel_loop3A_320 : vector<16xf32>
        %parallel_loop3A_371 = arith.index_cast %rem3A_297 : i32 to index
        %parallel_loop3A_372 = arith.index_cast %parallel_loop3A_317 : i32 to index
        %parallel_loop3A_373 = arith.constant 80 : index
        %parallel_loop3A_374 = tpu.vector_load %arg15[%parallel_loop3A_371, %parallel_loop3A_372, %parallel_loop3A_373] {strides = array<i32>} : memref<2x128x128xf32, #tpu.memory_space<vmem>>, vector<16xf32>,
        tpu.vector_store %arg15[%parallel_loop3A_371, %parallel_loop3A_372, %parallel_loop3A_373], %parallel_loop3A_370 {strides = array<i32>} : memref<2x128x128xf32, #tpu.memory_space<vmem>>, vector<16xf32>,
        %parallel_loop3A_375 = arith.index_cast %rem3A_297 : i32 to index
        %parallel_loop3A_376 = arith.index_cast %parallel_loop3A_317 : i32 to index
        %parallel_loop3A_377 = arith.constant 96 : index
        %parallel_loop3A_378 = tpu.vector_load %arg15[%parallel_loop3A_375, %parallel_loop3A_376, %parallel_loop3A_377] {strides = array<i32>} : memref<2x128x128xf32, #tpu.memory_space<vmem>>, vector<16xf32>,
        %parallel_loop3A_379 = arith.mulf %parallel_loop3A_378, %parallel_loop3A_320 : vector<16xf32>
        %parallel_loop3A_380 = arith.index_cast %rem3A_297 : i32 to index
        %parallel_loop3A_381 = arith.index_cast %parallel_loop3A_317 : i32 to index
        %parallel_loop3A_382 = arith.constant 96 : index
        %parallel_loop3A_383 = tpu.vector_load %arg15[%parallel_loop3A_380, %parallel_loop3A_381, %parallel_loop3A_382] {strides = array<i32>} : memref<2x128x128xf32, #tpu.memory_space<vmem>>, vector<16xf32>,
        tpu.vector_store %arg15[%parallel_loop3A_380, %parallel_loop3A_381, %parallel_loop3A_382], %parallel_loop3A_379 {strides = array<i32>} : memref<2x128x128xf32, #tpu.memory_space<vmem>>, vector<16xf32>,
        %parallel_loop3A_384 = arith.index_cast %rem3A_297 : i32 to index
        %parallel_loop3A_385 = arith.index_cast %parallel_loop3A_317 : i32 to index
        %parallel_loop3A_386 = arith.constant 112 : index
        %parallel_loop3A_387 = tpu.vector_load %arg15[%parallel_loop3A_384, %parallel_loop3A_385, %parallel_loop3A_386] {strides = array<i32>} : memref<2x128x128xf32, #tpu.memory_space<vmem>>, vector<16xf32>,
        %parallel_loop3A_388 = arith.mulf %parallel_loop3A_387, %parallel_loop3A_320 : vector<16xf32>
        %parallel_loop3A_389 = arith.index_cast %rem3A_297 : i32 to index
        %parallel_loop3A_390 = arith.index_cast %parallel_loop3A_317 : i32 to index
        %parallel_loop3A_391 = arith.constant 112 : index
        %parallel_loop3A_392 = tpu.vector_load %arg15[%parallel_loop3A_389, %parallel_loop3A_390, %parallel_loop3A_391] {strides = array<i32>} : memref<2x128x128xf32, #tpu.memory_space<vmem>>, vector<16xf32>,
        tpu.vector_store %arg15[%parallel_loop3A_389, %parallel_loop3A_390, %parallel_loop3A_391], %parallel_loop3A_388 {strides = array<i32>} : memref<2x128x128xf32, #tpu.memory_space<vmem>>, vector<16xf32>,
      } {sc.loop_unroll_factor = 8 : i64, sc.parallel_access}
      %rem3A_301 = arith.constant 2 : i32
      %rem3A_302 = arith.remsi %while3A_251, %rem3A_301 : i32
      %rem3A_303 = arith.constant 3 : i32
      %rem3A_304 = arith.remsi %while3A_251, %rem3A_303 : i32
      %dma_start3A_305 = arith.constant 0 : i32
      %dma_start3A_306 = arith.constant 0 : i32
      %dma_start3A_307 = tpu.memref_slice %arg15[%rem3A_302, %dma_start3A_305, %dma_start3A_306] : memref<2x128x128xf32, #tpu.memory_space<vmem>> -> memref<1x128x128xf32, #tpu.memory_space<vmem>>
      %dma_start3A_308 = tpu.memref_squeeze %dma_start3A_307 : memref<1x128x128xf32, #tpu.memory_space<vmem>> -> memref<128x128xf32, #tpu.memory_space<vmem>>
      %dma_start3A_309 = arith.constant 0 : i32
      %dma_start3A_310 = tpu.memref_slice %arg13[%rem3A_304, %dma_start3A_309] : memref<3x128xi32, #tpu.memory_space<vmem>> -> memref<1x128xi32, #tpu.memory_space<vmem>>
      %dma_start3A_311 = tpu.memref_squeeze %dma_start3A_310 : memref<1x128xi32, #tpu.memory_space<vmem>> -> memref<128xi32, #tpu.memory_space<vmem>>
      %dma_start3A_312 = arith.constant 0 : i32
      %dma_start3A_313 = arith.constant 0 : i32
      %dma_start3A_314 = tpu.memref_slice %arg9[%dma_start3A_312, %dma_start3A_313] : memref<10240x128xf32, #tpu.memory_space<vmem_shared>> -> memref<10240x128xf32, #tpu.memory_space<vmem_shared>>
      %dma_start3A_315 = tpu.memref_slice %arg19[%rem3A_302] : memref<2x!tpu.dma_semaphore, #tpu.memory_space<semaphore_mem>> -> memref<1x!tpu.dma_semaphore, #tpu.memory_space<semaphore_mem>>
      %dma_start3A_316 = tpu.memref_squeeze %dma_start3A_315 : memref<1x!tpu.dma_semaphore, #tpu.memory_space<semaphore_mem>> -> memref<!tpu.dma_semaphore, #tpu.memory_space<semaphore_mem>>
      tpu.enqueue_indirect_dma source(%dma_start3A_308 : memref<128x128xf32, #tpu.memory_space<vmem>>) target(%dma_start3A_314 : memref<10240x128xf32, #tpu.memory_space<vmem_shared>>) offsets(%dma_start3A_311 : memref<128xi32, #tpu.memory_space<vmem>>) semaphore(%dma_start3A_316 : memref<!tpu.dma_semaphore, #tpu.memory_space<semaphore_mem>>) {add = true}
    }
    %while3A_227 = arith.constant 1 : i32
    scf.for %while3A_251 = %while3A_225 to %while3A_221 step %while3A_227  : i32 {
      %rem3A_252 = arith.constant 3 : i32
      %rem3A_253 = arith.remsi %while3A_251, %rem3A_252 : i32
      %ge3A = arith.constant 1 : i32
      %ge3A_254 = arith.cmpi sge, %while3A_251, %ge3A : i32
      %convert_element_type3A = arith.extui %ge3A_254 : i1 to i32
      %cond3A = arith.constant 0 : i32
      %cond3A_255 = arith.cmpi ne, %convert_element_type3A, %cond3A : i32
      scf.if %cond3A_255 {
        %sub3A_317 = arith.constant 1 : i32
        %sub3A_318 = arith.subi %while3A_251, %sub3A_317 : i32
        %rem3A_319 = arith.constant 2 : i32
        %rem3A_320 = arith.remsi %sub3A_318, %rem3A_319 : i32
        %rem3A_321 = arith.constant 3 : i32
        %rem3A_322 = arith.remsi %sub3A_318, %rem3A_321 : i32
        %dma_wait3A_323 = arith.constant 0 : i32
        %dma_wait3A_324 = arith.constant 0 : i32
        %dma_wait3A_325 = tpu.memref_slice %arg15[%rem3A_320, %dma_wait3A_323, %dma_wait3A_324] : memref<2x128x128xf32, #tpu.memory_space<vmem>> -> memref<1x128x128xf32, #tpu.memory_space<vmem>>
        %dma_wait3A_326 = tpu.memref_squeeze %dma_wait3A_325 : memref<1x128x128xf32, #tpu.memory_space<vmem>> -> memref<128x128xf32, #tpu.memory_space<vmem>>
        %dma_wait3A_327 = arith.constant 0 : i32
        %dma_wait3A_328 = tpu.memref_slice %arg13[%rem3A_322, %dma_wait3A_327] : memref<3x128xi32, #tpu.memory_space<vmem>> -> memref<1x128xi32, #tpu.memory_space<vmem>>
        %dma_wait3A_329 = tpu.memref_squeeze %dma_wait3A_328 : memref<1x128xi32, #tpu.memory_space<vmem>> -> memref<128xi32, #tpu.memory_space<vmem>>
        %dma_wait3A_330 = arith.constant 0 : i32
        %dma_wait3A_331 = arith.constant 0 : i32
        %dma_wait3A_332 = tpu.memref_slice %arg9[%dma_wait3A_330, %dma_wait3A_331] : memref<10240x128xf32, #tpu.memory_space<vmem_shared>> -> memref<10240x128xf32, #tpu.memory_space<vmem_shared>>
        %dma_wait3A_333 = tpu.memref_slice %arg19[%rem3A_320] : memref<2x!tpu.dma_semaphore, #tpu.memory_space<semaphore_mem>> -> memref<1x!tpu.dma_semaphore, #tpu.memory_space<semaphore_mem>>
        %dma_wait3A_334 = tpu.memref_squeeze %dma_wait3A_333 : memref<1x!tpu.dma_semaphore, #tpu.memory_space<semaphore_mem>> -> memref<!tpu.dma_semaphore, #tpu.memory_space<semaphore_mem>>
        tpu.wait_indirect_dma semaphore(%dma_wait3A_334 : memref<!tpu.dma_semaphore, #tpu.memory_space<semaphore_mem>>) src(%dma_wait3A_326 : memref<128x128xf32, #tpu.memory_space<vmem>>) dst(%dma_wait3A_332 : memref<10240x128xf32, #tpu.memory_space<vmem_shared>>)
      } else {
      }
      %add3A_256 = arith.constant 1 : i32
      %add3A_257 = arith.addi %while3A_251, %add3A_256 : i32
      %lt3A_258 = arith.cmpi slt, %add3A_257, %add3A_2 : i32
      %convert_element_type3A_259 = arith.extui %lt3A_258 : i1 to i32
      %cond3A_260 = arith.constant 0 : i32
      %cond3A_261 = arith.cmpi ne, %convert_element_type3A_259, %cond3A_260 : i32
      scf.if %cond3A_261 {
        %add3A_317 = arith.constant 1 : i32
        %add3A_318 = arith.addi %while3A_251, %add3A_317 : i32
        %rem3A_319 = arith.constant 3 : i32
        %rem3A_320 = arith.remsi %add3A_318, %rem3A_319 : i32
        %mul3A_321 = arith.constant 128 : i32
        %mul3A_322 = arith.muli %add3A_318, %mul3A_321 : i32
        %add3A_323 = arith.addi %add3A_7, %mul3A_322 : i32
        %dma_wait3A_324 = arith.constant 0 : i32
        %dma_wait3A_325 = tpu.memref_slice %arg12[%rem3A_320, %dma_wait3A_324] : memref<3x128xi32, #tpu.memory_space<vmem>> -> memref<1x128xi32, #tpu.memory_space<vmem>>
        %dma_wait3A_326 = tpu.memref_squeeze %dma_wait3A_325 : memref<1x128xi32, #tpu.memory_space<vmem>> -> memref<128xi32, #tpu.memory_space<vmem>>
        %dma_wait3A_327 = tpu.memref_slice %arg2[%add3A_323] : memref<320000xi32, #tpu.memory_space<hbm>> -> memref<128xi32, #tpu.memory_space<hbm>>
        %dma_wait3A_328 = tpu.memref_slice %arg16[%rem3A_320] : memref<3x!tpu.dma_semaphore, #tpu.memory_space<semaphore_mem>> -> memref<1x!tpu.dma_semaphore, #tpu.memory_space<semaphore_mem>>
        %dma_wait3A_329 = tpu.memref_squeeze %dma_wait3A_328 : memref<1x!tpu.dma_semaphore, #tpu.memory_space<semaphore_mem>> -> memref<!tpu.dma_semaphore, #tpu.memory_space<semaphore_mem>>
        %dma_wait3A_330 = arith.constant 0 : i32
        %dma_wait3A_331 = tpu.memref_slice %arg12[%rem3A_320, %dma_wait3A_330] : memref<3x128xi32, #tpu.memory_space<vmem>> -> memref<1x128xi32, #tpu.memory_space<vmem>>
        %dma_wait3A_332 = tpu.memref_squeeze %dma_wait3A_331 : memref<1x128xi32, #tpu.memory_space<vmem>> -> memref<128xi32, #tpu.memory_space<vmem>>
        %dma_wait3A_333 = tpu.memref_slice %arg2[%add3A_323] : memref<320000xi32, #tpu.memory_space<hbm>> -> memref<128xi32, #tpu.memory_space<hbm>>
        tpu.wait_dma2 semaphore(%dma_wait3A_329 : memref<!tpu.dma_semaphore, #tpu.memory_space<semaphore_mem>>) src(%dma_wait3A_333 : memref<128xi32, #tpu.memory_space<hbm>>) dst(%dma_wait3A_332 : memref<128xi32, #tpu.memory_space<vmem>>)
        %dma_wait3A_334 = arith.constant 0 : i32
        %dma_wait3A_335 = tpu.memref_slice %arg13[%rem3A_320, %dma_wait3A_334] : memref<3x128xi32, #tpu.memory_space<vmem>> -> memref<1x128xi32, #tpu.memory_space<vmem>>
        %dma_wait3A_336 = tpu.memref_squeeze %dma_wait3A_335 : memref<1x128xi32, #tpu.memory_space<vmem>> -> memref<128xi32, #tpu.memory_space<vmem>>
        %dma_wait3A_337 = tpu.memref_slice %arg3[%add3A_323] : memref<320000xi32, #tpu.memory_space<hbm>> -> memref<128xi32, #tpu.memory_space<hbm>>
        %dma_wait3A_338 = tpu.memref_slice %arg16[%rem3A_320] : memref<3x!tpu.dma_semaphore, #tpu.memory_space<semaphore_mem>> -> memref<1x!tpu.dma_semaphore, #tpu.memory_space<semaphore_mem>>
        %dma_wait3A_339 = tpu.memref_squeeze %dma_wait3A_338 : memref<1x!tpu.dma_semaphore, #tpu.memory_space<semaphore_mem>> -> memref<!tpu.dma_semaphore, #tpu.memory_space<semaphore_mem>>
        %dma_wait3A_340 = arith.constant 0 : i32
        %dma_wait3A_341 = tpu.memref_slice %arg13[%rem3A_320, %dma_wait3A_340] : memref<3x128xi32, #tpu.memory_space<vmem>> -> memref<1x128xi32, #tpu.memory_space<vmem>>
        %dma_wait3A_342 = tpu.memref_squeeze %dma_wait3A_341 : memref<1x128xi32, #tpu.memory_space<vmem>> -> memref<128xi32, #tpu.memory_space<vmem>>
        %dma_wait3A_343 = tpu.memref_slice %arg3[%add3A_323] : memref<320000xi32, #tpu.memory_space<hbm>> -> memref<128xi32, #tpu.memory_space<hbm>>
        tpu.wait_dma2 semaphore(%dma_wait3A_339 : memref<!tpu.dma_semaphore, #tpu.memory_space<semaphore_mem>>) src(%dma_wait3A_343 : memref<128xi32, #tpu.memory_space<hbm>>) dst(%dma_wait3A_342 : memref<128xi32, #tpu.memory_space<vmem>>)
        %dma_wait3A_344 = arith.constant 0 : i32
        %dma_wait3A_345 = tpu.memref_slice %arg14[%rem3A_320, %dma_wait3A_344] : memref<3x128xf32, #tpu.memory_space<vmem>> -> memref<1x128xf32, #tpu.memory_space<vmem>>
        %dma_wait3A_346 = tpu.memref_squeeze %dma_wait3A_345 : memref<1x128xf32, #tpu.memory_space<vmem>> -> memref<128xf32, #tpu.memory_space<vmem>>
        %dma_wait3A_347 = tpu.memref_slice %arg4[%add3A_323] : memref<320000xf32, #tpu.memory_space<hbm>> -> memref<128xf32, #tpu.memory_space<hbm>>
        %dma_wait3A_348 = tpu.memref_slice %arg16[%rem3A_320] : memref<3x!tpu.dma_semaphore, #tpu.memory_space<semaphore_mem>> -> memref<1x!tpu.dma_semaphore, #tpu.memory_space<semaphore_mem>>
        %dma_wait3A_349 = tpu.memref_squeeze %dma_wait3A_348 : memref<1x!tpu.dma_semaphore, #tpu.memory_space<semaphore_mem>> -> memref<!tpu.dma_semaphore, #tpu.memory_space<semaphore_mem>>
        %dma_wait3A_350 = arith.constant 0 : i32
        %dma_wait3A_351 = tpu.memref_slice %arg14[%rem3A_320, %dma_wait3A_350] : memref<3x128xf32, #tpu.memory_space<vmem>> -> memref<1x128xf32, #tpu.memory_space<vmem>>
        %dma_wait3A_352 = tpu.memref_squeeze %dma_wait3A_351 : memref<1x128xf32, #tpu.memory_space<vmem>> -> memref<128xf32, #tpu.memory_space<vmem>>
        %dma_wait3A_353 = tpu.memref_slice %arg4[%add3A_323] : memref<320000xf32, #tpu.memory_space<hbm>> -> memref<128xf32, #tpu.memory_space<hbm>>
        tpu.wait_dma2 semaphore(%dma_wait3A_349 : memref<!tpu.dma_semaphore, #tpu.memory_space<semaphore_mem>>) src(%dma_wait3A_353 : memref<128xf32, #tpu.memory_space<hbm>>) dst(%dma_wait3A_352 : memref<128xf32, #tpu.memory_space<vmem>>)
        %add3A_354 = arith.constant 1 : i32
        %add3A_355 = arith.addi %while3A_251, %add3A_354 : i32
        %rem3A_356 = arith.constant 2 : i32
        %rem3A_357 = arith.remsi %add3A_355, %rem3A_356 : i32
        %rem3A_358 = arith.constant 3 : i32
        %rem3A_359 = arith.remsi %add3A_355, %rem3A_358 : i32
        %dma_start3A_360 = arith.constant 1 : i32
        %dma_start3A_361 = arith.constant 0 : i32
        %dma_start3A_362 = arith.constant 0 : i32
        %dma_start3A_363 = tpu.memref_slice %arg15[%rem3A_357, %dma_start3A_361, %dma_start3A_362] : memref<2x128x128xf32, #tpu.memory_space<vmem>> -> memref<1x128x128xf32, #tpu.memory_space<vmem>>
        %dma_start3A_364 = tpu.memref_squeeze %dma_start3A_363 : memref<1x128x128xf32, #tpu.memory_space<vmem>> -> memref<128x128xf32, #tpu.memory_space<vmem>>
        %dma_start3A_365 = arith.constant 0 : i32
        %dma_start3A_366 = tpu.memref_slice %arg12[%rem3A_359, %dma_start3A_365] : memref<3x128xi32, #tpu.memory_space<vmem>> -> memref<1x128xi32, #tpu.memory_space<vmem>>
        %dma_start3A_367 = tpu.memref_squeeze %dma_start3A_366 : memref<1x128xi32, #tpu.memory_space<vmem>> -> memref<128xi32, #tpu.memory_space<vmem>>
        %dma_start3A_368 = arith.constant 0 : i32
        %dma_start3A_369 = arith.constant 0 : i32
        %dma_start3A_370 = arith.constant 0 : i32
        %dma_start3A_371 = tpu.memref_slice %arg5[%dma_start3A_360, %dma_start3A_368, %dma_start3A_369, %dma_start3A_370] : memref<2x2x10000x128xf32, #tpu.memory_space<hbm>> -> memref<1x2x10000x128xf32, #tpu.memory_space<hbm>>
        %dma_start3A_372 = tpu.memref_squeeze %dma_start3A_371 : memref<1x2x10000x128xf32, #tpu.memory_space<hbm>> -> memref<2x10000x128xf32, #tpu.memory_space<hbm>>
        %dma_start3A_373 = arith.constant 0 : i32
        %dma_start3A_374 = arith.constant 0 : i32
        %dma_start3A_375 = tpu.memref_slice %dma_start3A_372[%arg0, %dma_start3A_373, %dma_start3A_374] : memref<2x10000x128xf32, #tpu.memory_space<hbm>> -> memref<1x10000x128xf32, #tpu.memory_space<hbm>>
        %dma_start3A_376 = tpu.memref_squeeze %dma_start3A_375 : memref<1x10000x128xf32, #tpu.memory_space<hbm>> -> memref<10000x128xf32, #tpu.memory_space<hbm>>
        %dma_start3A_377 = arith.constant 0 : i32
        %dma_start3A_378 = arith.constant 0 : i32
        %dma_start3A_379 = tpu.memref_slice %dma_start3A_376[%dma_start3A_377, %dma_start3A_378] : memref<10000x128xf32, #tpu.memory_space<hbm>> -> memref<10000x128xf32, #tpu.memory_space<hbm>>
        %dma_start3A_380 = tpu.memref_slice %arg17[%rem3A_357] : memref<2x!tpu.dma_semaphore, #tpu.memory_space<semaphore_mem>> -> memref<1x!tpu.dma_semaphore, #tpu.memory_space<semaphore_mem>>
        %dma_start3A_381 = tpu.memref_squeeze %dma_start3A_380 : memref<1x!tpu.dma_semaphore, #tpu.memory_space<semaphore_mem>> -> memref<!tpu.dma_semaphore, #tpu.memory_space<semaphore_mem>>
        tpu.enqueue_indirect_dma source(%dma_start3A_379 : memref<10000x128xf32, #tpu.memory_space<hbm>>) target(%dma_start3A_364 : memref<128x128xf32, #tpu.memory_space<vmem>>) offsets(%dma_start3A_367 : memref<128xi32, #tpu.memory_space<vmem>>) semaphore(%dma_start3A_381 : memref<!tpu.dma_semaphore, #tpu.memory_space<semaphore_mem>>)
      } else {
      }
      %add3A_262 = arith.constant 2 : i32
      %add3A_263 = arith.addi %while3A_251, %add3A_262 : i32
      %lt3A_264 = arith.cmpi slt, %add3A_263, %add3A_2 : i32
      %convert_element_type3A_265 = arith.extui %lt3A_264 : i1 to i32
      %cond3A_266 = arith.constant 0 : i32
      %cond3A_267 = arith.cmpi ne, %convert_element_type3A_265, %cond3A_266 : i32
      scf.if %cond3A_267 {
        %add3A_317 = arith.constant 2 : i32
        %add3A_318 = arith.addi %while3A_251, %add3A_317 : i32
        %rem3A_319 = arith.constant 3 : i32
        %rem3A_320 = arith.remsi %add3A_318, %rem3A_319 : i32
        %mul3A_321 = arith.constant 128 : i32
        %mul3A_322 = arith.muli %add3A_318, %mul3A_321 : i32
        %add3A_323 = arith.addi %add3A_7, %mul3A_322 : i32
        %dma_start3A_324 = arith.constant 0 : i32
        %dma_start3A_325 = tpu.memref_slice %arg12[%rem3A_320, %dma_start3A_324] : memref<3x128xi32, #tpu.memory_space<vmem>> -> memref<1x128xi32, #tpu.memory_space<vmem>>
        %dma_start3A_326 = tpu.memref_squeeze %dma_start3A_325 : memref<1x128xi32, #tpu.memory_space<vmem>> -> memref<128xi32, #tpu.memory_space<vmem>>
        %dma_start3A_327 = tpu.memref_slice %arg2[%add3A_323] : memref<320000xi32, #tpu.memory_space<hbm>> -> memref<128xi32, #tpu.memory_space<hbm>>
        %dma_start3A_328 = tpu.memref_slice %arg16[%rem3A_320] : memref<3x!tpu.dma_semaphore, #tpu.memory_space<semaphore_mem>> -> memref<1x!tpu.dma_semaphore, #tpu.memory_space<semaphore_mem>>
        %dma_start3A_329 = tpu.memref_squeeze %dma_start3A_328 : memref<1x!tpu.dma_semaphore, #tpu.memory_space<semaphore_mem>> -> memref<!tpu.dma_semaphore, #tpu.memory_space<semaphore_mem>>
        %dma_start3A_330 = arith.constant 0 : i32
        %dma_start3A_331 = tpu.memref_slice %arg12[%rem3A_320, %dma_start3A_330] : memref<3x128xi32, #tpu.memory_space<vmem>> -> memref<1x128xi32, #tpu.memory_space<vmem>>
        %dma_start3A_332 = tpu.memref_squeeze %dma_start3A_331 : memref<1x128xi32, #tpu.memory_space<vmem>> -> memref<128xi32, #tpu.memory_space<vmem>>
        %dma_start3A_333 = tpu.memref_slice %arg2[%add3A_323] : memref<320000xi32, #tpu.memory_space<hbm>> -> memref<128xi32, #tpu.memory_space<hbm>>
        tpu.enqueue_dma source(%dma_start3A_333 : memref<128xi32, #tpu.memory_space<hbm>>) target(%dma_start3A_332 : memref<128xi32, #tpu.memory_space<vmem>>) target_semaphore(%dma_start3A_329 : memref<!tpu.dma_semaphore, #tpu.memory_space<semaphore_mem>>)
        %dma_start3A_334 = arith.constant 0 : i32
        %dma_start3A_335 = tpu.memref_slice %arg13[%rem3A_320, %dma_start3A_334] : memref<3x128xi32, #tpu.memory_space<vmem>> -> memref<1x128xi32, #tpu.memory_space<vmem>>
        %dma_start3A_336 = tpu.memref_squeeze %dma_start3A_335 : memref<1x128xi32, #tpu.memory_space<vmem>> -> memref<128xi32, #tpu.memory_space<vmem>>
        %dma_start3A_337 = tpu.memref_slice %arg3[%add3A_323] : memref<320000xi32, #tpu.memory_space<hbm>> -> memref<128xi32, #tpu.memory_space<hbm>>
        %dma_start3A_338 = tpu.memref_slice %arg16[%rem3A_320] : memref<3x!tpu.dma_semaphore, #tpu.memory_space<semaphore_mem>> -> memref<1x!tpu.dma_semaphore, #tpu.memory_space<semaphore_mem>>
        %dma_start3A_339 = tpu.memref_squeeze %dma_start3A_338 : memref<1x!tpu.dma_semaphore, #tpu.memory_space<semaphore_mem>> -> memref<!tpu.dma_semaphore, #tpu.memory_space<semaphore_mem>>
        %dma_start3A_340 = arith.constant 0 : i32
        %dma_start3A_341 = tpu.memref_slice %arg13[%rem3A_320, %dma_start3A_340] : memref<3x128xi32, #tpu.memory_space<vmem>> -> memref<1x128xi32, #tpu.memory_space<vmem>>
        %dma_start3A_342 = tpu.memref_squeeze %dma_start3A_341 : memref<1x128xi32, #tpu.memory_space<vmem>> -> memref<128xi32, #tpu.memory_space<vmem>>
        %dma_start3A_343 = tpu.memref_slice %arg3[%add3A_323] : memref<320000xi32, #tpu.memory_space<hbm>> -> memref<128xi32, #tpu.memory_space<hbm>>
        tpu.enqueue_dma source(%dma_start3A_343 : memref<128xi32, #tpu.memory_space<hbm>>) target(%dma_start3A_342 : memref<128xi32, #tpu.memory_space<vmem>>) target_semaphore(%dma_start3A_339 : memref<!tpu.dma_semaphore, #tpu.memory_space<semaphore_mem>>)
        %dma_start3A_344 = arith.constant 0 : i32
        %dma_start3A_345 = tpu.memref_slice %arg14[%rem3A_320, %dma_start3A_344] : memref<3x128xf32, #tpu.memory_space<vmem>> -> memref<1x128xf32, #tpu.memory_space<vmem>>
        %dma_start3A_346 = tpu.memref_squeeze %dma_start3A_345 : memref<1x128xf32, #tpu.memory_space<vmem>> -> memref<128xf32, #tpu.memory_space<vmem>>
        %dma_start3A_347 = tpu.memref_slice %arg4[%add3A_323] : memref<320000xf32, #tpu.memory_space<hbm>> -> memref<128xf32, #tpu.memory_space<hbm>>
        %dma_start3A_348 = tpu.memref_slice %arg16[%rem3A_320] : memref<3x!tpu.dma_semaphore, #tpu.memory_space<semaphore_mem>> -> memref<1x!tpu.dma_semaphore, #tpu.memory_space<semaphore_mem>>
        %dma_start3A_349 = tpu.memref_squeeze %dma_start3A_348 : memref<1x!tpu.dma_semaphore, #tpu.memory_space<semaphore_mem>> -> memref<!tpu.dma_semaphore, #tpu.memory_space<semaphore_mem>>
        %dma_start3A_350 = arith.constant 0 : i32
        %dma_start3A_351 = tpu.memref_slice %arg14[%rem3A_320, %dma_start3A_350] : memref<3x128xf32, #tpu.memory_space<vmem>> -> memref<1x128xf32, #tpu.memory_space<vmem>>
        %dma_start3A_352 = tpu.memref_squeeze %dma_start3A_351 : memref<1x128xf32, #tpu.memory_space<vmem>> -> memref<128xf32, #tpu.memory_space<vmem>>
        %dma_start3A_353 = tpu.memref_slice %arg4[%add3A_323] : memref<320000xf32, #tpu.memory_space<hbm>> -> memref<128xf32, #tpu.memory_space<hbm>>
        tpu.enqueue_dma source(%dma_start3A_353 : memref<128xf32, #tpu.memory_space<hbm>>) target(%dma_start3A_352 : memref<128xf32, #tpu.memory_space<vmem>>) target_semaphore(%dma_start3A_349 : memref<!tpu.dma_semaphore, #tpu.memory_space<semaphore_mem>>)
      } else {
      }
      %parallel_loop3A = arith.constant 0 : i32
      %parallel_loop3A_268 = arith.constant 8 : i32
      %parallel_loop3A_269 = arith.constant 1 : i32
      scf.for %parallel_loop3A_317 = %parallel_loop3A to %parallel_loop3A_268 step %parallel_loop3A_269  : i32 {
        %parallel_loop3A_318 = arith.constant 16 : i32
        %parallel_loop3A_319 = arith.muli %parallel_loop3A_317, %parallel_loop3A_318 : i32
        %parallel_loop3A_320 = arith.index_cast %rem3A_253 : i32 to index
        %parallel_loop3A_321 = arith.index_cast %parallel_loop3A_319 : i32 to index
        %parallel_loop3A_322 = tpu.vector_load %arg12[%parallel_loop3A_320, %parallel_loop3A_321] {strides = array<i32>} : memref<3x128xi32, #tpu.memory_space<vmem>>, vector<16xi32>,
        %parallel_loop3A_323 = tpu.vector_load_idx %arg11[%parallel_loop3A_322] : memref<10240xf32, #tpu.memory_space<vmem>>[vector<16xi32>], vector<16xf32>,
        %parallel_loop3A_324 = arith.index_cast %rem3A_253 : i32 to index
        %parallel_loop3A_325 = arith.index_cast %parallel_loop3A_319 : i32 to index
        %parallel_loop3A_326 = tpu.vector_load %arg14[%parallel_loop3A_324, %parallel_loop3A_325] {strides = array<i32>} : memref<3x128xf32, #tpu.memory_space<vmem>>, vector<16xf32>,
        %parallel_loop3A_327 = arith.divf %parallel_loop3A_326, %parallel_loop3A_323 : vector<16xf32>
        %parallel_loop3A_328 = arith.index_cast %rem3A_253 : i32 to index
        %parallel_loop3A_329 = arith.index_cast %parallel_loop3A_319 : i32 to index
        %parallel_loop3A_330 = tpu.vector_load %arg14[%parallel_loop3A_328, %parallel_loop3A_329] {strides = array<i32>} : memref<3x128xf32, #tpu.memory_space<vmem>>, vector<16xf32>,
        tpu.vector_store %arg14[%parallel_loop3A_328, %parallel_loop3A_329], %parallel_loop3A_327 {strides = array<i32>} : memref<3x128xf32, #tpu.memory_space<vmem>>, vector<16xf32>,
      } {sc.loop_unroll_factor = 8 : i64, sc.parallel_access}
      %rem3A_270 = arith.constant 2 : i32
      %rem3A_271 = arith.remsi %while3A_251, %rem3A_270 : i32
      %rem3A_272 = arith.constant 3 : i32
      %rem3A_273 = arith.remsi %while3A_251, %rem3A_272 : i32
      %dma_wait3A_274 = arith.constant 1 : i32
      %dma_wait3A_275 = arith.constant 0 : i32
      %dma_wait3A_276 = arith.constant 0 : i32
      %dma_wait3A_277 = tpu.memref_slice %arg15[%rem3A_271, %dma_wait3A_275, %dma_wait3A_276] : memref<2x128x128xf32, #tpu.memory_space<vmem>> -> memref<1x128x128xf32, #tpu.memory_space<vmem>>
      %dma_wait3A_278 = tpu.memref_squeeze %dma_wait3A_277 : memref<1x128x128xf32, #tpu.memory_space<vmem>> -> memref<128x128xf32, #tpu.memory_space<vmem>>
      %dma_wait3A_279 = arith.constant 0 : i32
      %dma_wait3A_280 = tpu.memref_slice %arg12[%rem3A_273, %dma_wait3A_279] : memref<3x128xi32, #tpu.memory_space<vmem>> -> memref<1x128xi32, #tpu.memory_space<vmem>>
      %dma_wait3A_281 = tpu.memref_squeeze %dma_wait3A_280 : memref<1x128xi32, #tpu.memory_space<vmem>> -> memref<128xi32, #tpu.memory_space<vmem>>
      %dma_wait3A_282 = arith.constant 0 : i32
      %dma_wait3A_283 = arith.constant 0 : i32
      %dma_wait3A_284 = arith.constant 0 : i32
      %dma_wait3A_285 = tpu.memref_slice %arg5[%dma_wait3A_274, %dma_wait3A_282, %dma_wait3A_283, %dma_wait3A_284] : memref<2x2x10000x128xf32, #tpu.memory_space<hbm>> -> memref<1x2x10000x128xf32, #tpu.memory_space<hbm>>
      %dma_wait3A_286 = tpu.memref_squeeze %dma_wait3A_285 : memref<1x2x10000x128xf32, #tpu.memory_space<hbm>> -> memref<2x10000x128xf32, #tpu.memory_space<hbm>>
      %dma_wait3A_287 = arith.constant 0 : i32
      %dma_wait3A_288 = arith.constant 0 : i32
      %dma_wait3A_289 = tpu.memref_slice %dma_wait3A_286[%arg0, %dma_wait3A_287, %dma_wait3A_288] : memref<2x10000x128xf32, #tpu.memory_space<hbm>> -> memref<1x10000x128xf32, #tpu.memory_space<hbm>>
      %dma_wait3A_290 = tpu.memref_squeeze %dma_wait3A_289 : memref<1x10000x128xf32, #tpu.memory_space<hbm>> -> memref<10000x128xf32, #tpu.memory_space<hbm>>
      %dma_wait3A_291 = arith.constant 0 : i32
      %dma_wait3A_292 = arith.constant 0 : i32
      %dma_wait3A_293 = tpu.memref_slice %dma_wait3A_290[%dma_wait3A_291, %dma_wait3A_292] : memref<10000x128xf32, #tpu.memory_space<hbm>> -> memref<10000x128xf32, #tpu.memory_space<hbm>>
      %dma_wait3A_294 = tpu.memref_slice %arg17[%rem3A_271] : memref<2x!tpu.dma_semaphore, #tpu.memory_space<semaphore_mem>> -> memref<1x!tpu.dma_semaphore, #tpu.memory_space<semaphore_mem>>
      %dma_wait3A_295 = tpu.memref_squeeze %dma_wait3A_294 : memref<1x!tpu.dma_semaphore, #tpu.memory_space<semaphore_mem>> -> memref<!tpu.dma_semaphore, #tpu.memory_space<semaphore_mem>>
      tpu.wait_indirect_dma semaphore(%dma_wait3A_295 : memref<!tpu.dma_semaphore, #tpu.memory_space<semaphore_mem>>) src(%dma_wait3A_293 : memref<10000x128xf32, #tpu.memory_space<hbm>>) dst(%dma_wait3A_278 : memref<128x128xf32, #tpu.memory_space<vmem>>)
      %rem3A_296 = arith.constant 2 : i32
      %rem3A_297 = arith.remsi %while3A_251, %rem3A_296 : i32
      %parallel_loop3A_298 = arith.constant 0 : i32
      %parallel_loop3A_299 = arith.constant 128 : i32
      %parallel_loop3A_300 = arith.constant 1 : i32
      scf.for %parallel_loop3A_317 = %parallel_loop3A_298 to %parallel_loop3A_299 step %parallel_loop3A_300  : i32 {
        %parallel_loop3A_318 = vector.broadcast %rem3A_253 : i32 to vector<16xi32>
        %parallel_loop3A_319 = vector.broadcast %parallel_loop3A_317 : i32 to vector<16xi32>
        %parallel_loop3A_320 = tpu.vector_load_idx %arg14[%parallel_loop3A_318, %parallel_loop3A_319] : memref<3x128xf32, #tpu.memory_space<vmem>>[vector<16xi32>, vector<16xi32>], vector<16xf32>,
        %parallel_loop3A_321 = arith.index_cast %rem3A_297 : i32 to index
        %parallel_loop3A_322 = arith.index_cast %parallel_loop3A_317 : i32 to index
        %parallel_loop3A_323 = arith.constant 0 : index
        %parallel_loop3A_324 = tpu.vector_load %arg15[%parallel_loop3A_321, %parallel_loop3A_322, %parallel_loop3A_323] {strides = array<i32>} : memref<2x128x128xf32, #tpu.memory_space<vmem>>, vector<16xf32>,
        %parallel_loop3A_325 = arith.mulf %parallel_loop3A_324, %parallel_loop3A_320 : vector<16xf32>
        %parallel_loop3A_326 = arith.index_cast %rem3A_297 : i32 to index
        %parallel_loop3A_327 = arith.index_cast %parallel_loop3A_317 : i32 to index
        %parallel_loop3A_328 = arith.constant 0 : index
        %parallel_loop3A_329 = tpu.vector_load %arg15[%parallel_loop3A_326, %parallel_loop3A_327, %parallel_loop3A_328] {strides = array<i32>} : memref<2x128x128xf32, #tpu.memory_space<vmem>>, vector<16xf32>,
        tpu.vector_store %arg15[%parallel_loop3A_326, %parallel_loop3A_327, %parallel_loop3A_328], %parallel_loop3A_325 {strides = array<i32>} : memref<2x128x128xf32, #tpu.memory_space<vmem>>, vector<16xf32>,
        %parallel_loop3A_330 = arith.index_cast %rem3A_297 : i32 to index
        %parallel_loop3A_331 = arith.index_cast %parallel_loop3A_317 : i32 to index
        %parallel_loop3A_332 = arith.constant 16 : index
        %parallel_loop3A_333 = tpu.vector_load %arg15[%parallel_loop3A_330, %parallel_loop3A_331, %parallel_loop3A_332] {strides = array<i32>} : memref<2x128x128xf32, #tpu.memory_space<vmem>>, vector<16xf32>,
        %parallel_loop3A_334 = arith.mulf %parallel_loop3A_333, %parallel_loop3A_320 : vector<16xf32>
        %parallel_loop3A_335 = arith.index_cast %rem3A_297 : i32 to index
        %parallel_loop3A_336 = arith.index_cast %parallel_loop3A_317 : i32 to index
        %parallel_loop3A_337 = arith.constant 16 : index
        %parallel_loop3A_338 = tpu.vector_load %arg15[%parallel_loop3A_335, %parallel_loop3A_336, %parallel_loop3A_337] {strides = array<i32>} : memref<2x128x128xf32, #tpu.memory_space<vmem>>, vector<16xf32>,
        tpu.vector_store %arg15[%parallel_loop3A_335, %parallel_loop3A_336, %parallel_loop3A_337], %parallel_loop3A_334 {strides = array<i32>} : memref<2x128x128xf32, #tpu.memory_space<vmem>>, vector<16xf32>,
        %parallel_loop3A_339 = arith.index_cast %rem3A_297 : i32 to index
        %parallel_loop3A_340 = arith.index_cast %parallel_loop3A_317 : i32 to index
        %parallel_loop3A_341 = arith.constant 32 : index
        %parallel_loop3A_342 = tpu.vector_load %arg15[%parallel_loop3A_339, %parallel_loop3A_340, %parallel_loop3A_341] {strides = array<i32>} : memref<2x128x128xf32, #tpu.memory_space<vmem>>, vector<16xf32>,
        %parallel_loop3A_343 = arith.mulf %parallel_loop3A_342, %parallel_loop3A_320 : vector<16xf32>
        %parallel_loop3A_344 = arith.index_cast %rem3A_297 : i32 to index
        %parallel_loop3A_345 = arith.index_cast %parallel_loop3A_317 : i32 to index
        %parallel_loop3A_346 = arith.constant 32 : index
        %parallel_loop3A_347 = tpu.vector_load %arg15[%parallel_loop3A_344, %parallel_loop3A_345, %parallel_loop3A_346] {strides = array<i32>} : memref<2x128x128xf32, #tpu.memory_space<vmem>>, vector<16xf32>,
        tpu.vector_store %arg15[%parallel_loop3A_344, %parallel_loop3A_345, %parallel_loop3A_346], %parallel_loop3A_343 {strides = array<i32>} : memref<2x128x128xf32, #tpu.memory_space<vmem>>, vector<16xf32>,
        %parallel_loop3A_348 = arith.index_cast %rem3A_297 : i32 to index
        %parallel_loop3A_349 = arith.index_cast %parallel_loop3A_317 : i32 to index
        %parallel_loop3A_350 = arith.constant 48 : index
        %parallel_loop3A_351 = tpu.vector_load %arg15[%parallel_loop3A_348, %parallel_loop3A_349, %parallel_loop3A_350] {strides = array<i32>} : memref<2x128x128xf32, #tpu.memory_space<vmem>>, vector<16xf32>,
        %parallel_loop3A_352 = arith.mulf %parallel_loop3A_351, %parallel_loop3A_320 : vector<16xf32>
        %parallel_loop3A_353 = arith.index_cast %rem3A_297 : i32 to index
        %parallel_loop3A_354 = arith.index_cast %parallel_loop3A_317 : i32 to index
        %parallel_loop3A_355 = arith.constant 48 : index
        %parallel_loop3A_356 = tpu.vector_load %arg15[%parallel_loop3A_353, %parallel_loop3A_354, %parallel_loop3A_355] {strides = array<i32>} : memref<2x128x128xf32, #tpu.memory_space<vmem>>, vector<16xf32>,
        tpu.vector_store %arg15[%parallel_loop3A_353, %parallel_loop3A_354, %parallel_loop3A_355], %parallel_loop3A_352 {strides = array<i32>} : memref<2x128x128xf32, #tpu.memory_space<vmem>>, vector<16xf32>,
        %parallel_loop3A_357 = arith.index_cast %rem3A_297 : i32 to index
        %parallel_loop3A_358 = arith.index_cast %parallel_loop3A_317 : i32 to index
        %parallel_loop3A_359 = arith.constant 64 : index
        %parallel_loop3A_360 = tpu.vector_load %arg15[%parallel_loop3A_357, %parallel_loop3A_358, %parallel_loop3A_359] {strides = array<i32>} : memref<2x128x128xf32, #tpu.memory_space<vmem>>, vector<16xf32>,
        %parallel_loop3A_361 = arith.mulf %parallel_loop3A_360, %parallel_loop3A_320 : vector<16xf32>
        %parallel_loop3A_362 = arith.index_cast %rem3A_297 : i32 to index
        %parallel_loop3A_363 = arith.index_cast %parallel_loop3A_317 : i32 to index
        %parallel_loop3A_364 = arith.constant 64 : index
        %parallel_loop3A_365 = tpu.vector_load %arg15[%parallel_loop3A_362, %parallel_loop3A_363, %parallel_loop3A_364] {strides = array<i32>} : memref<2x128x128xf32, #tpu.memory_space<vmem>>, vector<16xf32>,
        tpu.vector_store %arg15[%parallel_loop3A_362, %parallel_loop3A_363, %parallel_loop3A_364], %parallel_loop3A_361 {strides = array<i32>} : memref<2x128x128xf32, #tpu.memory_space<vmem>>, vector<16xf32>,
        %parallel_loop3A_366 = arith.index_cast %rem3A_297 : i32 to index
        %parallel_loop3A_367 = arith.index_cast %parallel_loop3A_317 : i32 to index
        %parallel_loop3A_368 = arith.constant 80 : index
        %parallel_loop3A_369 = tpu.vector_load %arg15[%parallel_loop3A_366, %parallel_loop3A_367, %parallel_loop3A_368] {strides = array<i32>} : memref<2x128x128xf32, #tpu.memory_space<vmem>>, vector<16xf32>,
        %parallel_loop3A_370 = arith.mulf %parallel_loop3A_369, %parallel_loop3A_320 : vector<16xf32>
        %parallel_loop3A_371 = arith.index_cast %rem3A_297 : i32 to index
        %parallel_loop3A_372 = arith.index_cast %parallel_loop3A_317 : i32 to index
        %parallel_loop3A_373 = arith.constant 80 : index
        %parallel_loop3A_374 = tpu.vector_load %arg15[%parallel_loop3A_371, %parallel_loop3A_372, %parallel_loop3A_373] {strides = array<i32>} : memref<2x128x128xf32, #tpu.memory_space<vmem>>, vector<16xf32>,
        tpu.vector_store %arg15[%parallel_loop3A_371, %parallel_loop3A_372, %parallel_loop3A_373], %parallel_loop3A_370 {strides = array<i32>} : memref<2x128x128xf32, #tpu.memory_space<vmem>>, vector<16xf32>,
        %parallel_loop3A_375 = arith.index_cast %rem3A_297 : i32 to index
        %parallel_loop3A_376 = arith.index_cast %parallel_loop3A_317 : i32 to index
        %parallel_loop3A_377 = arith.constant 96 : index
        %parallel_loop3A_378 = tpu.vector_load %arg15[%parallel_loop3A_375, %parallel_loop3A_376, %parallel_loop3A_377] {strides = array<i32>} : memref<2x128x128xf32, #tpu.memory_space<vmem>>, vector<16xf32>,
        %parallel_loop3A_379 = arith.mulf %parallel_loop3A_378, %parallel_loop3A_320 : vector<16xf32>
        %parallel_loop3A_380 = arith.index_cast %rem3A_297 : i32 to index
        %parallel_loop3A_381 = arith.index_cast %parallel_loop3A_317 : i32 to index
        %parallel_loop3A_382 = arith.constant 96 : index
        %parallel_loop3A_383 = tpu.vector_load %arg15[%parallel_loop3A_380, %parallel_loop3A_381, %parallel_loop3A_382] {strides = array<i32>} : memref<2x128x128xf32, #tpu.memory_space<vmem>>, vector<16xf32>,
        tpu.vector_store %arg15[%parallel_loop3A_380, %parallel_loop3A_381, %parallel_loop3A_382], %parallel_loop3A_379 {strides = array<i32>} : memref<2x128x128xf32, #tpu.memory_space<vmem>>, vector<16xf32>,
        %parallel_loop3A_384 = arith.index_cast %rem3A_297 : i32 to index
        %parallel_loop3A_385 = arith.index_cast %parallel_loop3A_317 : i32 to index
        %parallel_loop3A_386 = arith.constant 112 : index
        %parallel_loop3A_387 = tpu.vector_load %arg15[%parallel_loop3A_384, %parallel_loop3A_385, %parallel_loop3A_386] {strides = array<i32>} : memref<2x128x128xf32, #tpu.memory_space<vmem>>, vector<16xf32>,
        %parallel_loop3A_388 = arith.mulf %parallel_loop3A_387, %parallel_loop3A_320 : vector<16xf32>
        %parallel_loop3A_389 = arith.index_cast %rem3A_297 : i32 to index
        %parallel_loop3A_390 = arith.index_cast %parallel_loop3A_317 : i32 to index
        %parallel_loop3A_391 = arith.constant 112 : index
        %parallel_loop3A_392 = tpu.vector_load %arg15[%parallel_loop3A_389, %parallel_loop3A_390, %parallel_loop3A_391] {strides = array<i32>} : memref<2x128x128xf32, #tpu.memory_space<vmem>>, vector<16xf32>,
        tpu.vector_store %arg15[%parallel_loop3A_389, %parallel_loop3A_390, %parallel_loop3A_391], %parallel_loop3A_388 {strides = array<i32>} : memref<2x128x128xf32, #tpu.memory_space<vmem>>, vector<16xf32>,
      } {sc.loop_unroll_factor = 8 : i64, sc.parallel_access}
      %rem3A_301 = arith.constant 2 : i32
      %rem3A_302 = arith.remsi %while3A_251, %rem3A_301 : i32
      %rem3A_303 = arith.constant 3 : i32
      %rem3A_304 = arith.remsi %while3A_251, %rem3A_303 : i32
      %dma_start3A_305 = arith.constant 0 : i32
      %dma_start3A_306 = arith.constant 0 : i32
      %dma_start3A_307 = tpu.memref_slice %arg15[%rem3A_302, %dma_start3A_305, %dma_start3A_306] : memref<2x128x128xf32, #tpu.memory_space<vmem>> -> memref<1x128x128xf32, #tpu.memory_space<vmem>>
      %dma_start3A_308 = tpu.memref_squeeze %dma_start3A_307 : memref<1x128x128xf32, #tpu.memory_space<vmem>> -> memref<128x128xf32, #tpu.memory_space<vmem>>
      %dma_start3A_309 = arith.constant 0 : i32
      %dma_start3A_310 = tpu.memref_slice %arg13[%rem3A_304, %dma_start3A_309] : memref<3x128xi32, #tpu.memory_space<vmem>> -> memref<1x128xi32, #tpu.memory_space<vmem>>
      %dma_start3A_311 = tpu.memref_squeeze %dma_start3A_310 : memref<1x128xi32, #tpu.memory_space<vmem>> -> memref<128xi32, #tpu.memory_space<vmem>>
      %dma_start3A_312 = arith.constant 0 : i32
      %dma_start3A_313 = arith.constant 0 : i32
      %dma_start3A_314 = tpu.memref_slice %arg9[%dma_start3A_312, %dma_start3A_313] : memref<10240x128xf32, #tpu.memory_space<vmem_shared>> -> memref<10240x128xf32, #tpu.memory_space<vmem_shared>>
      %dma_start3A_315 = tpu.memref_slice %arg19[%rem3A_302] : memref<2x!tpu.dma_semaphore, #tpu.memory_space<semaphore_mem>> -> memref<1x!tpu.dma_semaphore, #tpu.memory_space<semaphore_mem>>
      %dma_start3A_316 = tpu.memref_squeeze %dma_start3A_315 : memref<1x!tpu.dma_semaphore, #tpu.memory_space<semaphore_mem>> -> memref<!tpu.dma_semaphore, #tpu.memory_space<semaphore_mem>>
      tpu.enqueue_indirect_dma source(%dma_start3A_308 : memref<128x128xf32, #tpu.memory_space<vmem>>) target(%dma_start3A_314 : memref<10240x128xf32, #tpu.memory_space<vmem_shared>>) offsets(%dma_start3A_311 : memref<128xi32, #tpu.memory_space<vmem>>) semaphore(%dma_start3A_316 : memref<!tpu.dma_semaphore, #tpu.memory_space<semaphore_mem>>) {add = true}
    }
    %sub3A_228 = arith.constant 1 : i32
    %sub3A_229 = arith.subi %add3A_2, %sub3A_228 : i32
    %rem3A_230 = arith.constant 2 : i32
    %rem3A_231 = arith.remsi %sub3A_229, %rem3A_230 : i32
    %rem3A_232 = arith.constant 3 : i32
    %rem3A_233 = arith.remsi %sub3A_229, %rem3A_232 : i32
    %dma_wait3A_234 = arith.constant 0 : i32
    %dma_wait3A_235 = arith.constant 0 : i32
    %dma_wait3A_236 = tpu.memref_slice %arg15[%rem3A_231, %dma_wait3A_234, %dma_wait3A_235] : memref<2x128x128xf32, #tpu.memory_space<vmem>> -> memref<1x128x128xf32, #tpu.memory_space<vmem>>
    %dma_wait3A_237 = tpu.memref_squeeze %dma_wait3A_236 : memref<1x128x128xf32, #tpu.memory_space<vmem>> -> memref<128x128xf32, #tpu.memory_space<vmem>>
    %dma_wait3A_238 = arith.constant 0 : i32
    %dma_wait3A_239 = tpu.memref_slice %arg13[%rem3A_233, %dma_wait3A_238] : memref<3x128xi32, #tpu.memory_space<vmem>> -> memref<1x128xi32, #tpu.memory_space<vmem>>
    %dma_wait3A_240 = tpu.memref_squeeze %dma_wait3A_239 : memref<1x128xi32, #tpu.memory_space<vmem>> -> memref<128xi32, #tpu.memory_space<vmem>>
    %dma_wait3A_241 = arith.constant 0 : i32
    %dma_wait3A_242 = arith.constant 0 : i32
    %dma_wait3A_243 = tpu.memref_slice %arg9[%dma_wait3A_241, %dma_wait3A_242] : memref<10240x128xf32, #tpu.memory_space<vmem_shared>> -> memref<10240x128xf32, #tpu.memory_space<vmem_shared>>
    %dma_wait3A_244 = tpu.memref_slice %arg19[%rem3A_231] : memref<2x!tpu.dma_semaphore, #tpu.memory_space<semaphore_mem>> -> memref<1x!tpu.dma_semaphore, #tpu.memory_space<semaphore_mem>>
    %dma_wait3A_245 = tpu.memref_squeeze %dma_wait3A_244 : memref<1x!tpu.dma_semaphore, #tpu.memory_space<semaphore_mem>> -> memref<!tpu.dma_semaphore, #tpu.memory_space<semaphore_mem>>
    tpu.wait_indirect_dma semaphore(%dma_wait3A_245 : memref<!tpu.dma_semaphore, #tpu.memory_space<semaphore_mem>>) src(%dma_wait3A_237 : memref<128x128xf32, #tpu.memory_space<vmem>>) dst(%dma_wait3A_243 : memref<10240x128xf32, #tpu.memory_space<vmem_shared>>)
    %barrier3A_246 = arith.constant 0 : index
    tpu.barrier barrier_id(%barrier3A_246)
    %mul3A_247 = arith.constant 640 : i32
    %mul3A_248 = arith.muli %arg1, %mul3A_247 : i32
    %mul3A_249 = arith.constant 640 : i32
    %mul3A_250 = arith.muli %arg1, %mul3A_249 : i32
    "tpu.region"() ({
      %run_scoped3A = tpu.sem_alloc : memref<!tpu.dma_semaphore, #tpu.memory_space<semaphore_mem>>
      %dma_start3A_251 = arith.constant 0 : i32
      %dma_start3A_252 = arith.constant 0 : i32
      %dma_start3A_253 = tpu.memref_slice %arg8[%arg0, %dma_start3A_251, %dma_start3A_252] : memref<2x10240x128xf32, #tpu.memory_space<hbm>> -> memref<1x10240x128xf32, #tpu.memory_space<hbm>>
      %dma_start3A_254 = tpu.memref_squeeze %dma_start3A_253 : memref<1x10240x128xf32, #tpu.memory_space<hbm>> -> memref<10240x128xf32, #tpu.memory_space<hbm>>
      %dma_start3A_255 = arith.constant 0 : i32
      %dma_start3A_256 = tpu.memref_slice %dma_start3A_254[%mul3A_250, %dma_start3A_255] : memref<10240x128xf32, #tpu.memory_space<hbm>> -> memref<640x128xf32, #tpu.memory_space<hbm>>
      %dma_start3A_257 = arith.constant 0 : i32
      %dma_start3A_258 = tpu.memref_slice %arg9[%mul3A_248, %dma_start3A_257] : memref<10240x128xf32, #tpu.memory_space<vmem_shared>> -> memref<640x128xf32, #tpu.memory_space<vmem_shared>>
      tpu.enqueue_dma source(%dma_start3A_258 : memref<640x128xf32, #tpu.memory_space<vmem_shared>>) target(%dma_start3A_256 : memref<640x128xf32, #tpu.memory_space<hbm>>) target_semaphore(%run_scoped3A : memref<!tpu.dma_semaphore, #tpu.memory_space<semaphore_mem>>)
      %dma_wait3A_259 = arith.constant 0 : i32
      %dma_wait3A_260 = arith.constant 0 : i32
      %dma_wait3A_261 = tpu.memref_slice %arg8[%arg0, %dma_wait3A_259, %dma_wait3A_260] : memref<2x10240x128xf32, #tpu.memory_space<hbm>> -> memref<1x10240x128xf32, #tpu.memory_space<hbm>>
      %dma_wait3A_262 = tpu.memref_squeeze %dma_wait3A_261 : memref<1x10240x128xf32, #tpu.memory_space<hbm>> -> memref<10240x128xf32, #tpu.memory_space<hbm>>
      %dma_wait3A_263 = arith.constant 0 : i32
      %dma_wait3A_264 = tpu.memref_slice %dma_wait3A_262[%mul3A_250, %dma_wait3A_263] : memref<10240x128xf32, #tpu.memory_space<hbm>> -> memref<640x128xf32, #tpu.memory_space<hbm>>
      %dma_wait3A_265 = arith.constant 0 : i32
      %dma_wait3A_266 = tpu.memref_slice %arg9[%mul3A_248, %dma_wait3A_265] : memref<10240x128xf32, #tpu.memory_space<vmem_shared>> -> memref<640x128xf32, #tpu.memory_space<vmem_shared>>
      tpu.wait_dma2 semaphore(%run_scoped3A : memref<!tpu.dma_semaphore, #tpu.memory_space<semaphore_mem>>) src(%dma_wait3A_266 : memref<640x128xf32, #tpu.memory_space<vmem_shared>>) dst(%dma_wait3A_264 : memref<640x128xf32, #tpu.memory_space<hbm>>)
      tpu.yield
    }) : () -> ()
    return
  }
}

module attributes {stable_mosaic.version = 14 : i64} {
  func.func @_pre_matmul_body(%arg0: i32, %arg1: memref<1000x128xf32, #tpu.memory_space<vmem>>, %arg2: memref<128x1024xf32, #tpu.memory_space<vmem>>, %arg3: memref<1x1024xf32, #tpu.memory_space<vmem>>, %arg4: memref<1000x512xf32, #tpu.memory_space<vmem>>, %arg5: memref<2x2x1000x128xf32, #tpu.memory_space<vmem>>) attributes {dimension_semantics = [#tpu.dimension_semantics<arbitrary>], iteration_bounds = array<i64: 10>, scalar_prefetch = 0 : i64, scratch_operands = 0 : i64, tpu.core_type = #tpu.core_type<tc>, window_params = [{transform_indices = @transform_0, window_bounds = array<i64: 1000, 128>}, {pipeline_mode = #tpu.pipeline_mode<synchronous>, transform_indices = @transform_1, window_bounds = array<i64: 128, 1024>}, {pipeline_mode = #tpu.pipeline_mode<synchronous>, transform_indices = @transform_2, window_bounds = array<i64: 1, 1024>}, {transform_indices = @transform_3, window_bounds = array<i64: 1000, 512>}, {transform_indices = @transform_4, window_bounds = array<i64: 2, 2, 1000, 128>}]} {
    %get3A = arith.constant 0 : index
    %get3A_0 = arith.constant 0 : index
    %get3A_1 = vector.load %arg1[%get3A, %get3A_0] : memref<1000x128xf32, #tpu.memory_space<vmem>>, vector<1000x128xf32>
    %get3A_2 = arith.constant 0 : index
    %get3A_3 = arith.constant 0 : index
    %get3A_4 = vector.load %arg2[%get3A_2, %get3A_3] : memref<128x1024xf32, #tpu.memory_space<vmem>>, vector<128x1024xf32>
    %dot_general3A = arith.constant dense<0.000000e+00> : vector<1000x1024xf32>
    %dot_general3A_5 = tpu.matmul %get3A_1, %get3A_4, %dot_general3A {dimension_numbers = #tpu.dot_dimension_numbers<[1], [0], [0], [1], [0, 0, 1, 1], [], []>, transpose_lhs_hint = false} : vector<1000x128xf32>, vector<128x1024xf32>, vector<1000x1024xf32> -> vector<1000x1024xf32>
    %get3A_6 = arith.constant 0 : index
    %get3A_7 = arith.constant 0 : index
    %get3A_8 = vector.load %arg3[%get3A_6, %get3A_7] : memref<1x1024xf32, #tpu.memory_space<vmem>>, vector<1x1024xf32>
    %add3A = vector.broadcast %get3A_8 : vector<1x1024xf32> to vector<1000x1024xf32>
    %add3A_9 = arith.addf %dot_general3A_5, %add3A : vector<1000x1024xf32>
    %slice3A = vector.extract_strided_slice %add3A_9 {offsets = [0, 0], sizes = [1000, 512], strides = [1, 1]} : vector<1000x1024xf32> to vector<1000x512xf32>
    %swap3A = arith.constant 0 : index
    %swap3A_10 = arith.constant 0 : index
    %swap3A_11 = vector.load %arg4[%swap3A, %swap3A_10] : memref<1000x512xf32, #tpu.memory_space<vmem>>, vector<1000x512xf32>
    tpu.vector_store %arg4[%swap3A, %swap3A_10], %slice3A {strides = array<i32>} : memref<1000x512xf32, #tpu.memory_space<vmem>>, vector<1000x512xf32>,
    %slice3A_12 = vector.extract_strided_slice %add3A_9 {offsets = [0, 512], sizes = [1000, 128], strides = [1, 1]} : vector<1000x1024xf32> to vector<1000x128xf32>
    %swap3A_13 = arith.constant 0 : index
    %swap3A_14 = arith.constant 0 : index
    %swap3A_15 = arith.constant 0 : index
    %swap3A_16 = arith.constant 0 : index
    %swap3A_17 = vector.load %arg5[%swap3A_13, %swap3A_14, %swap3A_15, %swap3A_16] : memref<2x2x1000x128xf32, #tpu.memory_space<vmem>>, vector<1x1x1000x128xf32>
    %swap3A_18 = vector.shape_cast %swap3A_17 : vector<1x1x1000x128xf32> to vector<1000x128xf32>
    %swap3A_19 = vector.shape_cast %slice3A_12 : vector<1000x128xf32> to vector<1x1x1000x128xf32>
    tpu.vector_store %arg5[%swap3A_13, %swap3A_14, %swap3A_15, %swap3A_16], %swap3A_19 {strides = array<i32>} : memref<2x2x1000x128xf32, #tpu.memory_space<vmem>>, vector<1x1x1000x128xf32>,
    %slice3A_20 = vector.extract_strided_slice %add3A_9 {offsets = [0, 640], sizes = [1000, 128], strides = [1, 1]} : vector<1000x1024xf32> to vector<1000x128xf32>
    %swap3A_21 = arith.constant 0 : index
    %swap3A_22 = arith.constant 1 : index
    %swap3A_23 = arith.constant 0 : index
    %swap3A_24 = arith.constant 0 : index
    %swap3A_25 = vector.load %arg5[%swap3A_21, %swap3A_22, %swap3A_23, %swap3A_24] : memref<2x2x1000x128xf32, #tpu.memory_space<vmem>>, vector<1x1x1000x128xf32>
    %swap3A_26 = vector.shape_cast %swap3A_25 : vector<1x1x1000x128xf32> to vector<1000x128xf32>
    %swap3A_27 = vector.shape_cast %slice3A_20 : vector<1000x128xf32> to vector<1x1x1000x128xf32>
    tpu.vector_store %arg5[%swap3A_21, %swap3A_22, %swap3A_23, %swap3A_24], %swap3A_27 {strides = array<i32>} : memref<2x2x1000x128xf32, #tpu.memory_space<vmem>>, vector<1x1x1000x128xf32>,
    %slice3A_28 = vector.extract_strided_slice %add3A_9 {offsets = [0, 768], sizes = [1000, 128], strides = [1, 1]} : vector<1000x1024xf32> to vector<1000x128xf32>
    %swap3A_29 = arith.constant 1 : index
    %swap3A_30 = arith.constant 0 : index
    %swap3A_31 = arith.constant 0 : index
    %swap3A_32 = arith.constant 0 : index
    %swap3A_33 = vector.load %arg5[%swap3A_29, %swap3A_30, %swap3A_31, %swap3A_32] : memref<2x2x1000x128xf32, #tpu.memory_space<vmem>>, vector<1x1x1000x128xf32>
    %swap3A_34 = vector.shape_cast %swap3A_33 : vector<1x1x1000x128xf32> to vector<1000x128xf32>
    %swap3A_35 = vector.shape_cast %slice3A_28 : vector<1000x128xf32> to vector<1x1x1000x128xf32>
    tpu.vector_store %arg5[%swap3A_29, %swap3A_30, %swap3A_31, %swap3A_32], %swap3A_35 {strides = array<i32>} : memref<2x2x1000x128xf32, #tpu.memory_space<vmem>>, vector<1x1x1000x128xf32>,
    %slice3A_36 = vector.extract_strided_slice %add3A_9 {offsets = [0, 896], sizes = [1000, 128], strides = [1, 1]} : vector<1000x1024xf32> to vector<1000x128xf32>
    %swap3A_37 = arith.constant 1 : index
    %swap3A_38 = arith.constant 1 : index
    %swap3A_39 = arith.constant 0 : index
    %swap3A_40 = arith.constant 0 : index
    %swap3A_41 = vector.load %arg5[%swap3A_37, %swap3A_38, %swap3A_39, %swap3A_40] : memref<2x2x1000x128xf32, #tpu.memory_space<vmem>>, vector<1x1x1000x128xf32>
    %swap3A_42 = vector.shape_cast %swap3A_41 : vector<1x1x1000x128xf32> to vector<1000x128xf32>
    %swap3A_43 = vector.shape_cast %slice3A_36 : vector<1000x128xf32> to vector<1x1x1000x128xf32>
    tpu.vector_store %arg5[%swap3A_37, %swap3A_38, %swap3A_39, %swap3A_40], %swap3A_43 {strides = array<i32>} : memref<2x2x1000x128xf32, #tpu.memory_space<vmem>>, vector<1x1x1000x128xf32>,
    return
  }
  func.func @transform_0(%arg0: i32) -> (i32, i32) {
    %c0_i32 = arith.constant 0 : i32
    %c0_i32_0 = arith.constant 0 : i32
    return %arg0, %c0_i32 : i32, i32
  }
  func.func @transform_1(%arg0: i32) -> (i32, i32) {
    %c0_i32 = arith.constant 0 : i32
    %c0_i32_0 = arith.constant 0 : i32
    %c0_i32_1 = arith.constant 0 : i32
    return %c0_i32, %c0_i32_0 : i32, i32
  }
  func.func @transform_2(%arg0: i32) -> (i32, i32) {
    %c0_i32 = arith.constant 0 : i32
    %c0_i32_0 = arith.constant 0 : i32
    %c0_i32_1 = arith.constant 0 : i32
    return %c0_i32, %c0_i32_0 : i32, i32
  }
  func.func @transform_3(%arg0: i32) -> (i32, i32) {
    %c0_i32 = arith.constant 0 : i32
    %c0_i32_0 = arith.constant 0 : i32
    return %arg0, %c0_i32 : i32, i32
  }
  func.func @transform_4(%arg0: i32) -> (i32, i32, i32, i32) {
    %c0_i32 = arith.constant 0 : i32
    %c0_i32_0 = arith.constant 0 : i32
    %c0_i32_1 = arith.constant 0 : i32
    %c0_i32_2 = arith.constant 0 : i32
    return %c0_i32, %c0_i32_0, %arg0, %c0_i32_1 : i32, i32, i32, i32
  }
}

module attributes {stable_mosaic.version = 14 : i64} {
  func.func @_post_body(%arg0: i32, %arg1: memref<1000x128xf32, #tpu.memory_space<vmem>>, %arg2: memref<1000x512xf32, #tpu.memory_space<vmem>>, %arg3: memref<2x1000x128xf32, #tpu.memory_space<vmem>>, %arg4: memref<2x1000x128xf32, #tpu.memory_space<vmem>>, %arg5: memref<256x128xf32, #tpu.memory_space<vmem>>, %arg6: memref<256x128xf32, #tpu.memory_space<vmem>>, %arg7: memref<1x128xf32, #tpu.memory_space<vmem>>, %arg8: memref<128x128xf32, #tpu.memory_space<vmem>>, %arg9: memref<1x128xf32, #tpu.memory_space<vmem>>, %arg10: memref<1000x128xf32, #tpu.memory_space<vmem>>) attributes {dimension_semantics = [#tpu.dimension_semantics<arbitrary>], iteration_bounds = array<i64: 10>, scalar_prefetch = 0 : i64, scratch_operands = 0 : i64, tpu.core_type = #tpu.core_type<tc>, window_params = [{transform_indices = @transform_0, window_bounds = array<i64: 1000, 128>}, {transform_indices = @transform_1, window_bounds = array<i64: 1000, 512>}, {transform_indices = @transform_2, window_bounds = array<i64: 2, 1000, 128>}, {transform_indices = @transform_3, window_bounds = array<i64: 2, 1000, 128>}, {pipeline_mode = #tpu.pipeline_mode<synchronous>, transform_indices = @transform_4, window_bounds = array<i64: 256, 128>}, {pipeline_mode = #tpu.pipeline_mode<synchronous>, transform_indices = @transform_5, window_bounds = array<i64: 256, 128>}, {pipeline_mode = #tpu.pipeline_mode<synchronous>, transform_indices = @transform_6, window_bounds = array<i64: 1, 128>}, {pipeline_mode = #tpu.pipeline_mode<synchronous>, transform_indices = @transform_7, window_bounds = array<i64: 128, 128>}, {pipeline_mode = #tpu.pipeline_mode<synchronous>, transform_indices = @transform_8, window_bounds = array<i64: 1, 128>}, {transform_indices = @transform_9, window_bounds = array<i64: 1000, 128>}]} {
    %get3A = arith.constant 0 : index
    %get3A_0 = arith.constant 0 : index
    %get3A_1 = vector.load %arg2[%get3A, %get3A_0] : memref<1000x512xf32, #tpu.memory_space<vmem>>, vector<1000x256xf32>
    %get3A_2 = arith.constant 0 : index
    %get3A_3 = arith.constant 256 : index
    %get3A_4 = vector.load %arg2[%get3A_2, %get3A_3] : memref<1000x512xf32, #tpu.memory_space<vmem>>, vector<1000x256xf32>
    %get3A_5 = arith.constant 0 : index
    %get3A_6 = arith.constant 0 : index
    %get3A_7 = arith.constant 0 : index
    %get3A_8 = vector.load %arg3[%get3A_5, %get3A_6, %get3A_7] : memref<2x1000x128xf32, #tpu.memory_space<vmem>>, vector<1x1000x128xf32>
    %get3A_9 = vector.shape_cast %get3A_8 : vector<1x1000x128xf32> to vector<1000x128xf32>
    %get3A_10 = arith.constant 1 : index
    %get3A_11 = arith.constant 0 : index
    %get3A_12 = arith.constant 0 : index
    %get3A_13 = vector.load %arg3[%get3A_10, %get3A_11, %get3A_12] : memref<2x1000x128xf32, #tpu.memory_space<vmem>>, vector<1x1000x128xf32>
    %get3A_14 = vector.shape_cast %get3A_13 : vector<1x1000x128xf32> to vector<1000x128xf32>
    %concatenate3A = tpu.concatenate %get3A_9, %get3A_14 in 1 : vector<1000x128xf32>, vector<1000x128xf32> -> vector<1000x256xf32>
    %get3A_15 = arith.constant 0 : index
    %get3A_16 = arith.constant 0 : index
    %get3A_17 = arith.constant 0 : index
    %get3A_18 = vector.load %arg4[%get3A_15, %get3A_16, %get3A_17] : memref<2x1000x128xf32, #tpu.memory_space<vmem>>, vector<1x1000x128xf32>
    %get3A_19 = vector.shape_cast %get3A_18 : vector<1x1000x128xf32> to vector<1000x128xf32>
    %get3A_20 = arith.constant 1 : index
    %get3A_21 = arith.constant 0 : index
    %get3A_22 = arith.constant 0 : index
    %get3A_23 = vector.load %arg4[%get3A_20, %get3A_21, %get3A_22] : memref<2x1000x128xf32, #tpu.memory_space<vmem>>, vector<1x1000x128xf32>
    %get3A_24 = vector.shape_cast %get3A_23 : vector<1x1000x128xf32> to vector<1000x128xf32>
    %concatenate3A_25 = tpu.concatenate %get3A_19, %get3A_24 in 1 : vector<1000x128xf32>, vector<1000x128xf32> -> vector<1000x256xf32>
    %add3A = arith.addf %get3A_1, %concatenate3A : vector<1000x256xf32>
    %max3A = arith.constant 0.000000e+00 : f32
    %max3A_26 = vector.broadcast %max3A : f32 to vector<1000x256xf32>
    %max3A_27 = arith.maximumf %add3A, %max3A_26 : vector<1000x256xf32>
    %mul3A = arith.mulf %max3A_27, %max3A_27 : vector<1000x256xf32>
    %reduce_sum3A = arith.constant dense<0.000000e+00> : vector<1000xf32>
    %reduce_sum3A_28 = vector.multi_reduction <add>, %mul3A, %reduce_sum3A [1] : vector<1000x256xf32> to vector<1000xf32>
    %broadcast_in_dim3A = vector.shape_cast %reduce_sum3A_28 : vector<1000xf32> to vector<1000x1xf32>
    %sqrt3A = math.sqrt %broadcast_in_dim3A : vector<1000x1xf32>
    %max3A_29 = arith.constant 9.99999996E-13 : f32
    %max3A_30 = vector.broadcast %max3A_29 : f32 to vector<1000x1xf32>
    %max3A_31 = arith.maximumf %sqrt3A, %max3A_30 : vector<1000x1xf32>
    %div3A = vector.broadcast %max3A_31 : vector<1000x1xf32> to vector<1000x256xf32>
    %div3A_32 = arith.divf %max3A_27, %div3A : vector<1000x256xf32>
    %add3A_33 = arith.addf %get3A_4, %concatenate3A_25 : vector<1000x256xf32>
    %max3A_34 = arith.constant 0.000000e+00 : f32
    %max3A_35 = vector.broadcast %max3A_34 : f32 to vector<1000x256xf32>
    %max3A_36 = arith.maximumf %add3A_33, %max3A_35 : vector<1000x256xf32>
    %mul3A_37 = arith.mulf %max3A_36, %max3A_36 : vector<1000x256xf32>
    %reduce_sum3A_38 = arith.constant dense<0.000000e+00> : vector<1000xf32>
    %reduce_sum3A_39 = vector.multi_reduction <add>, %mul3A_37, %reduce_sum3A_38 [1] : vector<1000x256xf32> to vector<1000xf32>
    %broadcast_in_dim3A_40 = vector.shape_cast %reduce_sum3A_39 : vector<1000xf32> to vector<1000x1xf32>
    %sqrt3A_41 = math.sqrt %broadcast_in_dim3A_40 : vector<1000x1xf32>
    %max3A_42 = arith.constant 9.99999996E-13 : f32
    %max3A_43 = vector.broadcast %max3A_42 : f32 to vector<1000x1xf32>
    %max3A_44 = arith.maximumf %sqrt3A_41, %max3A_43 : vector<1000x1xf32>
    %div3A_45 = vector.broadcast %max3A_44 : vector<1000x1xf32> to vector<1000x256xf32>
    %div3A_46 = arith.divf %max3A_36, %div3A_45 : vector<1000x256xf32>
    %get3A_47 = arith.constant 0 : index
    %get3A_48 = arith.constant 0 : index
    %get3A_49 = vector.load %arg5[%get3A_47, %get3A_48] : memref<256x128xf32, #tpu.memory_space<vmem>>, vector<256x128xf32>
    %dot_general3A = arith.constant dense<0.000000e+00> : vector<1000x128xf32>
    %dot_general3A_50 = tpu.matmul %div3A_32, %get3A_49, %dot_general3A {dimension_numbers = #tpu.dot_dimension_numbers<[1], [0], [0], [1], [0, 0, 1, 1], [], []>, transpose_lhs_hint = false} : vector<1000x256xf32>, vector<256x128xf32>, vector<1000x128xf32> -> vector<1000x128xf32>
    %get3A_51 = arith.constant 0 : index
    %get3A_52 = arith.constant 0 : index
    %get3A_53 = vector.load %arg6[%get3A_51, %get3A_52] : memref<256x128xf32, #tpu.memory_space<vmem>>, vector<256x128xf32>
    %dot_general3A_54 = arith.constant dense<0.000000e+00> : vector<1000x128xf32>
    %dot_general3A_55 = tpu.matmul %div3A_46, %get3A_53, %dot_general3A_54 {dimension_numbers = #tpu.dot_dimension_numbers<[1], [0], [0], [1], [0, 0, 1, 1], [], []>, transpose_lhs_hint = false} : vector<1000x256xf32>, vector<256x128xf32>, vector<1000x128xf32> -> vector<1000x128xf32>
    %add3A_56 = arith.addf %dot_general3A_50, %dot_general3A_55 : vector<1000x128xf32>
    %get3A_57 = arith.constant 0 : index
    %get3A_58 = arith.constant 0 : index
    %get3A_59 = vector.load %arg7[%get3A_57, %get3A_58] : memref<1x128xf32, #tpu.memory_space<vmem>>, vector<1x128xf32>
    %add3A_60 = vector.broadcast %get3A_59 : vector<1x128xf32> to vector<1000x128xf32>
    %add3A_61 = arith.addf %add3A_56, %add3A_60 : vector<1000x128xf32>
    %max3A_62 = arith.constant 0.000000e+00 : f32
    %max3A_63 = vector.broadcast %max3A_62 : f32 to vector<1000x128xf32>
    %max3A_64 = arith.maximumf %add3A_61, %max3A_63 : vector<1000x128xf32>
    %get3A_65 = arith.constant 0 : index
    %get3A_66 = arith.constant 0 : index
    %get3A_67 = vector.load %arg8[%get3A_65, %get3A_66] : memref<128x128xf32, #tpu.memory_space<vmem>>, vector<128x128xf32>
    %dot_general3A_68 = arith.constant dense<0.000000e+00> : vector<1000x128xf32>
    %dot_general3A_69 = tpu.matmul %max3A_64, %get3A_67, %dot_general3A_68 {dimension_numbers = #tpu.dot_dimension_numbers<[1], [0], [0], [1], [0, 0, 1, 1], [], []>, transpose_lhs_hint = false} : vector<1000x128xf32>, vector<128x128xf32>, vector<1000x128xf32> -> vector<1000x128xf32>
    %get3A_70 = arith.constant 0 : index
    %get3A_71 = arith.constant 0 : index
    %get3A_72 = vector.load %arg9[%get3A_70, %get3A_71] : memref<1x128xf32, #tpu.memory_space<vmem>>, vector<1x128xf32>
    %add3A_73 = vector.broadcast %get3A_72 : vector<1x128xf32> to vector<1000x128xf32>
    %add3A_74 = arith.addf %dot_general3A_69, %add3A_73 : vector<1000x128xf32>
    %get3A_75 = arith.constant 0 : index
    %get3A_76 = arith.constant 0 : index
    %get3A_77 = vector.load %arg1[%get3A_75, %get3A_76] : memref<1000x128xf32, #tpu.memory_space<vmem>>, vector<1000x128xf32>
    %max3A_78 = arith.constant 0.000000e+00 : f32
    %max3A_79 = vector.broadcast %max3A_78 : f32 to vector<1000x128xf32>
    %max3A_80 = arith.maximumf %add3A_74, %max3A_79 : vector<1000x128xf32>
    %add3A_81 = arith.addf %get3A_77, %max3A_80 : vector<1000x128xf32>
    %mul3A_82 = arith.mulf %add3A_81, %add3A_81 : vector<1000x128xf32>
    %reduce_sum3A_83 = arith.constant dense<0.000000e+00> : vector<1000xf32>
    %reduce_sum3A_84 = vector.multi_reduction <add>, %mul3A_82, %reduce_sum3A_83 [1] : vector<1000x128xf32> to vector<1000xf32>
    %broadcast_in_dim3A_85 = vector.shape_cast %reduce_sum3A_84 : vector<1000xf32> to vector<1000x1xf32>
    %sqrt3A_86 = math.sqrt %broadcast_in_dim3A_85 : vector<1000x1xf32>
    %max3A_87 = arith.constant 9.99999996E-13 : f32
    %max3A_88 = vector.broadcast %max3A_87 : f32 to vector<1000x1xf32>
    %max3A_89 = arith.maximumf %sqrt3A_86, %max3A_88 : vector<1000x1xf32>
    %div3A_90 = vector.broadcast %max3A_89 : vector<1000x1xf32> to vector<1000x128xf32>
    %div3A_91 = arith.divf %add3A_81, %div3A_90 : vector<1000x128xf32>
    %swap3A = arith.constant 0 : index
    %swap3A_92 = arith.constant 0 : index
    %swap3A_93 = vector.load %arg10[%swap3A, %swap3A_92] : memref<1000x128xf32, #tpu.memory_space<vmem>>, vector<1000x128xf32>
    tpu.vector_store %arg10[%swap3A, %swap3A_92], %div3A_91 {strides = array<i32>} : memref<1000x128xf32, #tpu.memory_space<vmem>>, vector<1000x128xf32>,
    return
  }
  func.func @transform_0(%arg0: i32) -> (i32, i32) {
    %c0_i32 = arith.constant 0 : i32
    %c0_i32_0 = arith.constant 0 : i32
    return %arg0, %c0_i32 : i32, i32
  }
  func.func @transform_1(%arg0: i32) -> (i32, i32) {
    %c0_i32 = arith.constant 0 : i32
    %c0_i32_0 = arith.constant 0 : i32
    return %arg0, %c0_i32 : i32, i32
  }
  func.func @transform_2(%arg0: i32) -> (i32, i32, i32) {
    %c0_i32 = arith.constant 0 : i32
    %c0_i32_0 = arith.constant 0 : i32
    %c0_i32_1 = arith.constant 0 : i32
    return %c0_i32, %arg0, %c0_i32_0 : i32, i32, i32
  }
  func.func @transform_3(%arg0: i32) -> (i32, i32, i32) {
    %c0_i32 = arith.constant 0 : i32
    %c0_i32_0 = arith.constant 0 : i32
    %c0_i32_1 = arith.constant 0 : i32
    return %c0_i32, %arg0, %c0_i32_0 : i32, i32, i32
  }
  func.func @transform_4(%arg0: i32) -> (i32, i32) {
    %c0_i32 = arith.constant 0 : i32
    %c0_i32_0 = arith.constant 0 : i32
    %c0_i32_1 = arith.constant 0 : i32
    return %c0_i32, %c0_i32_0 : i32, i32
  }
  func.func @transform_5(%arg0: i32) -> (i32, i32) {
    %c0_i32 = arith.constant 0 : i32
    %c0_i32_0 = arith.constant 0 : i32
    %c0_i32_1 = arith.constant 0 : i32
    return %c0_i32, %c0_i32_0 : i32, i32
  }
  func.func @transform_6(%arg0: i32) -> (i32, i32) {
    %c0_i32 = arith.constant 0 : i32
    %c0_i32_0 = arith.constant 0 : i32
    %c0_i32_1 = arith.constant 0 : i32
    return %c0_i32, %c0_i32_0 : i32, i32
  }
  func.func @transform_7(%arg0: i32) -> (i32, i32) {
    %c0_i32 = arith.constant 0 : i32
    %c0_i32_0 = arith.constant 0 : i32
    %c0_i32_1 = arith.constant 0 : i32
    return %c0_i32, %c0_i32_0 : i32, i32
  }
  func.func @transform_8(%arg0: i32) -> (i32, i32) {
    %c0_i32 = arith.constant 0 : i32
    %c0_i32_0 = arith.constant 0 : i32
    %c0_i32_1 = arith.constant 0 : i32
    return %c0_i32, %c0_i32_0 : i32, i32
  }
  func.func @transform_9(%arg0: i32) -> (i32, i32) {
    %c0_i32 = arith.constant 0 : i32
    %c0_i32_0 = arith.constant 0 : i32
    return %arg0, %c0_i32 : i32, i32
  }
}

</mosaic_0001>

<sc_bundles>
// kernel: kernel.6.cloned.1.call-start
scs
__scs_entry_jumppad:
0x0: {  	(pc) =	sbr.rel $0x88, $3  }
0x1: {  	(tag) =	ssettag $0x0;
	lr =	simm.s32 $0x1  }
0x2: {  	[smem:$0x3F90] =	sst lr;
	_ =	strace $0xD0000000  }
0x3: {  	_ = 	snop  }
0x4: {  	_ = 	snop  }
0x5: {  	_ = 	snop  }
0x6: {  	_ = 	snop  }
0x7: {  	_ = 	snop  }
__scs_overlays_trampoline_lowered:
0x8: {  	[smem:$0x3F9F] =	sst s0  }
0x9: {  	[smem:$0x3FA0] =	sst s1  }
0xa: {  	[smem:$0x3FA1] =	sst s2  }
0xb: {  	[smem:$0x3FA2] =	sst s3  }
0xc: {  	[smem:$0x3FA3] =	sst s4  }
0xd: {  	[smem:$0x3FA4] =	sst s5  }
0xe: {  	[smem:$0x3FA5] =	sst s6  }
0xf: {  	[smem:$0x3FA6] =	sst s7  }
0x10: {  	[smem:$0x3FA7] =	sst s8  }
0x11: {  	[smem:$0x3FA8] =	sst s9;
	s0 =	simm.s32 @!p0 $0x0  }
0x12: {  	s1 =	sld [smem:$0x3F8E];
	s0 =	simm.s32 @p0 $0x1  }
0x13: {  	[smem:$0x3FA9] =	sst s0;
	s0 =	simm.s32 @!p1 $0x0  }
0x14: {  	s2 =	sld [smem:$0x3F8D];
	s0 =	simm.s32 @p1 $0x1  }
0x15: {  	[smem:$0x3FAA] =	sst s0;
	s0 =	simm.s32 @!p2 $0x0  }
0x16: {  	s3 =	sld [smem:$0x3FDB];
	s0 =	simm.s32 @p2 $0x1  }
0x17: {  	s4 =	simm.s32 $0x1BF5;
	[smem:$0x3FAC] =	sst s0  }
0x18: {  	s0 =	sld [smem:$0x3F8F];
	_ =	swait.ge [sflag:s4], $0x0  }
0x19: {  	s7 =	sld [smem:$0x3F90]  }
0x1a: {  	s8 =	sadd.s32 $0xFFFFE003, lr  }
0x1b: {  	s9 =	sadd.s32 $0xFFFFFEF7, lr;
	s5 =	simm.s32 $0xFFFFFFFF;
	p2 =	slt.u32 s8, $0xFFFFF086  }
0x1c: {  	p1 =	slt.u32 s9, $0xF7A;
	s5 =	simm.s32 @!p2 $0x0  }
0x1d: {  	s5 =	simm.s32 @p1 $0x1;
	p0 =	seq.s32 s7, s2  }
0x1e: {  	s7 =	smul.u32 @!p0 $0xF7A, s2;
	p2 =	seq.s32 @!p0 s5, $0x0  }
0x1f: {  	s9 =	smul.u32 $0xF7A, s1;
	s8 =	simm.s32 @!p0 $0x1BF5;
	p2 =	por !p2, p0  }
0x20: {  	[sflag:s8] =	ssyncset.s32 @!p0 $0xFFFFF086;
	s6 =	sadd.s32 @!p0 s3, s7;
	s7 =	simm.s32 @!p0 $0x108  }
0x21: {  	s3 =	sadd.s32 s3, s9;
	s6 =	sadd.s32 @!p0 $0x88, s6;
	s7 =	simm.s32 @p2 $0x1082  }
0x22: {  	[simem:s7], [sflag:s8] =	dma.local @!p0 [hbm:s6], $0xF7A  }
0x23: {  	s9 =	sor.u32 $0xD0000000, s2;
	s6 =	simm.s32 $0x108;
	_ =	swait.ge @!p0 [sflag:s8], $0x0  }
0x24: {  	s3 =	sadd.s32 $0x88, s3;
	s6 =	simm.s32 @!p1 $0x1082;
	[sflag:s4] =	ssyncset.s32 $0xFFFFF086  }
0x25: {  	[simem:s6], [sflag:s4] =	dma.local [hbm:s3], $0xF7A  }
0x26: {  	[smem:$0x3F90] =	sst s1;
	(tag) =	ssettag s2;
	_ =	strace s9  }
0x27: {  	s1 =	sld [smem:$0x3FA0]  }
0x28: {  	s2 =	sld [smem:$0x3FA1]  }
0x29: {  	s4 =	sld [smem:$0x3FA3]  }
0x2a: {  	p0 =	seq.s32 s5, $0x0;
	s5 =	sld [smem:$0x3FA4]  }
0x2b: {  	s6 =	sld [smem:$0x3FA5]  }
0x2c: {  	s7 =	sld [smem:$0x3FA6]  }
0x2d: {  	s3 =	simm.s32 $0x108;
	s8 =	sld [smem:$0x3FA7]  }
0x2e: {  	s3 =	simm.s32 @!p0 $0x1082;
	s9 =	sld [smem:$0x3FA8]  }
0x2f: {  	lr =	sadd.s32 s0, s3;
	s0 =	sld [smem:$0x3F9F]  }
0x30: {  	s3 =	sld [smem:$0x3FA2]  }
0x31: {  	[smem:$0x3FAB] =	sst s10  }
0x32: {  	s10 =	sld [smem:$0x3FA9];
	_ =	sdelay $0x3  }
0x33: {  	p0 =	seq.s32 s10, $0x1;
	s10 =	sld [smem:$0x3FAB];
	_ =	sdelay $0x3  }
0x34: {  	[smem:$0x3FAB] =	sst s10  }
0x35: {  	s10 =	sld [smem:$0x3FAA];
	_ =	sdelay $0x3  }
0x36: {  	p1 =	seq.s32 s10, $0x1;
	s10 =	sld [smem:$0x3FAB];
	_ =	sdelay $0x3  }
0x37: {  	[smem:$0x3FAB] =	sst s10  }
0x38: {  	s10 =	sld [smem:$0x3FAC]  }
0x39: {  	_ = 	snop;
	(pc) =	sbr.ind lr, $3  }
0x3a: {  	_ = 	snop  }
0x3b: {  	_ = 	snop  }
0x3c: {  	p2 =	seq.s32 s10, $0x1;
	s10 =	sld [smem:$0x3FAB]  }
0x3d: {  	_ =	shalt  }
0x3e: {  	_ =	shalt  }
0x3f: {  	_ =	shalt  }
0x40: {  	_ =	shalt  }
0x41: {  	_ =	shalt  }
0x42: {  	_ =	shalt  }
0x43: {  	_ =	shalt  }
0x44: {  	_ =	shalt  }
0x45: {  	_ =	shalt  }
0x46: {  	_ =	shalt  }
0x47: {  	_ =	shalt  }
0x48: {  	_ =	shalt  }
0x49: {  	_ =	shalt  }
0x4a: {  	_ =	shalt  }
0x4b: {  	_ =	shalt  }
0x4c: {  	_ =	shalt  }
0x4d: {  	_ =	shalt  }
0x4e: {  	_ =	shalt  }
0x4f: {  	_ =	shalt  }
0x50: {  	_ =	shalt  }
0x51: {  	_ =	shalt  }
0x52: {  	_ =	shalt  }
0x53: {  	_ =	shalt  }
0x54: {  	_ =	shalt  }
0x55: {  	_ =	shalt  }
0x56: {  	_ =	shalt  }
0x57: {  	_ =	shalt  }
0x58: {  	_ =	shalt  }
0x59: {  	_ =	shalt  }
0x5a: {  	_ =	shalt  }
0x5b: {  	_ =	shalt  }
0x5c: {  	_ =	shalt  }
0x5d: {  	_ =	shalt  }
0x5e: {  	_ =	shalt  }
0x5f: {  	_ =	shalt  }
0x60: {  	_ =	shalt  }
0x61: {  	_ =	shalt  }
0x62: {  	_ =	shalt  }
0x63: {  	_ =	shalt  }
0x64: {  	_ =	shalt  }
0x65: {  	_ =	shalt  }
0x66: {  	_ =	shalt  }
0x67: {  	_ =	shalt  }
0x68: {  	_ =	shalt  }
0x69: {  	_ =	shalt  }
0x6a: {  	_ =	shalt  }
0x6b: {  	_ =	shalt  }
0x6c: {  	_ =	shalt  }
0x6d: {  	_ =	shalt  }
0x6e: {  	_ =	shalt  }
0x6f: {  	_ =	shalt  }
0x70: {  	_ =	shalt  }
0x71: {  	_ =	shalt  }
0x72: {  	_ =	shalt  }
0x73: {  	_ =	shalt  }
0x74: {  	_ =	shalt  }
0x75: {  	_ =	shalt  }
0x76: {  	_ =	shalt  }
0x77: {  	_ =	shalt  }
0x78: {  	_ =	shalt  }
0x79: {  	_ =	shalt  }
0x7a: {  	_ =	shalt  }
0x7b: {  	_ =	shalt  }
0x7c: {  	_ =	shalt  }
0x7d: {  	_ =	shalt  }
0x7e: {  	_ =	shalt  }
0x7f: {  	_ =	shalt  }
0x80: {  	_ =	shalt  }
0x81: {  	_ =	shalt  }
0x82: {  	_ =	shalt  }
0x83: {  	_ =	shalt  }
0x84: {  	_ =	shalt  }
0x85: {  	_ =	shalt  }
0x86: {  	_ =	shalt  }
0x87: {  	_ =	shalt  }
.Lfunc_end0:
.L_simem_size_0:
called_computation_lowered:
.L_overlay_start_0:
0x88: {  	s2 =	sld [smem:$0x3FD9]  }
0x89: {  	s3 =	sld [smem:$0x3FFE];
	_ =	sdelay $0x1  }
0x8a: {  	s1 =	srdreg.scid  }
0x8b: {  	s0 =	sand.u32 $0x1, s1  }
0x8c: {  	s17 =	sshll.u32 s0, $0xA;
	s2 =	sadd.s32 s3, s2  }
0x8d: {  	s2 =	sadd.s32 s2, s17  }
0x8e: {  	[smem:$0x3FB7] =	sst s2  }
0x8f: {  	_ = 	snop  }
0x90: {  	s18 =	sld [smem:$0x3FC7];
	(tm) =	ssettm $0x1  }
0x91: {  	s19 =	sld [smem:$0x3FFB];
	_ =	sdelay $0x3  }
0x92: {  	_ =	strace s19  }
0x93: {  	s2 =	sld [smem:$0x3FFC];
	_ =	sdelay $0x3  }
0x94: {  	_ =	strace s2  }
0x95: {  	s2 =	sld [smem:$0x3FFD];
	_ =	sdelay $0x3  }
0x96: {  	_ =	strace s2  }
0x97: {  	_ =	strace $0x8FFFFFFF  }
0x98: {  	s20 =	sld [smem:$0x3FDB];
	_ =	sdelay $0x1  }
0x99: {  	s4 =	simm.s32 $_scs_section_size  }
0x9a: {  	s5 =	simm.s32 $_size__tile_overlayer_lowered;
	s6 =	simm.s32 $_tile_overlayer_lowered  }
0x9b: {  	s7 =	simm.s32 $0x1BFF;
	s21 =	sshll.u32 s6, $0x1;
	s4 =	sadd.s32 s4, s20  }
0x9c: {  	s22 =	simm.s32 $0x0;
	s5 =	sshll.u32 s5, $0x1;
	s6 =	sadd.s32 s21, s4  }
0x9d: {  	[timem:s22], [sflag:s7] =	dma.local [hbm:s6], s5  }
0x9e: {  	_ =	swait.ge [sflag:s7], s5  }
0x9f: {  	s5 =	ssub.s32 $0x0, s5;
	[sflag:s7] =	ssyncset.done $0x0  }
0xa0: {  	[sflag:s7] =	ssyncadd.s32 s5;
	_ =	sdelay $0x1  }
0xa1: {  	s23 =	simm.s32 $0x1B8B  }
0xa2: {  	_ =	swait.ge [sflag:s23], $0x1  }
0xa3: {  	[sflag:s23] =	ssyncset.done $0x0  }
0xa4: {  	[sflag:s23] =	ssyncadd.s32 $0xFFFFFFFF  }
0xa5: {  	s5 =	sld [smem:$0x0]  }
0xa6: {  	s6 =	sand.u32 $0xFFFFFFFE, s1  }
0xa7: {  	p0 =	sne.s32 s1, s6  }
0xa8: {  	s6 =	sshll.u32 @p0 s6, $0xE  }
0xa9: {  	s6 =	sadd.s32 @p0 $0x11B8D, s6;
	s7 =	sshll.u32 @p0 s5, $0x11  }
0xaa: {  	s6 =	sor.u32 @p0 s7, s6  }
0xab: {  	[sflag:s6] =	ssyncadd.remote.s32 @p0 $0x1;
	_ =	sdelay $0x1  }
0xac: {  	s6 =	simm.s32 @p0 $0x1B8D  }
0xad: {  	_ =	swait.eq @p0 [sflag:s6], $0x1  }
0xae: {  	[sflag:s6] =	ssyncadd.s32 @p0 $0xFFFFFFFF  }
0xaf: {  	s7 =	sshll.u32 @!p0 s1, $0xE  }
0xb0: {  	s7 =	sor.u32 @!p0 $0x4000, s7;
	s6 =	simm.s32 @!p0 $0x1B8D  }
0xb1: {  	s5 =	sshll.u32 @!p0 s5, $0x11;
	s7 =	sadd.s32 @!p0 $0x11B8D, s7;
	_ =	swait.eq @!p0 [sflag:s6], $0x1  }
0xb2: {  	s5 =	sor.u32 @!p0 s5, s7;
	[sflag:s6] =	ssyncadd.s32 @!p0 $0xFFFFFFFF  }
0xb3: {  	s25 =	simm.s32 $0x1B8E;
	s24 =	sld [smem:$0x3FFE];
	[sflag:s5] =	ssyncadd.remote.s32 @!p0 $0x1  }
0xb4: {  	s26 =	simm.s32 $execute0_lowered;
	[smem:$0x3FD2] =	sst s25  }
0xb5: {  	s6 =	sshll.u32 s26, $0x1;
	_ =	strace $0x80000049;
	[dreg:$0x1] =	wrdreg $0xFFFFFFFF  }
0xb6: {  	s28 =	simm.s32 $_size_execute0_lowered;
	s4 =	sadd.s32 s4, s6;
	[dreg:$0x0] =	wrdreg $0x0  }
0xb7: {  	s6 =	sshll.u32 s28, $0x1;
	[dreg:$0x2] =	wrdreg s4  }
0xb8: {  	[dreg:$0x3] =	wrdreg s6  }
0xb9: {  	[dreg:$0x4] =	wrdreg $0xC0  }
0xba: {  	_ =	task [dreg:s22], $0x5FFFF  }
0xbb: {  	[dreg:$0x1] =	wrdreg $0xFFFFFFFF  }
0xbc: {  	[dreg:$0x0] =	wrdreg $0x60  }
0xbd: {  	[dreg:$0x2] =	wrdreg s24  }
0xbe: {  	[dreg:$0x3] =	wrdreg s18  }
0xbf: {  	[dreg:$0x4] =	wrdreg $0x0  }
0xc0: {  	[dreg:$0x5] =	wrdreg $0x9  }
0xc1: {  	_ =	task.clear_ibuf [dreg:s22], $0x6FFFF;
	_ =	strace $0x90000049  }
0xc2: {  	s29 =	simm.s32 $0x9;
	_ =	strace $0x8000004B  }
0xc3: {  	_ =	swait.ge [sflag:s29], $0x1  }
0xc4: {  	[sflag:s29] =	ssyncadd.s32 $0xFFFFFFFF  }
0xc5: {  	_ =	strace $0x9000004B  }
0xc6: {  	_ =	sfence  }
0xc7: {  	s30 =	sld [smem:$0x0];
	_ =	sdelay $0x2  }
0xc8: {  	s31 =	sshll.u32 s1, $0xD;
	s1 =	sshrl.u32 s1, $0x2  }
0xc9: {  	s4 =	sand.u32 $0x4000, s31;
	s1 =	sadd.s32 s1, s30  }
0xca: {  	s0 =	sor.u32 s4, s0;
	s1 =	sshll.u32 s1, $0x11  }
0xcb: {  	s0 =	sor.u32 s1, s0  }
0xcc: {  	s0 =	sadd.s32 $0x8F2B, s0  }
0xcd: {  	[sflag:s0] =	ssyncadd.remote.s32 $0x1  }
0xce: {  	_ =	sfence.sel $0xFFFF  }
0xcf: {  	[dreg:$0x0] =	wrdreg $0xFFFFFFFF;
	(pc) =	sbr.abs _section_cstart, $3  }
0xd0: {  	[dreg:$0x1] =	wrdreg $0xFFFFFFFF  }
0xd1: {  	_ =	task.clear_ibuf [dreg:s22], $0x2FFFF;
	_ =	strace $0x9FFFFFFF  }
0xd2: {  	(tm) =	ssettm $0x7FFFFFFF  }
0xd3: {  	_ =	shalt  }
tec
execute0_lowered:
.L_overlay_start_1:
0x0: {  	(tag) =	ssettag $0x1  }
0x1: {  	s0 =	rddreg [dreg:$0x0]  }
0x2: {  	s1 =	rddreg [dreg:$0x1]  }
0x3: {  	s2 =	rddreg [dreg:$0x2];
	s3 =	simm.s32 $0x0;
	s20 =	stileid.u32  }
0x4: {  	s4 =	srdreg.scid;
	s19 =	simm.s32 $0xC;
	s10 =	smul.u32 $0x50000, s20  }
0x5: {  	s28 =	simm.s32 $0x800;
	s5 =	sadd.s32 $0x19B200, s0;
	s23 =	smul.u32 $0x271000, s20  }
0x6: {  	s4 =	sand.u32 $0x1, s4;
	s6 =	sadd.s32 $0x196200, s0;
	s31 =	smul.u32 $0x2800, s20  }
0x7: {  	[smem:$0x7FF] =	sst s3;
	s9 =	sadd.s32 $0x143800, s0;
	s7 =	smul.u32 $0x27100, s4  }
0x8: {  	s24 =	sshll.u32 s20, $0x6;
	_ =	strace $0x8000004A;
	s8 =	smul.u32 $0x28000, s4  }
0x9: {  	[dreg:$0x4] =	wrdreg s9;
	s21 =	ssub.s32 $0x2, s4;
	s9 =	sshll.u32 s4, $0xA  }
0xa: {  	s11 =	sshrl.u32 s21, $0x1;
	s22 =	sshrl.u32 s10, $0x2;
	s10 =	sor.u32 $0x1C0C, s24  }
0xb: {  	s14 =	sor.u32 s9, s23;
	s23 =	simm.s32 $0x50;
	s13 =	sadd.s32 s7, s0  }
0xc: {  	s0 =	sadd.s32 s8, s0;
	s8 =	smul.u32 $0x2710, s20;
	s17 =	ssub.s32 s21, s11  }
0xd: {  	s18 =	sadd.s32 s22, s2;
	s14 =	sshrl.u32 s14, $0x3;
	s20 =	simm.s32 $0x14000  }
0xe: {  	s22 =	simm.s32 $0x1;
	s21 =	simm.s32 $0x0;
	s13 =	sadd.s32 $0xB000, s13  }
0xf: {  	s30 =	sadd.s32 s1, s14;
	s0 =	sadd.s32 $0x1A0200, s0;
	s17 =	smax.u32 s17, $0x1  }
.Ltmp0:
0x10: {  	s18 =	sshrl.u32 s18, $0x3;
	s25 =	sshrl.u32 s8, $0x3;
	(pc) =	sbr.rel .LBB2_1-.Ltmp0, $4  }
0x11: {  	[dreg:$0x7] =	wrdreg s30;
	s24 =	sadd.s32 s31, s0;
	s26 =	sadd.s32 s5, s25  }
0x12: {  	s29 =	sadd.s32 s6, s25;
	s4 =	sadd.s32 $0xA, s25;
	[dreg:$0x5] =	wrdreg s26  }
0x13: {  	s0 =	simm.s32 $0x8;
	[dreg:$0x6] =	wrdreg s29;
	s15 =	sadd.s32 s5, s4  }
0x14: {  	s16 =	sadd.s32 s6, s4;
	s26 =	simm.s32 $0x400;
	s4 =	simm.s32 $0xA  }
.LBB2_5:
0x15: {  	_ =	swait.ge [sflag:s0], $0x2800  }
0x16: {  	[sflag:s0] =	ssyncset.done $0x0  }
0x17: {  	[sflag:s0] =	ssyncadd.s32 $0xFFFFD800  }
0x18: {  	_ =	swait.ge [sflag:s4], $0x2800  }
0x19: {  	s21 =	sadd.s32 $0x1, s21;
	[sflag:s4] =	ssyncset.done $0x0  }
0x1a: {  	p0 =	sne.s32 s21, s17;
	[sflag:s4] =	ssyncadd.s32 $0xFFFFD800  }
.Ltmp1:
0x1b: {  	[bflag:$0x0] =	sbarrier.arrive $0xFFFF;
	(pc) =	sbr.rel @!p0 .LBB2_6-.Ltmp1, $4  }
0x1c: {  	[hbm:s24], [sflag:s10] =	dma.local [spmem:s18], $0x2800  }
0x1d: {  	_ =	swait.ge [sflag:s19], $0x2800  }
0x1e: {  	[sflag:s19] =	ssyncset.done $0x0  }
0x1f: {  	[sflag:s19] =	ssyncadd.s32 $0xFFFFD800  }
.LBB2_1:
0x20: {  	s7 =	rddreg [dreg:$0x4]  }
0x21: {  	[spmem:s18], [sflag:s10] =	dma.local [hbm:s7], $0x2800  }
0x22: {  	_ =	swait.ge [sflag:s19], $0x2800  }
0x23: {  	[sflag:s19] =	ssyncset.done $0x0  }
0x24: {  	[sflag:s19] =	ssyncadd.s32 $0xFFFFD800  }
0x25: {  	[bflag:$0x0] =	sbarrier.arrive $0xFFFF  }
0x26: {  	s11 =	rddreg [dreg:$0x5]  }
0x27: {  	[tilespmem:s20], [sflag:$0x1] =	stream.linear.gather [hbm4b:s11+s3], $0x50, $0x38;
	[tilespmem:$0x1E400] =	vst v63  }
0x28: {  	s12 =	rddreg [dreg:$0x6];
	s11 =	simm.s32 $0x14200  }
0x29: {  	[tilespmem:s11], [sflag:$0x1] =	stream.linear.gather [hbm4b:s12+s3], $0x50, $0x38;
	[tilespmem:$0x1E400] =	vst v63  }
0x2a: {  	_ =	swait.ge [sflag:s22], $0x50  }
0x2b: {  	[sflag:s22] =	ssyncset.done $0x0  }
0x2c: {  	[sflag:s22] =	ssyncadd.s32 $0xFFFFFFB0  }
0x2d: {  	_ =	swait.ge [sflag:s22], $0x50  }
0x2e: {  	[sflag:s22] =	ssyncset.done $0x0  }
0x2f: {  	s14 =	simm.s32 $0x14400;
	[sflag:s22] =	ssyncadd.s32 $0xFFFFFFB0  }
0x30: {  	[tilespmem:s14], [sflag:$0x4] =	stream.indirect.gather [hbm4b:s13+s23], $0x80, s20, s23, $0xb8;
	[tilespmem:$0x1E400] =	vst v63  }
0x31: {  	s29 =	simm.s32 $0x19400;
	s25 =	rddreg [dreg:$0x7]  }
0x32: {  	[tilespmem:s29], [sflag:$0x6] =	stream.strided.gather [hbm4b:s25+s26], $0x2800, s28, s26, $0x38;
	[tilespmem:$0x1E400] =	vst v63  }
.Ltmp2:
0x33: {  	_ = 	snop;
	(pc) =	sbr.rel .LBB2_2-.Ltmp2, $4  }
0x34: {  	s30 =	simm.s32 $0x14080  }
0x35: {  	[tilespmem:s30], [sflag:$0x2] =	stream.linear.gather [hbm4b:s15+s3], $0x50, $0x38;
	[tilespmem:$0x1E400] =	vst v63  }
0x36: {  	s31 =	simm.s32 $0x14280;
	s25 =	simm.s32 $0x0  }
0x37: {  	[tilespmem:s31], [sflag:$0x2] =	stream.linear.gather [hbm4b:s16+s3], $0x50, $0x38;
	[tilespmem:$0x1E400] =	vst v63  }
.LBB2_4:
0x38: {  	s7 =	smul.u32 $0xAB, s25;
	_ =	sdelay $0x1  }
0x39: {  	s7 =	sshrl.u32 s7, $0x9  }
0x3a: {  	s7 =	smul.u32 $0x3, s7  }
0x3b: {  	s11 =	sand.u32 $0x1, s25  }
0x3c: {  	p0 =	slt.u32 s29, $0x7D;
	s12 =	sor.u32 $0x4, s11;
	s7 =	ssub.s32 s25, s7  }
0x3d: {  	s14 =	smul.u32 $0x2800, s11;
	_ =	swait.ge [sflag:s12], $0x2800;
	s7 =	sand.u32 $0x7B, s7  }
0x3e: {  	s30 =	sor.u32 $0x8, s11;
	[sflag:s12] =	ssyncset.done $0x0;
	s7 =	sshll.u32 s7, $0x7  }
0x3f: {  	[sflag:s12] =	ssyncadd.s32 $0xFFFFD800;
	s25 =	sor.u32 $0x14400, s14;
	s7 =	sor.u32 $0x14200, s7  }
0x40: {  	[spmem:s2] =	stream.indirect.scatter.add.f32 [tilespmem:s25], [sflag:s30], $0x80, s7, s23, $0xb8;
	[tilespmem:$0x1E400] =	vst v63  }
.Ltmp3:
0x41: {  	s31 =	sor.u32 $0x6, s11;
	(pc) =	sbr.rel @!p0 .LBB2_5-.Ltmp3, $4  }
0x42: {  	_ =	swait.ge [sflag:s31], $0x2800  }
0x43: {  	s11 =	sor.u32 $0xA, s11;
	[sflag:s31] =	ssyncset.done $0x0  }
0x44: {  	s14 =	sadd.s32 $0x19400, s14;
	s25 =	smov.u32 s29;
	[sflag:s31] =	ssyncadd.s32 $0xFFFFD800  }
0x45: {  	[spmem:s2] =	stream.indirect.scatter.add.f32 [tilespmem:s14], [sflag:s11], $0x80, s7, s23, $0xb8;
	[tilespmem:$0x1E400] =	vst v63  }
.LBB2_2:
0x46: {  	p0 =	seq.s32 s25, $0x0  }
0x47: {  	s29 =	sxor.u32 @!p0 $0xFFFFFFFF, s25  }
0x48: {  	s29 =	sand.u32 @!p0 $0x1, s29  }
0x49: {  	p1 =	seq.s32 @!p0 s25, $0x7C;
	s30 =	sor.u32 @!p0 $0x8, s29  }
0x4a: {  	p1 =	por p0, !p1;
	_ =	swait.ge @!p0 [sflag:s30], $0x2800  }
.Ltmp4:
0x4b: {  	[sflag:s30] =	ssyncset.done @!p0 $0x0;
	(pc) =	sbr.rel @!p1 .LBB2_4-.Ltmp4, $4  }
0x4c: {  	s29 =	sor.u32 @!p0 $0xA, s29;
	[sflag:s30] =	ssyncadd.s32 @!p0 $0xFFFFD800  }
0x4d: {  	_ =	swait.ge @!p0 [sflag:s29], $0x2800  }
0x4e: {  	[sflag:s29] =	ssyncset.done @!p0 $0x0  }
0x4f: {  	[sflag:s29] =	ssyncadd.s32 @!p0 $0xFFFFD800;
	s29 =	simm.s32 @!p0 $0x7D  }
0x50: {  	s29 =	sadd.s32 @!p0 $0x1, s25  }
0x51: {  	s29 =	simm.s32 @p0 $0x1  }
0x52: {  	s30 =	smul.u32 $0xAB, s29;
	_ =	sdelay $0x1  }
0x53: {  	s30 =	sshrl.u32 s30, $0x9  }
0x54: {  	s30 =	sand.u32 $0x7F, s30  }
0x55: {  	s30 =	smul.u32 $0x3, s30;
	_ =	sdelay $0x1  }
0x56: {  	s30 =	ssub.s32 s29, s30  }
0x57: {  	s30 =	sand.u32 $0xFF, s30  }
0x58: {  	s31 =	sadd.s32 $0x1, s30  }
0x59: {  	_ =	swait.ge [sflag:s31], $0x50  }
0x5a: {  	[sflag:s31] =	ssyncset.done $0x0  }
0x5b: {  	s7 =	sand.u32 $0x1, s29;
	s14 =	smul.u32 $0x50, s29;
	[sflag:s31] =	ssyncadd.s32 $0xFFFFFFB0  }
0x5c: {  	s11 =	smul.u32 $0x2800, s7;
	_ =	swait.ge [sflag:s31], $0x50  }
0x5d: {  	s12 =	sor.u32 $0x4, s7;
	s30 =	sshll.u32 s30, $0x7;
	[sflag:s31] =	ssyncset.done $0x0  }
0x5e: {  	s30 =	sor.u32 $0x14000, s30;
	[sflag:s31] =	ssyncadd.s32 $0xFFFFFFB0;
	s31 =	sor.u32 $0x14400, s11  }
0x5f: {  	[tilespmem:s31], [sflag:s12] =	stream.indirect.gather [hbm4b:s13+s23], $0x80, s30, s23, $0xb8;
	[tilespmem:$0x1E400] =	vst v63  }
0x60: {  	s31 =	sadd.s32 s8, s14  }
0x61: {  	s12 =	sshll.u32 s31, $0x8  }
0x62: {  	p0 =	sgt.u32 s25, $0x7A;
	s12 =	sor.u32 s9, s12  }
0x63: {  	s7 =	sor.u32 $0x6, s7;
	s14 =	sadd.s32 @!p0 $0x2, s25;
	s12 =	sshrl.u32 s12, $0x3  }
0x64: {  	s11 =	sadd.s32 $0x19400, s11;
	s30 =	smul.u32 @!p0 $0xAB, s14;
	s12 =	sadd.s32 s1, s12  }
0x65: {  	[tilespmem:s11], [sflag:s7] =	stream.strided.gather [hbm4b:s12+s26], $0x2800, s28, s26, $0x38;
	[tilespmem:$0x1E400] =	vst v63  }
0x66: {  	s7 =	sshrl.u32 @!p0 s30, $0x9  }
0x67: {  	s11 =	smul.u32 @!p0 $0x50, s14;
	s7 =	sand.u32 @!p0 $0x7F, s7  }
0x68: {  	s7 =	smul.u32 @!p0 $0x3, s7;
	_ =	sdelay $0x1  }
0x69: {  	s11 =	sadd.s32 @!p0 s8, s11;
	s7 =	ssub.s32 @!p0 s14, s7  }
0x6a: {  	s11 =	sshrl.u32 @!p0 s11, $0x3;
	s7 =	sand.u32 @!p0 $0xFF, s7  }
.Ltmp5:
0x6b: {  	s12 =	sadd.s32 @!p0 $0x1, s7;
	s7 =	sshll.u32 @!p0 s7, $0x7;
	(pc) =	sbr.rel .LBB2_4-.Ltmp5, $4  }
0x6c: {  	s31 =	simm.s32 @!p0 $0x0;
	s30 =	sadd.s32 @!p0 s5, s11;
	s14 =	sor.u32 @!p0 $0x14000, s7  }
0x6d: {  	[tilespmem:s14], [sflag:s12] =	stream.linear.gather @!p0 [hbm4b:s30+s31], $0x50, $0x38;
	[tilespmem:$0x1E400] =	vst v63  }
0x6e: {  	s11 =	sadd.s32 @!p0 s6, s11;
	s7 =	sor.u32 @!p0 $0x14200, s7  }
0x6f: {  	[tilespmem:s7], [sflag:s12] =	stream.linear.gather @!p0 [hbm4b:s11+s31], $0x50, $0x38;
	[tilespmem:$0x1E400] =	vst v63  }
.LBB2_6:
0x70: {  	_ =	sfence.sel $0x180000  }
0x71: {  	[bflag:$0x0] =	sbarrier.arrive $0xFFFF  }
0x72: {  	_ =	strace $0x9000004A  }
0x73: {  	s0 =	stileid.u32;
	[bflag:$0x2] =	sbarrier.arrive $0xFFFF  }
0x74: {  	p0 =	sne.s32 s0, $0x0;
	s0 =	rddreg [dreg:$0x3]  }
0x75: {  	s0 =	sadd.s32 @!p0 $0x100000, s0  }
0x76: {  	[sflag:s0] =	ssyncadd.tile.s32 @!p0 $0x1;
	_ =	shalt  }
.Lfunc_end2:
_tile_overlayer_lowered:
.L_overlay_start_2:
0x77: {  	(tag) =	ssettag $0x2  }
0x78: {  	s0 =	rddreg [dreg:$0x0];
	s2 =	stileid.u32  }
0x79: {  	s1 =	rddreg [dreg:$0x1];
	p0 =	sne.s32 s2, $0x0  }
0x7a: {  	s3 =	rddreg [dreg:$0x2];
	[bflag:$0x3] =	sbarrier.arrive $0xFFFF;
	s2 =	simm.s32 @!p0 $0x1C0C  }
0x7b: {  	[timem:s3], [sflag:s2] =	dma.local @!p0 [hbm:s0], s1  }
0x7c: {  	s0 =	simm.s32 @!p0 $0xC  }
0x7d: {  	_ =	swait.ge @!p0 [sflag:s0], s1  }
0x7e: {  	s1 =	ssub.s32 @!p0 $0x0, s1;
	[sflag:s0] =	ssyncset.done @!p0 $0x0  }
0x7f: {  	[sflag:s0] =	ssyncadd.s32 @!p0 s1  }
0x80: {  	[bflag:$0x3] =	sbarrier.arrive $0xFFFF  }
0x81: {  	_ =	shalt  }

// kernel: kernel.9.cloned.1.call-start
scs
__scs_entry_jumppad:
0x0: {  	(pc) =	sbr.rel $0x88, $3  }
0x1: {  	(tag) =	ssettag $0x0;
	lr =	simm.s32 $0x1  }
0x2: {  	[smem:$0x3F90] =	sst lr;
	_ =	strace $0xD0000000  }
0x3: {  	_ = 	snop  }
0x4: {  	_ = 	snop  }
0x5: {  	_ = 	snop  }
0x6: {  	_ = 	snop  }
0x7: {  	_ = 	snop  }
__scs_overlays_trampoline_lowered:
0x8: {  	[smem:$0x3F9F] =	sst s0  }
0x9: {  	[smem:$0x3FA0] =	sst s1  }
0xa: {  	[smem:$0x3FA1] =	sst s2  }
0xb: {  	[smem:$0x3FA2] =	sst s3  }
0xc: {  	[smem:$0x3FA3] =	sst s4  }
0xd: {  	[smem:$0x3FA4] =	sst s5  }
0xe: {  	[smem:$0x3FA5] =	sst s6  }
0xf: {  	[smem:$0x3FA6] =	sst s7  }
0x10: {  	[smem:$0x3FA7] =	sst s8  }
0x11: {  	[smem:$0x3FA8] =	sst s9;
	s0 =	simm.s32 @!p0 $0x0  }
0x12: {  	s1 =	sld [smem:$0x3F8E];
	s0 =	simm.s32 @p0 $0x1  }
0x13: {  	[smem:$0x3FA9] =	sst s0;
	s0 =	simm.s32 @!p1 $0x0  }
0x14: {  	s2 =	sld [smem:$0x3F8D];
	s0 =	simm.s32 @p1 $0x1  }
0x15: {  	[smem:$0x3FAA] =	sst s0;
	s0 =	simm.s32 @!p2 $0x0  }
0x16: {  	s3 =	sld [smem:$0x3FDB];
	s0 =	simm.s32 @p2 $0x1  }
0x17: {  	s4 =	simm.s32 $0x1BF5;
	[smem:$0x3FAC] =	sst s0  }
0x18: {  	s0 =	sld [smem:$0x3F8F];
	_ =	swait.ge [sflag:s4], $0x0  }
0x19: {  	s7 =	sld [smem:$0x3F90]  }
0x1a: {  	s8 =	sadd.s32 $0xFFFFE003, lr  }
0x1b: {  	s9 =	sadd.s32 $0xFFFFFEF7, lr;
	s5 =	simm.s32 $0xFFFFFFFF;
	p2 =	slt.u32 s8, $0xFFFFF086  }
0x1c: {  	p1 =	slt.u32 s9, $0xF7A;
	s5 =	simm.s32 @!p2 $0x0  }
0x1d: {  	s5 =	simm.s32 @p1 $0x1;
	p0 =	seq.s32 s7, s2  }
0x1e: {  	s7 =	smul.u32 @!p0 $0xF7A, s2;
	p2 =	seq.s32 @!p0 s5, $0x0  }
0x1f: {  	s9 =	smul.u32 $0xF7A, s1;
	s8 =	simm.s32 @!p0 $0x1BF5;
	p2 =	por !p2, p0  }
0x20: {  	[sflag:s8] =	ssyncset.s32 @!p0 $0xFFFFF086;
	s6 =	sadd.s32 @!p0 s3, s7;
	s7 =	simm.s32 @!p0 $0x108  }
0x21: {  	s3 =	sadd.s32 s3, s9;
	s6 =	sadd.s32 @!p0 $0x88, s6;
	s7 =	simm.s32 @p2 $0x1082  }
0x22: {  	[simem:s7], [sflag:s8] =	dma.local @!p0 [hbm:s6], $0xF7A  }
0x23: {  	s9 =	sor.u32 $0xD0000000, s2;
	s6 =	simm.s32 $0x108;
	_ =	swait.ge @!p0 [sflag:s8], $0x0  }
0x24: {  	s3 =	sadd.s32 $0x88, s3;
	s6 =	simm.s32 @!p1 $0x1082;
	[sflag:s4] =	ssyncset.s32 $0xFFFFF086  }
0x25: {  	[simem:s6], [sflag:s4] =	dma.local [hbm:s3], $0xF7A  }
0x26: {  	[smem:$0x3F90] =	sst s1;
	(tag) =	ssettag s2;
	_ =	strace s9  }
0x27: {  	s1 =	sld [smem:$0x3FA0]  }
0x28: {  	s2 =	sld [smem:$0x3FA1]  }
0x29: {  	s4 =	sld [smem:$0x3FA3]  }
0x2a: {  	p0 =	seq.s32 s5, $0x0;
	s5 =	sld [smem:$0x3FA4]  }
0x2b: {  	s6 =	sld [smem:$0x3FA5]  }
0x2c: {  	s7 =	sld [smem:$0x3FA6]  }
0x2d: {  	s3 =	simm.s32 $0x108;
	s8 =	sld [smem:$0x3FA7]  }
0x2e: {  	s3 =	simm.s32 @!p0 $0x1082;
	s9 =	sld [smem:$0x3FA8]  }
0x2f: {  	lr =	sadd.s32 s0, s3;
	s0 =	sld [smem:$0x3F9F]  }
0x30: {  	s3 =	sld [smem:$0x3FA2]  }
0x31: {  	[smem:$0x3FAB] =	sst s10  }
0x32: {  	s10 =	sld [smem:$0x3FA9];
	_ =	sdelay $0x3  }
0x33: {  	p0 =	seq.s32 s10, $0x1;
	s10 =	sld [smem:$0x3FAB];
	_ =	sdelay $0x3  }
0x34: {  	[smem:$0x3FAB] =	sst s10  }
0x35: {  	s10 =	sld [smem:$0x3FAA];
	_ =	sdelay $0x3  }
0x36: {  	p1 =	seq.s32 s10, $0x1;
	s10 =	sld [smem:$0x3FAB];
	_ =	sdelay $0x3  }
0x37: {  	[smem:$0x3FAB] =	sst s10  }
0x38: {  	s10 =	sld [smem:$0x3FAC]  }
0x39: {  	_ = 	snop;
	(pc) =	sbr.ind lr, $3  }
0x3a: {  	_ = 	snop  }
0x3b: {  	_ = 	snop  }
0x3c: {  	p2 =	seq.s32 s10, $0x1;
	s10 =	sld [smem:$0x3FAB]  }
0x3d: {  	_ =	shalt  }
0x3e: {  	_ =	shalt  }
0x3f: {  	_ =	shalt  }
0x40: {  	_ =	shalt  }
0x41: {  	_ =	shalt  }
0x42: {  	_ =	shalt  }
0x43: {  	_ =	shalt  }
0x44: {  	_ =	shalt  }
0x45: {  	_ =	shalt  }
0x46: {  	_ =	shalt  }
0x47: {  	_ =	shalt  }
0x48: {  	_ =	shalt  }
0x49: {  	_ =	shalt  }
0x4a: {  	_ =	shalt  }
0x4b: {  	_ =	shalt  }
0x4c: {  	_ =	shalt  }
0x4d: {  	_ =	shalt  }
0x4e: {  	_ =	shalt  }
0x4f: {  	_ =	shalt  }
0x50: {  	_ =	shalt  }
0x51: {  	_ =	shalt  }
0x52: {  	_ =	shalt  }
0x53: {  	_ =	shalt  }
0x54: {  	_ =	shalt  }
0x55: {  	_ =	shalt  }
0x56: {  	_ =	shalt  }
0x57: {  	_ =	shalt  }
0x58: {  	_ =	shalt  }
0x59: {  	_ =	shalt  }
0x5a: {  	_ =	shalt  }
0x5b: {  	_ =	shalt  }
0x5c: {  	_ =	shalt  }
0x5d: {  	_ =	shalt  }
0x5e: {  	_ =	shalt  }
0x5f: {  	_ =	shalt  }
0x60: {  	_ =	shalt  }
0x61: {  	_ =	shalt  }
0x62: {  	_ =	shalt  }
0x63: {  	_ =	shalt  }
0x64: {  	_ =	shalt  }
0x65: {  	_ =	shalt  }
0x66: {  	_ =	shalt  }
0x67: {  	_ =	shalt  }
0x68: {  	_ =	shalt  }
0x69: {  	_ =	shalt  }
0x6a: {  	_ =	shalt  }
0x6b: {  	_ =	shalt  }
0x6c: {  	_ =	shalt  }
0x6d: {  	_ =	shalt  }
0x6e: {  	_ =	shalt  }
0x6f: {  	_ =	shalt  }
0x70: {  	_ =	shalt  }
0x71: {  	_ =	shalt  }
0x72: {  	_ =	shalt  }
0x73: {  	_ =	shalt  }
0x74: {  	_ =	shalt  }
0x75: {  	_ =	shalt  }
0x76: {  	_ =	shalt  }
0x77: {  	_ =	shalt  }
0x78: {  	_ =	shalt  }
0x79: {  	_ =	shalt  }
0x7a: {  	_ =	shalt  }
0x7b: {  	_ =	shalt  }
0x7c: {  	_ =	shalt  }
0x7d: {  	_ =	shalt  }
0x7e: {  	_ =	shalt  }
0x7f: {  	_ =	shalt  }
0x80: {  	_ =	shalt  }
0x81: {  	_ =	shalt  }
0x82: {  	_ =	shalt  }
0x83: {  	_ =	shalt  }
0x84: {  	_ =	shalt  }
0x85: {  	_ =	shalt  }
0x86: {  	_ =	shalt  }
0x87: {  	_ =	shalt  }
.Lfunc_end0:
.L_simem_size_0:
called_computation.1_lowered:
.L_overlay_start_0:
0x88: {  	s2 =	sld [smem:$0x3FD9]  }
0x89: {  	s3 =	sld [smem:$0x3FFE];
	_ =	sdelay $0x1  }
0x8a: {  	s1 =	srdreg.scid  }
0x8b: {  	s0 =	sand.u32 $0x1, s1  }
0x8c: {  	s17 =	sshll.u32 s0, $0xA;
	s2 =	sadd.s32 s3, s2  }
0x8d: {  	s2 =	sadd.s32 s2, s17  }
0x8e: {  	[smem:$0x3FB7] =	sst s2  }
0x8f: {  	_ = 	snop  }
0x90: {  	s2 =	sld [smem:$0x3FC6]  }
0x91: {  	s18 =	sld [smem:$0x3FD0];
	(tm) =	ssettm $0x1  }
0x92: {  	s4 =	sld [smem:$0x3FFB];
	_ =	sdelay $0x3  }
0x93: {  	_ =	strace s4  }
0x94: {  	s4 =	sld [smem:$0x3FFC];
	_ =	sdelay $0x3  }
0x95: {  	_ =	strace s4  }
0x96: {  	s4 =	sld [smem:$0x3FFD];
	_ =	sdelay $0x3  }
0x97: {  	_ =	strace s4  }
0x98: {  	_ =	strace $0x8FFFFFFF  }
0x99: {  	s19 =	sld [smem:$0x3FDB];
	_ =	sdelay $0x1  }
0x9a: {  	s5 =	simm.s32 $_scs_section_size  }
0x9b: {  	s6 =	simm.s32 $_size__tile_overlayer_lowered;
	s7 =	simm.s32 $_tile_overlayer_lowered  }
0x9c: {  	s22 =	simm.s32 $0x1BFF;
	s21 =	sshll.u32 s7, $0x1;
	s4 =	sadd.s32 s5, s19  }
0x9d: {  	s8 =	simm.s32 $0x0;
	s20 =	sshll.u32 s6, $0x1;
	s6 =	sadd.s32 s21, s4  }
0x9e: {  	[timem:s8], [sflag:s22] =	dma.local [hbm:s6], s20  }
0x9f: {  	_ =	swait.ge [sflag:s22], s20  }
0xa0: {  	s5 =	ssub.s32 $0x0, s20;
	[sflag:s22] =	ssyncset.done $0x0  }
0xa1: {  	[sflag:s22] =	ssyncadd.s32 s5;
	_ =	sdelay $0x1  }
0xa2: {  	s23 =	simm.s32 $0x1B8B  }
0xa3: {  	_ =	swait.ge [sflag:s23], $0x1  }
0xa4: {  	[sflag:s23] =	ssyncset.done $0x0  }
0xa5: {  	s25 =	simm.s32 $0x1B8E;
	s24 =	sld [smem:$0x3FFE];
	[sflag:s23] =	ssyncadd.s32 $0xFFFFFFFF  }
0xa6: {  	s26 =	simm.s32 $execute0_lowered;
	[smem:$0x3FD2] =	sst s25  }
0xa7: {  	s6 =	sshll.u32 s26, $0x1;
	_ =	strace $0x80000046;
	[dreg:$0x1] =	wrdreg $0xFFFFFFFF  }
0xa8: {  	s28 =	simm.s32 $_size_execute0_lowered;
	s4 =	sadd.s32 s4, s6;
	[dreg:$0x0] =	wrdreg $0x0  }
0xa9: {  	s6 =	sshll.u32 s28, $0x1;
	[dreg:$0x2] =	wrdreg s4  }
0xaa: {  	[dreg:$0x3] =	wrdreg s6  }
0xab: {  	[dreg:$0x4] =	wrdreg $0xC0  }
0xac: {  	_ =	task [dreg:s8], $0x5FFFF  }
0xad: {  	[dreg:$0x1] =	wrdreg $0xFFFFFFFF  }
0xae: {  	[dreg:$0x0] =	wrdreg $0x60  }
0xaf: {  	[dreg:$0x2] =	wrdreg s24  }
0xb0: {  	[dreg:$0x3] =	wrdreg s18  }
0xb1: {  	[dreg:$0x4] =	wrdreg s2  }
0xb2: {  	[dreg:$0x5] =	wrdreg $0x0  }
0xb3: {  	[dreg:$0x6] =	wrdreg $0x140000  }
0xb4: {  	[dreg:$0x7] =	wrdreg $0xA  }
0xb5: {  	_ =	task.clear_ibuf [dreg:s8], $0x8FFFF;
	_ =	strace $0x90000046  }
0xb6: {  	s29 =	simm.s32 $0xA;
	_ =	strace $0x80000048  }
0xb7: {  	_ =	swait.ge [sflag:s29], $0x1  }
0xb8: {  	[sflag:s29] =	ssyncadd.s32 $0xFFFFFFFF  }
0xb9: {  	_ =	strace $0x90000048  }
0xba: {  	_ =	sfence  }
0xbb: {  	s30 =	sld [smem:$0x0];
	_ =	sdelay $0x2  }
0xbc: {  	s31 =	sshll.u32 s1, $0xD;
	s1 =	sshrl.u32 s1, $0x2  }
0xbd: {  	s3 =	sand.u32 $0x4000, s31;
	s1 =	sadd.s32 s1, s30  }
0xbe: {  	s0 =	sor.u32 s3, s0;
	s1 =	sshll.u32 s1, $0x11  }
0xbf: {  	s0 =	sor.u32 s1, s0  }
0xc0: {  	s0 =	sadd.s32 $0x8F2B, s0  }
0xc1: {  	[sflag:s0] =	ssyncadd.remote.s32 $0x1  }
0xc2: {  	_ =	sfence.sel $0xFFFF  }
0xc3: {  	[dreg:$0x0] =	wrdreg $0xFFFFFFFF;
	(pc) =	sbr.abs _section_cstart, $3  }
0xc4: {  	[dreg:$0x1] =	wrdreg $0xFFFFFFFF  }
0xc5: {  	_ =	task.clear_ibuf [dreg:s8], $0x2FFFF;
	_ =	strace $0x9FFFFFFF  }
0xc6: {  	(tm) =	ssettm $0x7FFFFFFF  }
0xc7: {  	_ =	shalt  }
tec
execute0_lowered:
.L_overlay_start_1:
0x0: {  	(tag) =	ssettag $0x1  }
0x1: {  	s0 =	rddreg [dreg:$0x0]  }
0x2: {  	s1 =	rddreg [dreg:$0x1]  }
0x3: {  	s2 =	rddreg [dreg:$0x2]  }
0x4: {  	s3 =	rddreg [dreg:$0x3]  }
0x5: {  	s4 =	rddreg [dreg:$0x4];
	s5 =	simm.s32 $0x0;
	s6 =	srdreg.scid  }
0x6: {  	s21 =	stileid.u32;
	s28 =	simm.s32 $0x16A80;
	s31 =	simm.s32 $0x16E80  }
0x7: {  	[smem:$0x7FF] =	sst s5;
	s7 =	sand.u32 $0x1, s6;
	s11 =	smul.u32 $0x50000, s21  }
0x8: {  	s6 =	sadd.s32 $0x1200, s0;
	s19 =	sadd.s32 $0x143800, s0;
	s12 =	smul.u32 $0x4E00, s21  }
0x9: {  	s20 =	sadd.s32 $0x146000, s0;
	p0 =	sgt.u32 s21, $0x3;
	s15 =	smul.u32 $0xA00, s21  }
0xa: {  	s13 =	smin.u32 s21, $0x4;
	s24 =	sshll.u32 s21, $0x6;
	s30 =	smul.u32 $0x2800, s21  }
0xb: {  	_ =	strace $0x80000047;
	s8 =	smul.u32 $0x28000, s7;
	[dreg:$0x6] =	wrdreg s19  }
0xc: {  	s9 =	ssub.s32 $0x2, s7;
	[dreg:$0x7] =	wrdreg s20;
	s13 =	sshll.u32 s13, $0x7  }
0xd: {  	s7 =	smul.u32 $0x27100, s7;
	s10 =	sshrl.u32 s9, $0x1;
	s14 =	sshrl.u32 s11, $0x2  }
0xe: {  	s11 =	sadd.s32 s12, s13;
	s13 =	sor.u32 $0x1C09, s24;
	s25 =	sshrl.u32 s15, $0x2  }
0xf: {  	s8 =	sadd.s32 s8, s0;
	s9 =	ssub.s32 s9, s10;
	s10 =	simm.s32 $0x9C  }
0x10: {  	s23 =	sadd.s32 s14, s3;
	s26 =	sshrl.u32 s11, $0x3;
	s12 =	sadd.s32 s25, s4  }
0x11: {  	s0 =	sadd.s32 $0x59200, s0;
	s20 =	sadd.s32 $0x100, s11;
	[dreg:$0x9] =	wrdreg s13  }
0x12: {  	s10 =	simm.s32 @!p0 $0x9D;
	[dreg:$0x8] =	wrdreg s23;
	s22 =	sadd.s32 s6, s26  }
0x13: {  	s29 =	sadd.s32 $0x10, s26;
	s24 =	sadd.s32 s2, s26;
	s17 =	sadd.s32 s1, s26  }
0x14: {  	s8 =	sadd.s32 $0x146200, s8;
	s23 =	smax.u32 s9, $0x1;
	[dreg:$0xb] =	wrdreg s17  }
0x15: {  	s19 =	sadd.s32 s7, s0;
	s16 =	sadd.s32 s2, s29;
	[dreg:$0xf] =	wrdreg s23  }
0x16: {  	s0 =	simm.s32 $0x1;
	s18 =	sadd.s32 s30, s8;
	[dreg:$0xa] =	wrdreg s16  }
0x17: {  	s7 =	sshrl.u32 s20, $0x3;
	s21 =	sadd.s32 s1, s29;
	[dreg:$0xc] =	wrdreg s18  }
0x18: {  	s9 =	simm.s32 $0x9;
	s26 =	sadd.s32 s7, s2;
	[dreg:$0xd] =	wrdreg s21  }
0x19: {  	s25 =	sadd.s32 s6, s29;
	s29 =	sadd.s32 s7, s6;
	[dreg:$0x10] =	wrdreg s26  }
0x1a: {  	s0 =	simm.s32 @!p0 $0x0;
	s30 =	sshrl.u32 s12, $0x3;
	[dreg:$0x11] =	wrdreg s29  }
0x1b: {  	s8 =	simm.s32 $0x80;
	s0 =	sadd.s32 $0x7, s0;
	[dreg:$0x12] =	wrdreg s30  }
0x1c: {  	s12 =	simm.s32 $0x14280;
	[dreg:$0xe] =	wrdreg s0;
	s0 =	simm.s32 $0x0  }
.LBB2_1:
0x1d: {  	s5 =	rddreg [dreg:$0x8]  }
0x1e: {  	s21 =	rddreg [dreg:$0x6];
	s7 =	sshrl.u32 s5, $0x3  }
0x1f: {  	[dreg:$0x13] =	wrdreg s7  }
0x20: {  	[spmem:s7], [sflag:s13] =	dma.local [hbm:s21], $0x2800  }
0x21: {  	_ =	swait.ge [sflag:s9], $0x2800  }
0x22: {  	[sflag:s9] =	ssyncset.done $0x0;
	s23 =	rddreg [dreg:$0x7]  }
0x23: {  	s26 =	rddreg [dreg:$0x12];
	[sflag:s9] =	ssyncadd.s32 $0xFFFFD800  }
0x24: {  	[spmem:s26], [sflag:s13] =	dma.local [hbm:s23], $0x50  }
0x25: {  	_ =	swait.ge [sflag:s9], $0x50  }
0x26: {  	[sflag:s9] =	ssyncset.done $0x0  }
0x27: {  	s14 =	simm.s32 $0x0;
	s18 =	smov.u32 s22;
	[sflag:s9] =	ssyncadd.s32 $0xFFFFFFB0  }
0x28: {  	s29 =	smov.u32 s25;
	s16 =	smulhi.u32 $0xAAAAAAAB, s14;
	[bflag:$0x0] =	sbarrier.arrive $0xFFFF  }
0x29: {  	[tilespmem:s28], [sflag:$0x1] =	stream.linear.gather [hbm4b:s22+s14], $0x80, $0x38;
	[tilespmem:$0x1F080] =	vst v63  }
0x2a: {  	s15 =	simm.s32 $0x16B00;
	s20 =	simm.s32 $0x16F00;
	s21 =	sshrl.u32 s16, $0x1  }
0x2b: {  	[tilespmem:s31], [sflag:$0x1] =	stream.linear.gather [hbm4b:s24+s14], $0x80, $0x38;
	[tilespmem:$0x1F080] =	vst v63  }
0x2c: {  	p0 =	sne.s32 s10, $0x1;
	p2 =	por $0x1, $0x1;
	s16 =	smul.u32 $0xFFFFFA00, s21  }
0x2d: {  	[tilespmem:s15], [sflag:$0x2] =	stream.linear.gather [hbm4b:s25+s14], $0x80, $0x38;
	[tilespmem:$0x1F080] =	vst v63  }
0x2e: {  	p1 =	sle.u32 s10, $0x2;
	s30 =	simm.s32 $0x4;
	s15 =	simm.s32 $0x2  }
0x2f: {  	s16 =	sshra.s32 s16, $0x2;
	s17 =	rddreg [dreg:$0xa];
	s15 =	smulhi.u32 $0xAAAAAAAB, s15  }
0x30: {  	[tilespmem:s20], [sflag:$0x2] =	stream.linear.gather [hbm4b:s17+s14], $0x80, $0x38;
	[tilespmem:$0x1F080] =	vst v63  }
0x31: {  	s7 =	simm.s32 $0x1;
	s16 =	sadd.s32 $0x0, s16;
	s14 =	smul.u32 $0xFFFFFFF4, s21  }
0x32: {  	s23 =	simm.s32 $0x200;
	s28 =	smov.u32 s24;
	s13 =	rddreg [dreg:$0x11]  }
0x33: {  	s9 =	sadd.s32 $0x10, s13;
	s15 =	sshrl.u32 s15, $0x1;
	s14 =	sshra.s32 s14, $0x2  }
0x34: {  	s24 =	simm.s32 @!p2 $0x6;
	s22 =	smul.u32 $0xFFFFFFF4, s15;
	s14 =	sadd.s32 $0x1, s14  }
0x35: {  	s20 =	simm.s32 $0x2;
	s15 =	smul.u32 $0xFFFFFA00, s15;
	_ =	swait.ge [sflag:s14], $0x80  }
0x36: {  	s17 =	sadd.s32 $0x16E80, s16;
	s16 =	sadd.s32 $0x16A80, s16;
	[sflag:s14] =	ssyncset.done $0x0  }
0x37: {  	s25 =	sshra.s32 s22, $0x2;
	s26 =	sshra.s32 s15, $0x2;
	[sflag:s14] =	ssyncadd.s32 $0xFFFFFF80  }
0x38: {  	s5 =	rddreg [dreg:$0x10];
	s15 =	sadd.s32 $0x16B80, s26;
	_ =	swait.ge [sflag:s14], $0x80  }
0x39: {  	s21 =	sadd.s32 $0x10, s5;
	s15 =	sadd.s32 @!p1 $0x0, s15;
	[sflag:s14] =	ssyncset.done $0x0  }
.Ltmp0:
0x3a: {  	[sflag:s14] =	ssyncadd.s32 $0xFFFFFF80;
	s14 =	sadd.s32 $0x16F80, s26;
	(pc) =	sbr.rel @!p0 .LBB2_3-.Ltmp0, $4  }
0x3b: {  	[spmem:s4] =	stream.indirect.scatter.add.f32 [tilespmem:s17], [sflag:$0x6], $0x1, s16, s8, $0xb8;
	[tilespmem:$0x1F080] =	vst v63  }
0x3c: {  	s26 =	simm.s32 $0x3;
	s16 =	sadd.s32 $0x3, s25;
	_ =	swait.ge @!p2 [sflag:s24], $0x80  }
0x3d: {  	s17 =	simm.s32 @!p1 $0x0;
	s14 =	sadd.s32 @!p1 $0x0, s14;
	[sflag:s24] =	ssyncset.done @!p2 $0x0  }
0x3e: {  	s25 =	smov.u32 s13;
	[sflag:s24] =	ssyncadd.s32 @!p2 $0xFFFFFF80;
	s24 =	smov.u32 s5  }
.LBB2_2:
0x3f: {  	[tilespmem:s15], [sflag:s16] =	stream.linear.gather @!p1 [hbm4b:s25+s17], $0x80, $0x38;
	[tilespmem:$0x1F080] =	vst v63  }
0x40: {  	s15 =	smulhi.u32 $0xAAAAAAAB, s7  }
0x41: {  	s5 =	smov.u32 s7;
	s7 =	sadd.s32 $0x1, s7;
	s25 =	smov.u32 s9  }
0x42: {  	[tilespmem:s14], [sflag:s16] =	stream.linear.gather @!p1 [hbm4b:s24+s17], $0x80, $0x38;
	[tilespmem:$0x1F080] =	vst v63  }
0x43: {  	s13 =	smulhi.u32 $0xAAAAAAAB, s26;
	p0 =	sne.s32 s7, s10;
	s14 =	sshrl.u32 s15, $0x1  }
0x44: {  	s16 =	smov.u32 s20;
	s24 =	smov.u32 s21;
	s15 =	smul.u32 $0xFFFFFFF4, s14  }
0x45: {  	s9 =	sadd.s32 $0x10, s9;
	s17 =	smov.u32 s23;
	s14 =	smul.u32 $0xFFFFFA00, s14  }
0x46: {  	s5 =	sadd.s32 $0x2, s5;
	s20 =	sadd.s32 $0x1, s20;
	s15 =	sshra.s32 s15, $0x2  }
0x47: {  	s14 =	sshra.s32 s14, $0x2;
	s15 =	sadd.s32 s15, s16;
	s16 =	sshra.s32 s23, $0x2  }
0x48: {  	s21 =	sadd.s32 $0x10, s21;
	s14 =	sadd.s32 s16, s14;
	_ =	swait.ge [sflag:s15], $0x80  }
0x49: {  	s23 =	sadd.s32 $0x200, s23;
	s16 =	sadd.s32 $0x16E80, s14;
	[sflag:s15] =	ssyncset.done $0x0  }
0x4a: {  	p1 =	sge.u32 s5, s10;
	[sflag:s15] =	ssyncadd.s32 $0xFFFFFF80  }
0x4b: {  	s5 =	sshrl.u32 s13, $0x1;
	p2 =	seq.s32 s17, $0x0;
	_ =	swait.ge [sflag:s15], $0x80  }
0x4c: {  	s22 =	smul.u32 $0xFFFFFFF4, s5;
	s13 =	simm.s32 @!p2 $0x6;
	[sflag:s15] =	ssyncset.done $0x0  }
0x4d: {  	s5 =	smul.u32 $0xFFFFFA00, s5;
	s14 =	sadd.s32 $0x16A80, s14;
	[sflag:s15] =	ssyncadd.s32 $0xFFFFFF80  }
0x4e: {  	[spmem:s4] =	stream.indirect.scatter.add.f32 [tilespmem:s16], [sflag:$0x6], $0x1, s14, s8, $0xb8;
	[tilespmem:$0x1F080] =	vst v63  }
.Ltmp1:
0x4f: {  	s14 =	sshra.s32 s22, $0x2;
	_ =	swait.ge @!p2 [sflag:s13], $0x80;
	(pc) =	sbr.rel @p0 .LBB2_2-.Ltmp1, $4  }
0x50: {  	s16 =	sadd.s32 s14, s30;
	s14 =	sshra.s32 @!p1 s17, $0x2;
	[sflag:s13] =	ssyncset.done @!p2 $0x0  }
0x51: {  	s5 =	sshra.s32 s5, $0x2;
	s17 =	simm.s32 @!p1 $0x0;
	[sflag:s13] =	ssyncadd.s32 @!p2 $0xFFFFFF80  }
0x52: {  	s26 =	sadd.s32 $0x1, s26;
	s13 =	sadd.s32 $0x16B80, s5;
	s5 =	sadd.s32 $0x16F80, s5  }
0x53: {  	s30 =	sadd.s32 $0x1, s30;
	s15 =	sadd.s32 @!p1 s14, s13;
	s14 =	sadd.s32 @!p1 s14, s5  }
.LBB2_3:
0x54: {  	[tilespmem:s15], [sflag:s16] =	stream.linear.gather @!p1 [hbm4b:s25+s17], $0x80, $0x38;
	[tilespmem:$0x1F080] =	vst v63  }
0x55: {  	s5 =	simm.s32 $0x6  }
0x56: {  	[tilespmem:s14], [sflag:s16] =	stream.linear.gather @!p1 [hbm4b:s24+s17], $0x80, $0x38;
	[tilespmem:$0x1F080] =	vst v63  }
0x57: {  	_ =	swait.ge [sflag:s5], $0x80  }
0x58: {  	[sflag:s5] =	ssyncset.done $0x0  }
0x59: {  	[sflag:s5] =	ssyncadd.s32 $0xFFFFFF80  }
0x5a: {  	s30 =	simm.s32 $0x9;
	[bflag:$0x0] =	sbarrier.arrive $0xFFFF  }
0x5b: {  	[tilespmem:s12], [sflag:$0x9] =	stream.linear.gather [spmem:s4], $0x2800, $0x38;
	[tilespmem:$0x1F080] =	vst v63  }
0x5c: {  	_ =	swait.ge [sflag:s30], $0x2800  }
0x5d: {  	[sflag:s30] =	ssyncset.done $0x0  }
0x5e: {  	s7 =	simm.s32 $0x0;
	s9 =	simm.s32 $0x40;
	[sflag:s30] =	ssyncadd.s32 $0xFFFFD800  }
.LBB2_4:
0x5f: {  	p0 =	sne.s32 s9, $0x9FC0;
	v0 =	vld [tilespmem:s7+$0x14280];
	_ =	sdelay $0x2  }
.Ltmp2:
0x60: {  	(pc) =	sbr.rel @p0 .LBB2_4-.Ltmp2, $4  }
0x61: {  	_ = 	snop  }
0x62: {  	vm0 =	veq.f32 v0, $0.0e+00  }
0x63: {  	v0 =	vsel vm0, $0x3F800000, v0  }
0x64: {  	[tilespmem:s7+$0x14280] =	vst v0;
	s7 =	sshra.s32 s9, $0x2;
	s9 =	sadd.s32 $0x40, s9  }
0x65: {  	v0 =	vld [tilespmem:s7+$0x14280];
	_ =	sdelay $0x4  }
0x66: {  	vm0 =	veq.f32 v0, $0.0e+00  }
0x67: {  	v0 =	vsel vm0, $0x3F800000, v0  }
0x68: {  	s9 =	simm.s32 $0x16A80;
	[tilespmem:s7+$0x14280] =	vst v0;
	s7 =	simm.s32 $0x0  }
0x69: {  	[tilespmem:s9], [sflag:$0x1] =	stream.linear.gather [hbm4b:s18+s7], $0x80, $0x38;
	[tilespmem:$0x1F080] =	vst v63  }
0x6a: {  	s5 =	rddreg [dreg:$0xb];
	s13 =	simm.s32 $0x16C80  }
0x6b: {  	[tilespmem:s13], [sflag:$0x1] =	stream.linear.gather [hbm4b:s5+s7], $0x80, $0x38;
	[tilespmem:$0x1F080] =	vst v63  }
0x6c: {  	s22 =	smov.u32 s18;
	s18 =	simm.s32 $0x1  }
0x6d: {  	[tilespmem:s31], [sflag:$0x1] =	stream.linear.gather [hbm4b:s28+s7], $0x80, $0x38;
	[tilespmem:$0x1F080] =	vst v63  }
0x6e: {  	_ =	swait.ge [sflag:s18], $0x80  }
0x6f: {  	[sflag:s18] =	ssyncset.done $0x0  }
0x70: {  	[sflag:s18] =	ssyncadd.s32 $0xFFFFFF80  }
0x71: {  	_ =	swait.ge [sflag:s18], $0x80  }
0x72: {  	[sflag:s18] =	ssyncset.done $0x0  }
0x73: {  	[sflag:s18] =	ssyncadd.s32 $0xFFFFFF80  }
0x74: {  	_ =	swait.ge [sflag:s18], $0x80  }
0x75: {  	[sflag:s18] =	ssyncset.done $0x0  }
0x76: {  	s24 =	smov.u32 s28;
	s20 =	simm.s32 $0x17080;
	[sflag:s18] =	ssyncadd.s32 $0xFFFFFF80  }
0x77: {  	[tilespmem:s20], [sflag:$0x4] =	stream.indirect.gather [hbm4b:s19+s8], $0x80, s9, s8, $0xb8;
	[tilespmem:$0x1F080] =	vst v63  }
0x78: {  	s25 =	smov.u32 s29;
	s21 =	simm.s32 $0x16B00;
	s26 =	simm.s32 $0x16D00  }
0x79: {  	[tilespmem:s21], [sflag:$0x2] =	stream.linear.gather [hbm4b:s29+s7], $0x80, $0x38;
	[tilespmem:$0x1F080] =	vst v63  }
0x7a: {  	s30 =	simm.s32 $0x16F00;
	p0 =	por $0x0, $0x0;
	s23 =	rddreg [dreg:$0xd]  }
0x7b: {  	[tilespmem:s26], [sflag:$0x2] =	stream.linear.gather [hbm4b:s23+s7], $0x80, $0x38;
	[tilespmem:$0x1F080] =	vst v63  }
0x7c: {  	s28 =	simm.s32 $0x16A80;
	s20 =	simm.s32 $0x0;
	s29 =	rddreg [dreg:$0xa]  }
0x7d: {  	[tilespmem:s30], [sflag:$0x2] =	stream.linear.gather [hbm4b:s29+s7], $0x80, $0x38;
	[tilespmem:$0x1F080] =	vst v63  }
.LBB2_6:
0x7e: {  	s9 =	smov.u32 s20;
	s20 =	sadd.s32 $0x1, s20  }
0x7f: {  	p1 =	sge.u32 s20, s10  }
0x80: {  	p2 =	seq.s32 s9, $0x0;
	s5 =	smulhi.u32 @!p1 $0xAAAAAAAB, s20  }
0x81: {  	s13 =	sxor.u32 @!p2 $0xFFFFFFFF, s9  }
0x82: {  	s13 =	sand.u32 @!p2 $0x1, s13;
	s5 =	sshrl.u32 @!p1 s5, $0x1  }
0x83: {  	s13 =	sadd.s32 @!p2 $0x7, s13;
	s5 =	smul.u32 @!p1 $0x3, s5  }
0x84: {  	_ =	swait.ge @!p2 [sflag:s13], $0x4000  }
0x85: {  	[sflag:s13] =	ssyncset.done @!p2 $0x0;
	s5 =	ssub.s32 @!p1 s20, s5  }
0x86: {  	[sflag:s13] =	ssyncadd.s32 @!p2 $0xFFFFC000;
	s13 =	sadd.s32 @!p1 $0x1, s5  }
0x87: {  	_ =	swait.ge @!p1 [sflag:s13], $0x80  }
0x88: {  	[sflag:s13] =	ssyncset.done @!p1 $0x0  }
0x89: {  	[sflag:s13] =	ssyncadd.s32 @!p1 $0xFFFFFF80  }
0x8a: {  	_ =	swait.ge @!p1 [sflag:s13], $0x80  }
0x8b: {  	s16 =	sadd.s32 $0x2, s9;
	s14 =	sand.u32 @!p1 $0x1, s20;
	[sflag:s13] =	ssyncset.done @!p1 $0x0  }
0x8c: {  	s15 =	sshll.u32 @!p1 s14, $0xE;
	s14 =	sor.u32 @!p1 $0x4, s14;
	[sflag:s13] =	ssyncadd.s32 @!p1 $0xFFFFFF80  }
0x8d: {  	p2 =	sge.u32 s16, s10;
	s5 =	sshll.u32 @!p1 s5, $0x7;
	_ =	swait.ge @!p1 [sflag:s13], $0x80  }
0x8e: {  	s17 =	smulhi.u32 @!p2 $0xAAAAAAAB, s16;
	s5 =	sadd.s32 @!p1 $0x16A80, s5;
	[sflag:s13] =	ssyncset.done @!p1 $0x0  }
0x8f: {  	[sflag:s13] =	ssyncadd.s32 @!p1 $0xFFFFFF80;
	s13 =	sadd.s32 @!p1 $0x17080, s15;
	s15 =	simm.s32 @!p1 $0x80  }
0x90: {  	[tilespmem:s13], [sflag:s14] =	stream.indirect.gather @!p1 [hbm4b:s19+s15], $0x80, s5, s15, $0xb8;
	[tilespmem:$0x1F080] =	vst v63  }
0x91: {  	s13 =	sshrl.u32 @!p2 s17, $0x1  }
0x92: {  	s13 =	smul.u32 @!p2 $0x3, s13  }
0x93: {  	s23 =	smulhi.u32 $0xAAAAAAAB, s9;
	s14 =	sshll.u32 @!p2 s16, $0x7  }
0x94: {  	s21 =	simm.s32 @!p2 $0x0;
	s14 =	sadd.s32 @!p2 s11, s14;
	s13 =	ssub.s32 @!p2 s16, s13  }
0x95: {  	s14 =	sshrl.u32 @!p2 s14, $0x3;
	s15 =	sadd.s32 @!p2 $0x1, s13;
	s13 =	sshll.u32 @!p2 s13, $0x7  }
0x96: {  	s5 =	sshrl.u32 s23, $0x1;
	s17 =	sadd.s32 @!p2 s6, s14;
	s16 =	sadd.s32 @!p2 $0x16A80, s13  }
0x97: {  	[tilespmem:s16], [sflag:s15] =	stream.linear.gather @!p2 [hbm4b:s17+s21], $0x80, $0x38;
	[tilespmem:$0x1F080] =	vst v63  }
0x98: {  	s5 =	smul.u32 $0x3, s5;
	s16 =	sadd.s32 @!p2 $0x16C80, s13;
	s17 =	sadd.s32 @!p2 s1, s14  }
0x99: {  	[tilespmem:s16], [sflag:s15] =	stream.linear.gather @!p2 [hbm4b:s17+s21], $0x80, $0x38;
	[tilespmem:$0x1F080] =	vst v63  }
0x9a: {  	s5 =	ssub.s32 s9, s5;
	s13 =	sadd.s32 @!p2 $0x16E80, s13;
	s14 =	sadd.s32 @!p2 s2, s14  }
0x9b: {  	[tilespmem:s13], [sflag:s15] =	stream.linear.gather @!p2 [hbm4b:s14+s21], $0x80, $0x38;
	[tilespmem:$0x1F080] =	vst v63  }
0x9c: {  	s21 =	sshll.u32 s5, $0x7  }
0x9d: {  	v0 =	vld [tilespmem:s21+$0x16A80]  }
0x9e: {  	v1 =	vld [tilespmem:s21+$0x16A90]  }
0x9f: {  	v2 =	vld [tilespmem:s21+$0x16AA0]  }
0xa0: {  	v3 =	vld [tilespmem:s21+$0x16AB0]  }
0xa1: {  	v4 =	vld [tilespmem:s21+$0x16AC0]  }
0xa2: {  	v5 =	vld [tilespmem:s21+$0x16AD0]  }
0xa3: {  	v6 =	vld [tilespmem:s21+$0x16AE0]  }
0xa4: {  	v7 =	vld [tilespmem:s21+$0x16AF0]  }
0xa5: {  	v0 =	vld.idx.msk [tilespmem:v0+s12+$0x0], $0xffff  }
0xa6: {  	v1 =	vld.idx.msk [tilespmem:v1+s12+$0x0], $0xffff  }
0xa7: {  	v2 =	vld.idx.msk [tilespmem:v2+s12+$0x0], $0xffff  }
0xa8: {  	v3 =	vld.idx.msk [tilespmem:v3+s12+$0x0], $0xffff  }
0xa9: {  	v4 =	vld.idx.msk [tilespmem:v4+s12+$0x0], $0xffff  }
0xaa: {  	(erf) = vrcp.f32 v0;
	v0 =	vld.idx.msk [tilespmem:v5+s12+$0x0], $0xffff  }
0xab: {  	(erf) = vrcp.f32 v1;
	v1 =	vld.idx.msk [tilespmem:v6+s12+$0x0], $0xffff  }
0xac: {  	(erf) = vrcp.f32 v2;
	v2 =	vld.idx.msk [tilespmem:v7+s12+$0x0], $0xffff  }
0xad: {  	(erf) = vrcp.f32 v3  }
0xae: {  	(erf) = vrcp.f32 v4  }
0xaf: {  	v3 =	vld [tilespmem:s21+$0x16E80];
	(erf) = vrcp.f32 v0  }
0xb0: {  	v0 =	vld [tilespmem:s21+$0x16E90];
	(erf) = vrcp.f32 v1  }
0xb1: {  	v1 =	vld [tilespmem:s21+$0x16EA0];
	(erf) = vrcp.f32 v2  }
0xb2: {  	v2 =	vld [tilespmem:s21+$0x16EB0]  }
0xb3: {  	v5 =	vld [tilespmem:s21+$0x16EC0];
	v4 =	vpop (erf)  }
0xb4: {  	v7 =	vld [tilespmem:s21+$0x16ED0];
	v6 =	vpop (erf);
	v3 =	vmul.f32 v4, v3  }
0xb5: {  	v9 =	vld [tilespmem:s21+$0x16EE0];
	v8 =	vpop (erf);
	v0 =	vmul.f32 v6, v0  }
0xb6: {  	v11 =	vld [tilespmem:s21+$0x16EF0];
	v10 =	vpop (erf);
	[tilespmem:s21+$0x16E80] =	vst v3;
	v1 =	vmul.f32 v8, v1  }
0xb7: {  	v12 =	vpop (erf);
	v2 =	vmul.f32 v10, v2;
	[tilespmem:s21+$0x16E90] =	vst v0  }
0xb8: {  	v4 =	vpop (erf);
	v3 =	vmul.f32 v12, v5;
	[tilespmem:s21+$0x16EA0] =	vst v1  }
0xb9: {  	v6 =	vpop (erf);
	v4 =	vmul.f32 v4, v7;
	[tilespmem:s21+$0x16EB0] =	vst v2  }
0xba: {  	v0 =	vpop (erf);
	v1 =	vmul.f32 v6, v9;
	[tilespmem:s21+$0x16EC0] =	vst v3  }
0xbb: {  	v5 =	vmul.f32 v0, v11;
	[tilespmem:s21+$0x16ED0] =	vst v4  }
0xbc: {  	s23 =	sand.u32 $0x1, s9;
	[tilespmem:s21+$0x16EE0] =	vst v1  }
0xbd: {  	s9 =	simm.s32 $0x1;
	s13 =	sor.u32 $0x4, s23;
	[tilespmem:s21+$0x16EF0] =	vst v5  }
0xbe: {  	s9 =	simm.s32 @!p0 $0x0;
	_ =	swait.ge [sflag:s13], $0x4000  }
0xbf: {  	s26 =	simm.s32 $0x1;
	s14 =	sshll.u32 s9, $0xE;
	v6 =	vmov s7;
	[sflag:s13] =	ssyncset.done $0x0  }
0xc0: {  	s29 =	simm.s32 $0x7;
	v0 =	vmov s21;
	v2 =	vand.u32 $0x78, v6;
	v6 =	vmov s26;
	s26 =	sadd.s32 $0x17280, s14;
	[sflag:s13] =	ssyncadd.s32 $0xFFFFC000  }
0xc1: {  	v2 =	vor.u32 v0, v2;
	v3 =	vand.u32 $0x79, v6;
	v6 =	vmov s29;
	v5 =	vld [tilespmem:s26+$0xFFFFFE10]  }
0xc2: {  	v2 =	vbroadcast v2, $0x0;
	v3 =	vor.u32 v0, v3;
	v4 =	vand.u32 $0x7F, v6;
	v6 =	vld [tilespmem:s26+$0xFFFFFE20]  }
0xc3: {  	v1 =	vbroadcast v3, $0x0;
	v3 =	vor.u32 v0, v4;
	v7 =	vld [tilespmem:s26+$0xFFFFFE30]  }
0xc4: {  	v3 =	vbroadcast v3, $0x0;
	v8 =	vld [tilespmem:s26+$0xFFFFFE40]  }
0xc5: {  	v9 =	vld [tilespmem:s26+$0xFFFFFE50]  }
0xc6: {  	v10 =	vld [tilespmem:s26+$0xFFFFFE60]  }
0xc7: {  	v12 =	vld [tilespmem:s26+$0x1F0]  }
0xc8: {  	v2 =	vld.idx.msk [tilespmem:v2+s31+$0x0], $0xffff  }
0xc9: {  	v4 =	vld.idx.msk [tilespmem:v1+s31+$0x0], $0xffff  }
0xca: {  	v1 =	vld.idx.msk [tilespmem:v3+s31+$0x0], $0xffff  }
0xcb: {  	v3 =	vld [tilespmem:s26+$0xFFFFFE00]  }
0xcc: {  	v13 =	vld [tilespmem:s26+$0xFFFFFE80]  }
0xcd: {  	v14 =	vld [tilespmem:s26+$0xFFFFFE90]  }
0xce: {  	v15 =	vld [tilespmem:s26+$0xFFFFFEA0];
	v5 =	vmul.f32 v5, v2  }
0xcf: {  	v16 =	vld [tilespmem:s26+$0xFFFFFEB0];
	v6 =	vmul.f32 v6, v2  }
0xd0: {  	s15 =	simm.s32 $0x2;
	v17 =	vld [tilespmem:s26+$0xFFFFFEC0];
	v3 =	vmul.f32 v3, v2;
	[tilespmem:s26+$0xFFFFFE10] =	vst v5  }
0xd1: {  	v11 =	vmov s15;
	v7 =	vmul.f32 v7, v2;
	v5 =	vld [tilespmem:s26+$0xFFFFFEE0];
	[tilespmem:s26+$0xFFFFFE20] =	vst v6  }
0xd2: {  	v12 =	vmul.f32 v12, v1;
	v6 =	vmul.f32 v8, v2;
	v8 =	vld [tilespmem:s26+$0xFFFFFEF0];
	[tilespmem:s26+$0xFFFFFE00] =	vst v3;
	v3 =	vand.u32 $0x7A, v11  }
0xd3: {  	[tilespmem:s26+$0xFFFFFE30] =	vst v7;
	v7 =	vmul.f32 v9, v2;
	v11 =	vld [tilespmem:s26+$0xFFFFFE70];
	v3 =	vor.u32 v0, v3  }
0xd4: {  	v9 =	vld [tilespmem:s26+$0xFFFFFF00];
	[tilespmem:s26+$0x1F0] =	vst v12;
	v12 =	vmul.f32 v13, v4;
	v3 =	vbroadcast v3, $0x0  }
0xd5: {  	s16 =	simm.s32 $0x3;
	v13 =	vld [tilespmem:s26+$0xFFFFFED0];
	[tilespmem:s26+$0xFFFFFE40] =	vst v6  }
0xd6: {  	v6 =	vmul.f32 v10, v2;
	v10 =	vld [tilespmem:s26+$0xFFFFFF10];
	[tilespmem:s26+$0xFFFFFE80] =	vst v12;
	v12 =	vmov s16  }
0xd7: {  	v17 =	vmul.f32 v17, v4;
	[tilespmem:s26+$0xFFFFFE50] =	vst v7;
	v7 =	vld [tilespmem:s26+$0xFFFFFF20];
	v12 =	vand.u32 $0x7B, v12  }
0xd8: {  	[tilespmem:s26+$0xFFFFFE60] =	vst v6;
	v6 =	vmul.f32 v14, v4;
	v14 =	vld [tilespmem:s26+$0xFFFFFF40];
	v12 =	vor.u32 v0, v12;
	v2 =	vmul.f32 v11, v2  }
0xd9: {  	[tilespmem:s26+$0xFFFFFEC0] =	vst v17;
	v5 =	vmul.f32 v5, v4;
	v12 =	vbroadcast v12, $0x0;
	v11 =	vld [tilespmem:s26+$0xFFFFFF30]  }
0xda: {  	v13 =	vmul.f32 v13, v4;
	[tilespmem:s26+$0xFFFFFE70] =	vst v2;
	v2 =	vmul.f32 v15, v4;
	v3 =	vld.idx.msk [tilespmem:v3+s31+$0x0], $0xffff  }
0xdb: {  	[tilespmem:s26+$0xFFFFFE90] =	vst v6;
	v15 =	vmul.f32 v16, v4;
	v4 =	vmul.f32 v8, v4;
	v8 =	vld [tilespmem:s26+$0xFFFFFF90]  }
0xdc: {  	[tilespmem:s26+$0xFFFFFED0] =	vst v13;
	v13 =	vld [tilespmem:s26+$0xFFFFFFD0]  }
0xdd: {  	[tilespmem:s26+$0xFFFFFEA0] =	vst v2;
	v2 =	vld [tilespmem:s26+$0xFFFFFF60]  }
0xde: {  	[tilespmem:s26+$0xFFFFFEB0] =	vst v15;
	v15 =	vld [tilespmem:s26+$0xFFFFFF70]  }
0xdf: {  	[tilespmem:s26+$0xFFFFFEE0] =	vst v5;
	v12 =	vld.idx.msk [tilespmem:v12+s31+$0x0], $0xffff;
	v6 =	vmul.f32 v9, v3  }
0xe0: {  	s17 =	simm.s32 $0x4;
	[tilespmem:s26+$0xFFFFFEF0] =	vst v4;
	v9 =	vld [tilespmem:s26+$0xFFFFFF50];
	v5 =	vmul.f32 v10, v3  }
0xe1: {  	v16 =	vmov s17;
	v10 =	vld [tilespmem:s26+$0xFFFFFFA0];
	v4 =	vmul.f32 v7, v3;
	[tilespmem:s26+$0xFFFFFF00] =	vst v6  }
0xe2: {  	v7 =	vld [tilespmem:s26+$0xFFFFFFB0];
	v14 =	vmul.f32 v14, v3;
	v6 =	vand.u32 $0x7C, v16;
	[tilespmem:s26+$0xFFFFFF10] =	vst v5  }
0xe3: {  	v2 =	vmul.f32 v2, v3;
	v16 =	vld [tilespmem:s26+$0xFFFFFF80];
	[tilespmem:s26+$0xFFFFFF20] =	vst v4;
	v6 =	vor.u32 v0, v6  }
0xe4: {  	v5 =	vmul.f32 v11, v3;
	v11 =	vld [tilespmem:s26+$0xFFFFFFC0];
	[tilespmem:s26+$0xFFFFFF40] =	vst v14;
	v6 =	vbroadcast v6, $0x0  }
0xe5: {  	v14 =	vld [tilespmem:s26+$0xFFFFFFF0];
	[tilespmem:s26+$0xFFFFFF60] =	vst v2;
	v2 =	vmul.f32 v8, v12  }
0xe6: {  	v8 =	vld [tilespmem:s26+$0x10];
	[tilespmem:s26+$0xFFFFFF30] =	vst v5;
	v9 =	vmul.f32 v9, v3  }
0xe7: {  	v5 =	vld [tilespmem:s26+$0xFFFFFFE0];
	v3 =	vmul.f32 v15, v3;
	[tilespmem:s26+$0xFFFFFF90] =	vst v2  }
0xe8: {  	s18 =	simm.s32 $0x5;
	v2 =	vmul.f32 v7, v12;
	v7 =	vld [tilespmem:s26+$0x30];
	v4 =	vmul.f32 v16, v12;
	[tilespmem:s26+$0xFFFFFF50] =	vst v9  }
0xe9: {  	v13 =	vmul.f32 v13, v12;
	v16 =	vmov s18;
	v9 =	vld [tilespmem:s26+$0x0];
	[tilespmem:s26+$0xFFFFFF70] =	vst v3  }
0xea: {  	v3 =	vmul.f32 v10, v12;
	[tilespmem:s26+$0xFFFFFF80] =	vst v4;
	v4 =	vand.u32 $0x7D, v16;
	v6 =	vld.idx.msk [tilespmem:v6+s31+$0x0], $0xffff  }
0xeb: {  	[tilespmem:s26+$0xFFFFFFD0] =	vst v13;
	v13 =	vld [tilespmem:s26+$0x70];
	v4 =	vor.u32 v0, v4  }
0xec: {  	v10 =	vld [tilespmem:s26+$0x20];
	[tilespmem:s26+$0xFFFFFFA0] =	vst v3;
	v3 =	vmul.f32 v11, v12;
	v4 =	vbroadcast v4, $0x0  }
0xed: {  	[tilespmem:s26+$0xFFFFFFB0] =	vst v2;
	v11 =	vld [tilespmem:s26+$0x40];
	v5 =	vmul.f32 v5, v12;
	v12 =	vmul.f32 v14, v12  }
0xee: {  	[tilespmem:s26+$0xFFFFFFC0] =	vst v3;
	v3 =	vld [tilespmem:s26+$0x60]  }
0xef: {  	[tilespmem:s26+$0xFFFFFFF0] =	vst v12;
	v12 =	vld [tilespmem:s26+$0x90];
	v2 =	vmul.f32 v9, v6  }
0xf0: {  	s29 =	simm.s32 $0x6;
	[tilespmem:s26+$0xFFFFFFE0] =	vst v5;
	v9 =	vld [tilespmem:s26+$0x50];
	v5 =	vmul.f32 v8, v6  }
0xf1: {  	v15 =	vmov s29;
	v8 =	vld [tilespmem:s26+$0x80];
	v10 =	vmul.f32 v10, v6;
	[tilespmem:s26+$0x0] =	vst v2  }
0xf2: {  	v4 =	vld.idx.msk [tilespmem:v4+s31+$0x0], $0xffff;
	v2 =	vand.u32 $0x7E, v15;
	[tilespmem:s26+$0x10] =	vst v5;
	v5 =	vmul.f32 v7, v6  }
0xf3: {  	v7 =	vld [tilespmem:s26+$0xA0];
	[tilespmem:s26+$0x20] =	vst v10;
	v10 =	vmul.f32 v11, v6;
	v2 =	vor.u32 v0, v2  }
0xf4: {  	v3 =	vmul.f32 v3, v6;
	v11 =	vld [tilespmem:s26+$0xB0];
	v2 =	vbroadcast v2, $0x0;
	[tilespmem:s26+$0x30] =	vst v5  }
0xf5: {  	[tilespmem:s26+$0x40] =	vst v10;
	v10 =	vld [tilespmem:s26+$0xD0];
	v5 =	vmul.f32 v9, v6  }
0xf6: {  	[tilespmem:s26+$0x60] =	vst v3;
	v9 =	vld [tilespmem:s26+$0xC0];
	v6 =	vmul.f32 v13, v6  }
0xf7: {  	v8 =	vmul.f32 v8, v4;
	[tilespmem:s26+$0x50] =	vst v5;
	v5 =	vld [tilespmem:s26+$0xE0]  }
0xf8: {  	v3 =	vmul.f32 v12, v4;
	[tilespmem:s26+$0x70] =	vst v6;
	v6 =	vmul.f32 v7, v4;
	v7 =	vld [tilespmem:s26+$0x100]  }
0xf9: {  	s17 =	simm.s32 $0xD;
	[tilespmem:s26+$0x80] =	vst v8;
	v8 =	vld [tilespmem:s26+$0xF0]  }
0xfa: {  	s14 =	simm.s32 $0xA;
	s16 =	simm.s32 $0xC;
	v17 =	vmov s17;
	[tilespmem:s26+$0x90] =	vst v3;
	v3 =	vmul.f32 v11, v4;
	v2 =	vld.idx.msk [tilespmem:v2+s31+$0x0], $0xffff  }
0xfb: {  	s15 =	simm.s32 $0xB;
	v14 =	vmov s14;
	v16 =	vmov s16;
	v11 =	vld [tilespmem:s26+$0x110];
	[tilespmem:s26+$0xA0] =	vst v6;
	v6 =	vmul.f32 v9, v4  }
0xfc: {  	v14 =	vand.u32 $0x7A, v14;
	v15 =	vmov s15;
	v9 =	vld [tilespmem:s26+$0x120];
	[tilespmem:s26+$0xB0] =	vst v3;
	v3 =	vmul.f32 v10, v4  }
0xfd: {  	s9 =	simm.s32 $0x8;
	v16 =	vand.u32 $0x7C, v16;
	v15 =	vand.u32 $0x7B, v15;
	v10 =	vld [tilespmem:s26+$0x130];
	[tilespmem:s26+$0xC0] =	vst v6;
	v5 =	vmul.f32 v5, v4  }
0xfe: {  	s13 =	simm.s32 $0x9;
	v15 =	vor.u32 v0, v15;
	v12 =	vmov s9;
	v6 =	vld [tilespmem:s26+$0x140];
	[tilespmem:s26+$0xD0] =	vst v3;
	v3 =	vmul.f32 v8, v4  }
0xff: {  	v13 =	vmov s13;
	v12 =	vand.u32 $0x78, v12;
	[tilespmem:s26+$0xE0] =	vst v5;
	v4 =	vmul.f32 v7, v2;
	v7 =	vld [tilespmem:s26+$0x150]  }
0x100: {  	v18 =	vld [tilespmem:s26+$0x160];
	s18 =	simm.s32 $0xE;
	v13 =	vand.u32 $0x79, v13;
	v12 =	vor.u32 v0, v12;
	v5 =	vmul.f32 v11, v2;
	[tilespmem:s26+$0xF0] =	vst v3  }
0x101: {  	v19 =	vld [tilespmem:s26+$0x170];
	v8 =	vmov s18;
	v11 =	vand.u32 $0x7D, v17;
	[tilespmem:s26+$0x100] =	vst v4;
	v4 =	vmul.f32 v9, v2  }
0x102: {  	v17 =	vand.u32 $0x7E, v8;
	v8 =	vor.u32 v0, v13;
	[tilespmem:s26+$0x110] =	vst v5;
	v9 =	vmul.f32 v10, v2;
	v5 =	vld [tilespmem:s26+$0x180]  }
0x103: {  	v13 =	vor.u32 v0, v16;
	v3 =	vbroadcast v12, $0x0;
	v12 =	vmul.f32 v6, v2;
	v6 =	vld [tilespmem:s26+$0x190];
	[tilespmem:s26+$0x120] =	vst v4  }
0x104: {  	v10 =	vor.u32 v0, v14;
	v4 =	vbroadcast v8, $0x0;
	[tilespmem:s26+$0x130] =	vst v9;
	v16 =	vmul.f32 v7, v2;
	v7 =	vld [tilespmem:s26+$0x1A0]  }
0x105: {  	s29 =	sshll.u32 s23, $0xE;
	v14 =	vor.u32 v0, v11;
	v9 =	vbroadcast v10, $0x0;
	[tilespmem:s26+$0x140] =	vst v12;
	v12 =	vmul.f32 v18, v2;
	v8 =	vld [tilespmem:s26+$0x1B0]  }
0x106: {  	s30 =	sadd.s32 $0x17080, s29;
	s14 =	simm.s32 $0xF;
	s9 =	simm.s32 $0x10;
	v11 =	vbroadcast v15, $0x0;
	v15 =	vor.u32 v0, v17;
	v10 =	vld [tilespmem:s26+$0x1C0];
	[tilespmem:s26+$0x150] =	vst v16;
	v16 =	vmul.f32 v19, v2  }
.LBB2_7:
0x107: {  	p1 =	slt.u32 s9, $0x78;
	v2 =	vbroadcast v13, $0x0;
	v13 =	vmov s14;
	[tilespmem:s26+$0x160] =	vst v12;
	v5 =	vmul.f32 v5, v1;
	v12 =	vld [tilespmem:s26+$0x1D0]  }
0x108: {  	v14 =	vbroadcast v14, $0x0;
	v13 =	vand.u32 $0x7F, v13;
	[tilespmem:s26+$0x170] =	vst v16;
	v6 =	vmul.f32 v6, v1;
	v16 =	vld [tilespmem:s26+$0x1E0]  }
0x109: {  	v15 =	vbroadcast v15, $0x0;
	v17 =	vld.idx.msk [tilespmem:v3+s31+$0x0], $0xffff;
	v3 =	vor.u32 v0, v13;
	[tilespmem:s26+$0x180] =	vst v5;
	v5 =	vmul.f32 v7, v1  }
0x10a: {  	v7 =	vld.idx.msk [tilespmem:v4+s31+$0x0], $0xffff;
	v13 =	vbroadcast v3, $0x0;
	[tilespmem:s26+$0x190] =	vst v6;
	v3 =	vmul.f32 v8, v1  }
0x10b: {  	v6 =	vld.idx.msk [tilespmem:v9+s31+$0x0], $0xffff;
	[tilespmem:s26+$0x1A0] =	vst v5;
	v8 =	vmul.f32 v10, v1  }
0x10c: {  	v5 =	vld.idx.msk [tilespmem:v11+s31+$0x0], $0xffff;
	[tilespmem:s26+$0x1B0] =	vst v3;
	v9 =	vmul.f32 v12, v1  }
0x10d: {  	v4 =	vld.idx.msk [tilespmem:v2+s31+$0x0], $0xffff;
	[tilespmem:s26+$0x1C0] =	vst v8;
	v1 =	vmul.f32 v16, v1  }
0x10e: {  	v3 =	vld.idx.msk [tilespmem:v14+s31+$0x0], $0xffff;
	[tilespmem:s26+$0x1D0] =	vst v9  }
0x10f: {  	v2 =	vld.idx.msk [tilespmem:v15+s31+$0x0], $0xffff;
	[tilespmem:s26+$0x1E0] =	vst v1  }
0x110: {  	s26 =	sadd.s32 $0x400, s26;
	v1 =	vld.idx.msk [tilespmem:v13+s31+$0x0], $0xffff  }
0x111: {  	v8 =	vld [tilespmem:s26+$0x1F0]  }
0x112: {  	v9 =	vld [tilespmem:s26+$0xFFFFFE00]  }
0x113: {  	v10 =	vld [tilespmem:s26+$0xFFFFFE10]  }
0x114: {  	v11 =	vld [tilespmem:s26+$0xFFFFFE20]  }
0x115: {  	v12 =	vld [tilespmem:s26+$0xFFFFFE30]  }
0x116: {  	v13 =	vld [tilespmem:s26+$0xFFFFFE40];
	v8 =	vmul.f32 v8, v1  }
0x117: {  	v9 =	vmul.f32 v9, v17;
	v14 =	vld [tilespmem:s26+$0xFFFFFE50]  }
0x118: {  	v10 =	vmul.f32 v10, v17;
	v15 =	vld [tilespmem:s26+$0xFFFFFE60];
	[tilespmem:s26+$0x1F0] =	vst v8  }
0x119: {  	[tilespmem:s26+$0xFFFFFE00] =	vst v9;
	v8 =	vmul.f32 v11, v17;
	v9 =	vld [tilespmem:s26+$0xFFFFFE70]  }
0x11a: {  	[tilespmem:s26+$0xFFFFFE10] =	vst v10;
	v10 =	vmul.f32 v12, v17;
	v11 =	vld [tilespmem:s26+$0xFFFFFE80]  }
0x11b: {  	[tilespmem:s26+$0xFFFFFE20] =	vst v8;
	v8 =	vmul.f32 v13, v17;
	v12 =	vld [tilespmem:s26+$0xFFFFFE90]  }
0x11c: {  	[tilespmem:s26+$0xFFFFFE30] =	vst v10;
	v10 =	vmul.f32 v14, v17;
	v13 =	vld [tilespmem:s26+$0xFFFFFEA0]  }
0x11d: {  	[tilespmem:s26+$0xFFFFFE40] =	vst v8;
	v8 =	vmul.f32 v15, v17;
	v14 =	vld [tilespmem:s26+$0xFFFFFEB0]  }
0x11e: {  	[tilespmem:s26+$0xFFFFFE50] =	vst v10;
	v9 =	vmul.f32 v9, v17;
	v10 =	vld [tilespmem:s26+$0xFFFFFEC0]  }
0x11f: {  	[tilespmem:s26+$0xFFFFFE60] =	vst v8;
	v8 =	vmul.f32 v11, v7;
	v11 =	vld [tilespmem:s26+$0xFFFFFED0]  }
0x120: {  	[tilespmem:s26+$0xFFFFFE70] =	vst v9;
	v9 =	vmul.f32 v12, v7;
	v12 =	vld [tilespmem:s26+$0xFFFFFEE0]  }
0x121: {  	[tilespmem:s26+$0xFFFFFE80] =	vst v8;
	v8 =	vmul.f32 v13, v7;
	v13 =	vld [tilespmem:s26+$0xFFFFFEF0]  }
0x122: {  	[tilespmem:s26+$0xFFFFFE90] =	vst v9;
	v9 =	vmul.f32 v14, v7;
	v14 =	vld [tilespmem:s26+$0xFFFFFF00]  }
0x123: {  	[tilespmem:s26+$0xFFFFFEA0] =	vst v8;
	v8 =	vmul.f32 v10, v7;
	v10 =	vld [tilespmem:s26+$0xFFFFFF10]  }
0x124: {  	[tilespmem:s26+$0xFFFFFEB0] =	vst v9;
	v9 =	vmul.f32 v11, v7;
	v11 =	vld [tilespmem:s26+$0xFFFFFF20]  }
0x125: {  	[tilespmem:s26+$0xFFFFFEC0] =	vst v8;
	v8 =	vmul.f32 v12, v7;
	v12 =	vld [tilespmem:s26+$0xFFFFFF30]  }
0x126: {  	[tilespmem:s26+$0xFFFFFED0] =	vst v9;
	v7 =	vmul.f32 v13, v7;
	v9 =	vld [tilespmem:s26+$0xFFFFFF40]  }
0x127: {  	[tilespmem:s26+$0xFFFFFEE0] =	vst v8;
	v8 =	vmul.f32 v14, v6;
	v13 =	vld [tilespmem:s26+$0xFFFFFF50]  }
0x128: {  	[tilespmem:s26+$0xFFFFFEF0] =	vst v7;
	v7 =	vmul.f32 v10, v6;
	v10 =	vld [tilespmem:s26+$0xFFFFFF60]  }
0x129: {  	[tilespmem:s26+$0xFFFFFF00] =	vst v8;
	v8 =	vmul.f32 v11, v6;
	v11 =	vld [tilespmem:s26+$0xFFFFFF70]  }
0x12a: {  	[tilespmem:s26+$0xFFFFFF10] =	vst v7;
	v7 =	vmul.f32 v12, v6;
	v12 =	vld [tilespmem:s26+$0xFFFFFF80]  }
0x12b: {  	[tilespmem:s26+$0xFFFFFF20] =	vst v8;
	v8 =	vmul.f32 v9, v6;
	v9 =	vld [tilespmem:s26+$0xFFFFFF90]  }
0x12c: {  	[tilespmem:s26+$0xFFFFFF30] =	vst v7;
	v7 =	vmul.f32 v13, v6;
	v13 =	vld [tilespmem:s26+$0xFFFFFFA0]  }
0x12d: {  	[tilespmem:s26+$0xFFFFFF40] =	vst v8;
	v8 =	vmul.f32 v10, v6;
	v10 =	vld [tilespmem:s26+$0xFFFFFFB0]  }
0x12e: {  	[tilespmem:s26+$0xFFFFFF50] =	vst v7;
	v6 =	vmul.f32 v11, v6;
	v7 =	vld [tilespmem:s26+$0xFFFFFFC0]  }
0x12f: {  	[tilespmem:s26+$0xFFFFFF60] =	vst v8;
	v8 =	vmul.f32 v12, v5;
	v11 =	vld [tilespmem:s26+$0xFFFFFFD0]  }
0x130: {  	[tilespmem:s26+$0xFFFFFF70] =	vst v6;
	v6 =	vmul.f32 v9, v5;
	v9 =	vld [tilespmem:s26+$0xFFFFFFE0]  }
0x131: {  	[tilespmem:s26+$0xFFFFFF80] =	vst v8;
	v8 =	vmul.f32 v13, v5;
	v12 =	vld [tilespmem:s26+$0xFFFFFFF0]  }
0x132: {  	[tilespmem:s26+$0xFFFFFF90] =	vst v6;
	v6 =	vmul.f32 v10, v5;
	v10 =	vld [tilespmem:s26+$0x0]  }
0x133: {  	[tilespmem:s26+$0xFFFFFFA0] =	vst v8;
	v7 =	vmul.f32 v7, v5;
	v8 =	vld [tilespmem:s26+$0x10]  }
0x134: {  	[tilespmem:s26+$0xFFFFFFB0] =	vst v6;
	v6 =	vmul.f32 v11, v5;
	v11 =	vld [tilespmem:s26+$0x20]  }
0x135: {  	[tilespmem:s26+$0xFFFFFFC0] =	vst v7;
	v7 =	vmul.f32 v9, v5;
	v9 =	vld [tilespmem:s26+$0x30]  }
0x136: {  	[tilespmem:s26+$0xFFFFFFD0] =	vst v6;
	v5 =	vmul.f32 v12, v5;
	v6 =	vld [tilespmem:s26+$0x40]  }
0x137: {  	[tilespmem:s26+$0xFFFFFFE0] =	vst v7;
	v7 =	vmul.f32 v10, v4;
	v10 =	vld [tilespmem:s26+$0x50]  }
0x138: {  	[tilespmem:s26+$0xFFFFFFF0] =	vst v5;
	v5 =	vmul.f32 v8, v4;
	v8 =	vld [tilespmem:s26+$0x60]  }
0x139: {  	[tilespmem:s26+$0x0] =	vst v7;
	v7 =	vmul.f32 v11, v4;
	v11 =	vld [tilespmem:s26+$0x70]  }
0x13a: {  	[tilespmem:s26+$0x10] =	vst v5;
	v5 =	vmul.f32 v9, v4;
	v9 =	vld [tilespmem:s26+$0x80]  }
0x13b: {  	[tilespmem:s26+$0x20] =	vst v7;
	v6 =	vmul.f32 v6, v4;
	v7 =	vld [tilespmem:s26+$0x90]  }
0x13c: {  	[tilespmem:s26+$0x30] =	vst v5;
	v5 =	vmul.f32 v10, v4;
	v10 =	vld [tilespmem:s26+$0xA0]  }
0x13d: {  	[tilespmem:s26+$0x40] =	vst v6;
	v6 =	vmul.f32 v8, v4;
	v8 =	vld [tilespmem:s26+$0xB0]  }
0x13e: {  	[tilespmem:s26+$0x50] =	vst v5;
	v4 =	vmul.f32 v11, v4;
	v5 =	vld [tilespmem:s26+$0xC0]  }
0x13f: {  	[tilespmem:s26+$0x60] =	vst v6;
	v6 =	vmul.f32 v9, v3;
	v9 =	vld [tilespmem:s26+$0xD0]  }
0x140: {  	[tilespmem:s26+$0x70] =	vst v4;
	v4 =	vmul.f32 v7, v3;
	v7 =	vld [tilespmem:s26+$0xE0]  }
0x141: {  	[tilespmem:s26+$0x80] =	vst v6;
	v6 =	vmul.f32 v10, v3;
	v10 =	vld [tilespmem:s26+$0xF0]  }
0x142: {  	s5 =	sadd.s32 $0x1, s9;
	v11 =	vmov s9;
	[tilespmem:s26+$0x90] =	vst v4;
	v4 =	vmul.f32 v8, v3;
	v8 =	vld [tilespmem:s26+$0x100]  }
0x143: {  	s13 =	sadd.s32 $0x3, s9;
	v12 =	vmov s5;
	s5 =	sadd.s32 $0x2, s9;
	v11 =	vand.u32 $0x78, v11;
	[tilespmem:s26+$0xA0] =	vst v6;
	v5 =	vmul.f32 v5, v3;
	v6 =	vld [tilespmem:s26+$0x110]  }
0x144: {  	v14 =	vmov s13;
	s13 =	sadd.s32 $0x5, s9;
	v13 =	vmov s5;
	s5 =	sadd.s32 $0x4, s9;
	[tilespmem:s26+$0xB0] =	vst v4;
	v4 =	vmul.f32 v9, v3;
	v9 =	vld [tilespmem:s26+$0x120]  }
0x145: {  	v16 =	vmov s13;
	v15 =	vmov s5;
	s5 =	sadd.s32 $0x6, s9;
	[tilespmem:s26+$0xC0] =	vst v5;
	v5 =	vmul.f32 v7, v3;
	v7 =	vld [tilespmem:s26+$0x130]  }
0x146: {  	v17 =	vmov s5;
	v11 =	vor.u32 v0, v11;
	[tilespmem:s26+$0xD0] =	vst v4;
	v3 =	vmul.f32 v10, v3;
	v4 =	vld [tilespmem:s26+$0x140]  }
0x147: {  	v10 =	vand.u32 $0x79, v12;
	v12 =	vand.u32 $0x7A, v13;
	[tilespmem:s26+$0xE0] =	vst v5;
	v5 =	vmul.f32 v8, v2;
	v8 =	vld [tilespmem:s26+$0x150]  }
0x148: {  	v13 =	vand.u32 $0x7B, v14;
	v14 =	vand.u32 $0x7C, v15;
	[tilespmem:s26+$0xF0] =	vst v3;
	v6 =	vmul.f32 v6, v2;
	v15 =	vld [tilespmem:s26+$0x160]  }
0x149: {  	v16 =	vand.u32 $0x7D, v16;
	v17 =	vand.u32 $0x7E, v17;
	[tilespmem:s26+$0x100] =	vst v5;
	v9 =	vmul.f32 v9, v2;
	v18 =	vld [tilespmem:s26+$0x170]  }
.Ltmp3:
0x14a: {  	v10 =	vor.u32 v0, v10;
	v3 =	vbroadcast v11, $0x0;
	[tilespmem:s26+$0x110] =	vst v6;
	v7 =	vmul.f32 v7, v2;
	v5 =	vld [tilespmem:s26+$0x180];
	(pc) =	sbr.rel @p1 .LBB2_7-.Ltmp3, $4  }
0x14b: {  	v19 =	vor.u32 v0, v13;
	v11 =	vor.u32 v0, v12;
	[tilespmem:s26+$0x120] =	vst v9;
	v12 =	vmul.f32 v4, v2;
	v6 =	vld [tilespmem:s26+$0x190]  }
0x14c: {  	v13 =	vor.u32 v0, v14;
	v4 =	vbroadcast v10, $0x0;
	[tilespmem:s26+$0x130] =	vst v7;
	v10 =	vmul.f32 v8, v2;
	v7 =	vld [tilespmem:s26+$0x1A0]  }
0x14d: {  	v14 =	vor.u32 v0, v16;
	v9 =	vbroadcast v11, $0x0;
	[tilespmem:s26+$0x140] =	vst v12;
	v12 =	vmul.f32 v15, v2;
	v8 =	vld [tilespmem:s26+$0x1B0]  }
0x14e: {  	s14 =	sadd.s32 $0x7, s9;
	s9 =	sadd.s32 $0x8, s9;
	v11 =	vbroadcast v19, $0x0;
	v15 =	vor.u32 v0, v17;
	[tilespmem:s26+$0x150] =	vst v10;
	v16 =	vmul.f32 v18, v2;
	v10 =	vld [tilespmem:s26+$0x1C0]  }
0x14f: {  	_ =	sdelay $0x1  }
0x150: {  	v17 =	vld [tilespmem:s26+$0x1D0]  }
0x151: {  	v18 =	vld [tilespmem:s26+$0x1E0]  }
0x152: {  	v36 =	vld.idx.msk [tilespmem:v3+s31+$0x0], $0xffff  }
0x153: {  	v19 =	vld.idx.msk [tilespmem:v4+s31+$0x0], $0xffff  }
0x154: {  	v9 =	vld.idx.msk [tilespmem:v9+s31+$0x0], $0xffff  }
0x155: {  	s9 =	sadd.s32 $0x400, s26;
	v11 =	vld.idx.msk [tilespmem:v11+s31+$0x0], $0xffff  }
0x156: {  	v38 =	vld [tilespmem:s9+$0x1F0]  }
0x157: {  	v40 =	vld [tilespmem:s9+$0xFFFFFE00]  }
0x158: {  	[tilespmem:s26+$0x160] =	vst v12;
	v5 =	vmul.f32 v5, v1;
	v42 =	vld [tilespmem:s9+$0xFFFFFE10]  }
0x159: {  	[tilespmem:s26+$0x170] =	vst v16;
	v6 =	vmul.f32 v6, v1;
	v44 =	vld [tilespmem:s9+$0xFFFFFE20]  }
0x15a: {  	v46 =	vld [tilespmem:s9+$0xFFFFFE30];
	[tilespmem:s26+$0x180] =	vst v5;
	v37 =	vmul.f32 v7, v1  }
0x15b: {  	v47 =	vld [tilespmem:s9+$0xFFFFFE40];
	[tilespmem:s26+$0x190] =	vst v6;
	v39 =	vmul.f32 v8, v1  }
0x15c: {  	v49 =	vld [tilespmem:s9+$0xFFFFFE50];
	[tilespmem:s26+$0x1A0] =	vst v37;
	v41 =	vmul.f32 v10, v1  }
0x15d: {  	v50 =	vld [tilespmem:s9+$0xFFFFFE60];
	[tilespmem:s26+$0x1B0] =	vst v39;
	v43 =	vmul.f32 v17, v1  }
0x15e: {  	v52 =	vld [tilespmem:s9+$0xFFFFFE70];
	v45 =	vmul.f32 v18, v1;
	[tilespmem:s26+$0x1C0] =	vst v41  }
0x15f: {  	v53 =	vld [tilespmem:s9+$0xFFFFFE80];
	v48 =	vmul.f32 v40, v36;
	[tilespmem:s26+$0x1D0] =	vst v43  }
0x160: {  	v55 =	vld [tilespmem:s9+$0xFFFFFE90];
	v10 =	vmul.f32 v42, v36;
	[tilespmem:s26+$0x1E0] =	vst v45  }
0x161: {  	v57 =	vld [tilespmem:s9+$0xFFFFFEA0];
	v51 =	vmul.f32 v44, v36;
	[tilespmem:s9+$0xFFFFFE00] =	vst v48  }
0x162: {  	v59 =	vld [tilespmem:s9+$0xFFFFFEB0];
	v5 =	vmul.f32 v46, v36;
	[tilespmem:s9+$0xFFFFFE10] =	vst v10  }
0x163: {  	v61 =	vld [tilespmem:s9+$0xFFFFFEC0];
	v54 =	vmul.f32 v47, v36;
	[tilespmem:s9+$0xFFFFFE20] =	vst v51  }
0x164: {  	v63 =	vld [tilespmem:s9+$0xFFFFFED0];
	v56 =	vmul.f32 v49, v36;
	[tilespmem:s9+$0xFFFFFE30] =	vst v5  }
0x165: {  	v20 =	vld [tilespmem:s9+$0xFFFFFEF0];
	v58 =	vmul.f32 v50, v36;
	[tilespmem:s9+$0xFFFFFE40] =	vst v54  }
0x166: {  	v22 =	vld [tilespmem:s9+$0xFFFFFF00];
	v60 =	vmul.f32 v52, v36;
	[tilespmem:s9+$0xFFFFFE50] =	vst v56  }
0x167: {  	v24 =	vld [tilespmem:s9+$0xFFFFFF10];
	v62 =	vmul.f32 v53, v19;
	[tilespmem:s9+$0xFFFFFE60] =	vst v58  }
0x168: {  	v26 =	vld [tilespmem:s9+$0xFFFFFF20];
	v16 =	vmul.f32 v55, v19;
	[tilespmem:s9+$0xFFFFFE70] =	vst v60  }
0x169: {  	v2 =	vbroadcast v13, $0x0;
	v28 =	vld [tilespmem:s9+$0xFFFFFF30];
	v18 =	vmul.f32 v57, v19;
	[tilespmem:s9+$0xFFFFFE80] =	vst v62  }
0x16a: {  	v14 =	vbroadcast v14, $0x0;
	v30 =	vld [tilespmem:s9+$0xFFFFFF40];
	v21 =	vmul.f32 v59, v19;
	[tilespmem:s9+$0xFFFFFE90] =	vst v16  }
0x16b: {  	v32 =	vld [tilespmem:s9+$0xFFFFFF50];
	v23 =	vmul.f32 v61, v19;
	[tilespmem:s9+$0xFFFFFEA0] =	vst v18  }
0x16c: {  	v34 =	vld [tilespmem:s9+$0xFFFFFF60];
	v25 =	vmul.f32 v63, v19;
	[tilespmem:s9+$0xFFFFFEB0] =	vst v21  }
0x16d: {  	v12 =	vld [tilespmem:s9+$0x50];
	v29 =	vmul.f32 v20, v19;
	[tilespmem:s9+$0xFFFFFEC0] =	vst v23  }
0x16e: {  	v17 =	vld [tilespmem:s9+$0xFFFFFEE0];
	v31 =	vmul.f32 v22, v9;
	[tilespmem:s9+$0xFFFFFED0] =	vst v25  }
0x16f: {  	v35 =	vmov s14;
	v4 =	vld.idx.msk [tilespmem:v2+s31+$0x0], $0xffff;
	v33 =	vmul.f32 v24, v9;
	[tilespmem:s9+$0xFFFFFEF0] =	vst v29  }
0x170: {  	v13 =	vand.u32 $0x7F, v35;
	v3 =	vld.idx.msk [tilespmem:v14+s31+$0x0], $0xffff;
	v35 =	vmul.f32 v26, v9;
	[tilespmem:s9+$0xFFFFFF00] =	vst v31  }
0x171: {  	v36 =	vld [tilespmem:s9+$0xFFFFFF70];
	v37 =	vmul.f32 v28, v9;
	[tilespmem:s9+$0xFFFFFF10] =	vst v33  }
0x172: {  	v15 =	vbroadcast v15, $0x0;
	v39 =	vmul.f32 v30, v9;
	v40 =	vld [tilespmem:s9+$0xFFFFFF90];
	[tilespmem:s9+$0xFFFFFF20] =	vst v35  }
0x173: {  	v41 =	vmul.f32 v32, v9;
	v42 =	vld [tilespmem:s9+$0xFFFFFFA0];
	[tilespmem:s9+$0xFFFFFF30] =	vst v37  }
0x174: {  	v44 =	vld [tilespmem:s9+$0xFFFFFFB0];
	v43 =	vmul.f32 v34, v9;
	[tilespmem:s9+$0xFFFFFF40] =	vst v39  }
0x175: {  	v46 =	vld [tilespmem:s9+$0xFFFFFFC0];
	[tilespmem:s9+$0xFFFFFF50] =	vst v41;
	v27 =	vmul.f32 v17, v19  }
0x176: {  	v50 =	vld [tilespmem:s9+$0xFFFFFFE0];
	[tilespmem:s9+$0xFFFFFF60] =	vst v43;
	v45 =	vmul.f32 v36, v9  }
0x177: {  	v52 =	vld [tilespmem:s9+$0xFFFFFFF0];
	v49 =	vmul.f32 v40, v11;
	[tilespmem:s9+$0xFFFFFEE0] =	vst v27  }
0x178: {  	v2 =	vld.idx.msk [tilespmem:v15+s31+$0x0], $0xffff;
	v51 =	vmul.f32 v42, v11;
	[tilespmem:s9+$0xFFFFFF70] =	vst v45  }
0x179: {  	v14 =	vld [tilespmem:s9+$0x60];
	v53 =	vmul.f32 v44, v11;
	[tilespmem:s9+$0xFFFFFF90] =	vst v49  }
0x17a: {  	v20 =	vld [tilespmem:s9+$0x90];
	v55 =	vmul.f32 v46, v11;
	[tilespmem:s9+$0xFFFFFFA0] =	vst v51  }
0x17b: {  	v22 =	vld [tilespmem:s9+$0xA0];
	v59 =	vmul.f32 v50, v11;
	[tilespmem:s9+$0xFFFFFFB0] =	vst v53  }
0x17c: {  	v24 =	vld [tilespmem:s9+$0xB0];
	v61 =	vmul.f32 v52, v11;
	[tilespmem:s9+$0xFFFFFFC0] =	vst v55  }
0x17d: {  	v48 =	vld [tilespmem:s9+$0xFFFFFFD0];
	v21 =	vmul.f32 v12, v4;
	[tilespmem:s9+$0xFFFFFFE0] =	vst v59  }
0x17e: {  	v54 =	vld [tilespmem:s9+$0x0];
	v23 =	vmul.f32 v14, v4;
	[tilespmem:s9+$0xFFFFFFF0] =	vst v61  }
0x17f: {  	v56 =	vld [tilespmem:s9+$0x10];
	v28 =	vmul.f32 v20, v3;
	[tilespmem:s9+$0x50] =	vst v21  }
0x180: {  	v58 =	vld [tilespmem:s9+$0x20];
	v30 =	vmul.f32 v22, v3;
	[tilespmem:s9+$0x60] =	vst v23  }
0x181: {  	v60 =	vld [tilespmem:s9+$0x30];
	v32 =	vmul.f32 v24, v3;
	[tilespmem:s9+$0x90] =	vst v28  }
0x182: {  	v0 =	vor.u32 v0, v13;
	v62 =	vld [tilespmem:s9+$0x40];
	v57 =	vmul.f32 v48, v11;
	[tilespmem:s9+$0xA0] =	vst v30  }
0x183: {  	v0 =	vbroadcast v0, $0x0;
	v16 =	vld [tilespmem:s9+$0x70];
	v63 =	vmul.f32 v54, v4;
	[tilespmem:s9+$0xB0] =	vst v32  }
0x184: {  	v18 =	vld [tilespmem:s9+$0x80];
	v13 =	vmul.f32 v56, v4;
	[tilespmem:s9+$0xFFFFFFD0] =	vst v57  }
0x185: {  	v25 =	vld [tilespmem:s9+$0xC0];
	v15 =	vmul.f32 v58, v4;
	[tilespmem:s9+$0x0] =	vst v63  }
0x186: {  	v33 =	vld [tilespmem:s9+$0x100];
	v17 =	vmul.f32 v60, v4;
	[tilespmem:s9+$0x10] =	vst v13  }
0x187: {  	v35 =	vld [tilespmem:s9+$0x110];
	v19 =	vmul.f32 v62, v4;
	[tilespmem:s9+$0x20] =	vst v15  }
0x188: {  	v37 =	vld [tilespmem:s9+$0x120];
	v4 =	vmul.f32 v16, v4;
	[tilespmem:s9+$0x30] =	vst v17  }
0x189: {  	v0 =	vld.idx.msk [tilespmem:v0+s31+$0x0], $0xffff;
	v26 =	vmul.f32 v18, v3;
	[tilespmem:s9+$0x40] =	vst v19  }
0x18a: {  	v40 =	vld [tilespmem:s9+$0x140];
	v34 =	vmul.f32 v25, v3;
	[tilespmem:s9+$0x70] =	vst v4  }
0x18b: {  	v42 =	vld [tilespmem:s9+$0x150];
	v41 =	vmul.f32 v33, v2;
	[tilespmem:s9+$0x80] =	vst v26  }
0x18c: {  	v44 =	vld [tilespmem:s9+$0x160];
	v43 =	vmul.f32 v35, v2;
	[tilespmem:s9+$0xC0] =	vst v34  }
0x18d: {  	v50 =	vld [tilespmem:s9+$0x190];
	v45 =	vmul.f32 v37, v2;
	[tilespmem:s9+$0x100] =	vst v41  }
0x18e: {  	v52 =	vld [tilespmem:s9+$0x1A0];
	v7 =	vmul.f32 v38, v0;
	[tilespmem:s9+$0x110] =	vst v43  }
0x18f: {  	v27 =	vld [tilespmem:s9+$0xD0];
	[tilespmem:s9+$0x120] =	vst v45;
	v49 =	vmul.f32 v40, v2  }
0x190: {  	v48 =	vld [tilespmem:s9+$0x180];
	[tilespmem:s9+$0x1F0] =	vst v7;
	v51 =	vmul.f32 v42, v2  }
0x191: {  	v54 =	vld [tilespmem:s9+$0x1B0];
	v53 =	vmul.f32 v44, v2;
	[tilespmem:s9+$0x140] =	vst v49  }
0x192: {  	v55 =	vld [tilespmem:s9+$0x1C0];
	v58 =	vmul.f32 v50, v0;
	[tilespmem:s9+$0x150] =	vst v51  }
0x193: {  	v38 =	vld [tilespmem:s9+$0xFFFFFF80];
	v60 =	vmul.f32 v52, v0;
	[tilespmem:s9+$0x160] =	vst v53  }
0x194: {  	v29 =	vld [tilespmem:s9+$0xE0];
	v36 =	vmul.f32 v27, v3;
	[tilespmem:s9+$0x190] =	vst v58  }
0x195: {  	v31 =	vld [tilespmem:s9+$0xF0];
	v56 =	vmul.f32 v48, v0;
	[tilespmem:s9+$0x1A0] =	vst v60  }
0x196: {  	v57 =	vld [tilespmem:s9+$0x1D0];
	v61 =	vmul.f32 v54, v0;
	[tilespmem:s9+$0xD0] =	vst v36  }
0x197: {  	v59 =	vld [tilespmem:s9+$0x1E0];
	v62 =	vmul.f32 v55, v0;
	[tilespmem:s9+$0x180] =	vst v56  }
0x198: {  	v39 =	vld [tilespmem:s9+$0x130];
	v47 =	vmul.f32 v38, v11;
	[tilespmem:s9+$0x1B0] =	vst v61  }
0x199: {  	v46 =	vld [tilespmem:s9+$0x170];
	v38 =	vmul.f32 v29, v3;
	[tilespmem:s9+$0x1C0] =	vst v62  }
0x19a: {  	v3 =	vmul.f32 v31, v3;
	[tilespmem:s9+$0xFFFFFF80] =	vst v47  }
0x19b: {  	v63 =	vmul.f32 v57, v0;
	[tilespmem:s9+$0xE0] =	vst v38  }
0x19c: {  	p1 =	sne.s32 s20, s10;
	v0 =	vmul.f32 v59, v0;
	[tilespmem:s9+$0xF0] =	vst v3  }
.Ltmp4:
0x19d: {  	v47 =	vmul.f32 v39, v2;
	[tilespmem:s9+$0x1D0] =	vst v63;
	(pc) =	sbr.rel @p1 .LBB2_6-.Ltmp4, $4  }
0x19e: {  	v2 =	vmul.f32 v46, v2;
	[tilespmem:s9+$0x1E0] =	vst v0  }
0x19f: {  	[tilespmem:s9+$0x130] =	vst v47  }
0x1a0: {  	s5 =	sadd.s32 $0x16C80, s21;
	s29 =	sadd.s32 $0x7, s23;
	p0 =	por !p0, !p0;
	[tilespmem:s9+$0x170] =	vst v2  }
0x1a1: {  	[spmem:s3] =	stream.indirect.scatter.add.f32 [tilespmem:s30], [sflag:s29], $0x80, s5, s8, $0xb8;
	[tilespmem:$0x1F080] =	vst v63  }
0x1a2: {  	s5 =	rddreg [dreg:$0xe]  }
0x1a3: {  	_ =	swait.ge [sflag:s5], $0x4000  }
0x1a4: {  	[sflag:s5] =	ssyncset.done $0x0  }
0x1a5: {  	[sflag:s5] =	ssyncadd.s32 $0xFFFFC000  }
0x1a6: {  	[bflag:$0x0] =	sbarrier.arrive $0xFFFF  }
0x1a7: {  	s13 =	rddreg [dreg:$0x9]  }
0x1a8: {  	s29 =	rddreg [dreg:$0xc]  }
0x1a9: {  	s9 =	simm.s32 $0x9;
	s7 =	rddreg [dreg:$0x13]  }
0x1aa: {  	[hbm:s29], [sflag:s13] =	dma.local [spmem:s7], $0x2800  }
0x1ab: {  	_ =	swait.ge [sflag:s9], $0x2800  }
0x1ac: {  	s0 =	sadd.s32 $0x1, s0;
	s30 =	rddreg [dreg:$0xf]  }
0x1ad: {  	p0 =	sne.s32 s0, s30  }
.Ltmp5:
0x1ae: {  	_ = 	snop;
	(pc) =	sbr.rel @p0 .LBB2_1-.Ltmp5, $3  }
0x1af: {  	_ =	sdelay $0x1  }
0x1b0: {  	[sflag:s9] =	ssyncset.done $0x0  }
0x1b1: {  	[sflag:s9] =	ssyncadd.s32 $0xFFFFD800  }
0x1b2: {  	_ =	sfence.sel $0x180000  }
0x1b3: {  	[bflag:$0x0] =	sbarrier.arrive $0xFFFF  }
0x1b4: {  	_ =	strace $0x90000047  }
0x1b5: {  	s0 =	stileid.u32;
	[bflag:$0x2] =	sbarrier.arrive $0xFFFF  }
0x1b6: {  	p0 =	sne.s32 s0, $0x0;
	s0 =	rddreg [dreg:$0x5]  }
0x1b7: {  	s0 =	sadd.s32 @!p0 $0x100000, s0  }
0x1b8: {  	[sflag:s0] =	ssyncadd.tile.s32 @!p0 $0x1;
	_ =	shalt  }
.Lfunc_end2:
_tile_overlayer_lowered:
.L_overlay_start_2:
0x1b9: {  	(tag) =	ssettag $0x2  }
0x1ba: {  	s0 =	rddreg [dreg:$0x0];
	s2 =	stileid.u32  }
0x1bb: {  	s1 =	rddreg [dreg:$0x1];
	p0 =	sne.s32 s2, $0x0  }
0x1bc: {  	s3 =	rddreg [dreg:$0x2];
	[bflag:$0x3] =	sbarrier.arrive $0xFFFF;
	s2 =	simm.s32 @!p0 $0x1C09  }
0x1bd: {  	[timem:s3], [sflag:s2] =	dma.local @!p0 [hbm:s0], s1  }
0x1be: {  	s0 =	simm.s32 @!p0 $0x9  }
0x1bf: {  	_ =	swait.ge @!p0 [sflag:s0], s1  }
0x1c0: {  	s1 =	ssub.s32 @!p0 $0x0, s1;
	[sflag:s0] =	ssyncset.done @!p0 $0x0  }
0x1c1: {  	[sflag:s0] =	ssyncadd.s32 @!p0 s1  }
0x1c2: {  	[bflag:$0x3] =	sbarrier.arrive $0xFFFF  }
0x1c3: {  	_ =	shalt  }

</sc_bundles>
